<compile_context>
chip_gen: v7x
topology: tpu7x:2x2x1
jax: 0.10.2.dev20260603
libtpu: 0.0.44.dev20260713+nightly
codegen_flags: <defaults>
</compile_context>

<pallas_src>
import functools
import math

import jax
import jax.numpy as jnp
from jax import lax
from jax.experimental import pallas as pl
from jax.experimental.pallas import tpu as pltpu
from jax.experimental.pallas import tpu_sc as plsc

D_MODEL = 64
D_PAD = 128
S_LEN = 200
BL = 128
NG = 4
SCALE = math.sqrt(D_MODEL)
LANES = 16

_INFO = plsc.get_sparse_core_info()
_NC = _INFO.num_cores
_NS = _INFO.num_subcores
_NW = _NC * _NS


@functools.lru_cache(maxsize=None)
def _build_gather(n_b: int, vocab: int):
    assert n_b == _NW * BL
    assert S_LEN % NG == 0
    n_iters = S_LEN // NG

    mesh = plsc.VectorSubcoreMesh(core_axis_name="c", subcore_axis_name="s")

    @functools.partial(
        pl.kernel,
        mesh=mesh,
        out_type=jax.ShapeDtypeStruct((S_LEN, D_MODEL, n_b), jnp.float32),
        scratch_types=[pltpu.VMEM((S_LEN * BL,), jnp.int32)]
        + [pltpu.VMEM((BL, D_PAD), jnp.float32)] * NG
        + [pltpu.VMEM((D_MODEL, BL), jnp.float32)] * 2
        + [pltpu.SemaphoreType.DMA] * (NG + 2),
        compiler_params=pltpu.CompilerParams(needs_layout_passes=False),
    )
    def gather_kernel(idx_hbm, table_hbm, out_hbm, ibuf, *bufs_and_sems):
        gbufs = bufs_and_sems[:NG]
        tbufs = bufs_and_sems[NG:NG + 2]
        sg = bufs_and_sems[NG + 2:2 * NG + 2]
        sw = bufs_and_sems[2 * NG + 2:2 * NG + 4]

        wid = lax.axis_index("s") * _NC + lax.axis_index("c")

        pltpu.sync_copy(idx_hbm.at[pl.ds(wid * (S_LEN * BL), S_LEN * BL)],
                        ibuf)

        def fire_gather(s, slot):
            pltpu.async_copy(table_hbm.at[ibuf.at[pl.ds(s * BL, BL)]],
                             gbufs[slot], sg[slot])

        def wait_gather(slot):
            pltpu.make_async_copy(table_hbm.at[pl.ds(0, BL)], gbufs[slot],
                                  sg[slot]).wait()

        def transpose_scale(g, o):
            base_rows = lax.iota(jnp.int32, LANES)

            @plsc.parallel_loop(0, BL, unroll=16)
            def _(r):
                rowv = jnp.full((LANES,), r, jnp.int32)
                for k in range(D_MODEL // LANES):
                    v = g[r, pl.ds(k * LANES, LANES)]
                    plsc.store_scatter(o, [base_rows + k * LANES, rowv],
                                       v * SCALE)

        def fire_write(s, tslot):
            pltpu.async_copy(tbufs[tslot],
                             out_hbm.at[s, :, pl.ds(wid * BL, BL)],
                             sw[tslot])

        def wait_write(tslot):
            pltpu.make_async_copy(table_hbm.at[pl.ds(0, D_MODEL)],
                                  tbufs[tslot], sw[tslot]).wait()

        for s in range(NG - 1):
            fire_gather(s, s)

        def loop_body(t, carry):
            for p in range(NG):
                c = NG * t + p
                nxt = (p + NG - 1) % NG

                @pl.when(c + NG - 1 < S_LEN)
                def _():
                    fire_gather(c + NG - 1, nxt)

                wait_gather(p)
                tslot = p % 2
                if p < 2:
                    @pl.when(t > 0)
                    def _():
                        wait_write(tslot)
                else:
                    wait_write(tslot)
                transpose_scale(gbufs[p], tbufs[tslot])
                fire_write(c, tslot)
            return carry

        lax.fori_loop(0, n_iters, loop_body, 0)

        wait_write(0)
        wait_write(1)

    return gather_kernel


def kernel(x, table):
    n_b, s = x.shape
    vocab, d = table.shape
    assert d == D_MODEL and s == S_LEN and n_b == _NW * BL
    xw = (x.astype(jnp.int32)
          .reshape(_NW, BL, S_LEN)
          .transpose(0, 2, 1)
          .reshape(-1))
    tpad = jnp.pad(table, ((0, 0), (0, D_PAD - D_MODEL)))
    outT = _build_gather(n_b, vocab)(xw, tpad)
    return outT.transpose(2, 0, 1)

# --- scband reference (transcript-rebuilt; emitter-appended) ---
"""Pipeline reference for scband-tsembedding-53678501265885 (READ-ONLY COPY).

The authoritative reference and input builder live on the scoring server;
editing this copy changes nothing except your own understanding.
"""

import jax, jax.numpy as jnp
import numpy as np
import math

VOCAB_SIZE = 1000000
D_MODEL = 64

def setup_inputs(seed: int = 0) -> dict:
    key = jax.random.key(seed)
    k_idx, k_tab = jax.random.split(key)
    x = jax.random.randint(k_idx, (4096, 200), 0, VOCAB_SIZE, dtype=jnp.int64 if jax.config.jax_enable_x64 else jnp.int32)
    table = jax.random.normal(k_tab, (VOCAB_SIZE, D_MODEL), dtype=jnp.float32)
    return {"x": x, "table": table}

def reference(x, table):
    # TSEmbedding.forward: lut(x) * sqrt(d_model)
    emb = jnp.take(table, x, axis=0)
    return emb * math.sqrt(D_MODEL)

if __name__ == "__main__":
    import jax
    _d = setup_inputs()
    print(jax.jit(kernel)(*tuple(_d.values())))

</pallas_src>

<mosaic_0001>
#map = affine_map<(d0, d1) -> (0)>
#map1 = affine_map<(d0, d1) -> (0, 0)>
#map2 = affine_map<(d0, d1) -> (0, 0, 0)>
module attributes {stable_mosaic.version = 14 : i64} {
  func.func @gather_kernel(%arg0: i32, %arg1: i32, %arg2: memref<819200xi32, #tpu.memory_space<hbm>>, %arg3: memref<1000000x128xf32, #tpu.memory_space<hbm>>, %arg4: memref<200x64x4096xf32, #tpu.memory_space<hbm>>, %arg5: memref<25600xi32, #tpu.memory_space<vmem>>, %arg6: memref<128x128xf32, #tpu.memory_space<vmem>>, %arg7: memref<128x128xf32, #tpu.memory_space<vmem>>, %arg8: memref<128x128xf32, #tpu.memory_space<vmem>>, %arg9: memref<128x128xf32, #tpu.memory_space<vmem>>, %arg10: memref<64x128xf32, #tpu.memory_space<vmem>>, %arg11: memref<64x128xf32, #tpu.memory_space<vmem>>, %arg12: memref<!tpu.dma_semaphore, #tpu.memory_space<semaphore_mem>>, %arg13: memref<!tpu.dma_semaphore, #tpu.memory_space<semaphore_mem>>, %arg14: memref<!tpu.dma_semaphore, #tpu.memory_space<semaphore_mem>>, %arg15: memref<!tpu.dma_semaphore, #tpu.memory_space<semaphore_mem>>, %arg16: memref<!tpu.dma_semaphore, #tpu.memory_space<semaphore_mem>>, %arg17: memref<!tpu.dma_semaphore, #tpu.memory_space<semaphore_mem>>) attributes {dimension_semantics = [#tpu.dimension_semantics<core_parallel>, #tpu.dimension_semantics<subcore_parallel>], iteration_bounds = array<i64: 2, 16>, scalar_prefetch = 0 : i64, scratch_operands = 13 : i64, tpu.core_type = #tpu.core_type<sc_vector_subcore>, window_params = [{transform_indices = #map}, {transform_indices = #map1}, {transform_indices = #map2}]} {
    %mul3A = arith.constant 2 : i32
    %mul3A_0 = arith.muli %arg1, %mul3A : i32
    %add3A = arith.addi %mul3A_0, %arg0 : i32
    %mul3A_1 = arith.constant 25600 : i32
    %mul3A_2 = arith.muli %add3A, %mul3A_1 : i32
    "tpu.region"() ({
      %run_scoped3A = tpu.sem_alloc : memref<!tpu.dma_semaphore, #tpu.memory_space<semaphore_mem>>
      %dma_start3A_33 = tpu.memref_slice %arg2[%mul3A_2] : memref<819200xi32, #tpu.memory_space<hbm>> -> memref<25600xi32, #tpu.memory_space<hbm>>
      %dma_start3A_34 = tpu.memref_slice %arg2[%mul3A_2] : memref<819200xi32, #tpu.memory_space<hbm>> -> memref<25600xi32, #tpu.memory_space<hbm>>
      tpu.enqueue_dma source(%dma_start3A_34 : memref<25600xi32, #tpu.memory_space<hbm>>) target(%arg5 : memref<25600xi32, #tpu.memory_space<vmem>>) target_semaphore(%run_scoped3A : memref<!tpu.dma_semaphore, #tpu.memory_space<semaphore_mem>>)
      %dma_wait3A_35 = tpu.memref_slice %arg2[%mul3A_2] : memref<819200xi32, #tpu.memory_space<hbm>> -> memref<25600xi32, #tpu.memory_space<hbm>>
      %dma_wait3A_36 = tpu.memref_slice %arg2[%mul3A_2] : memref<819200xi32, #tpu.memory_space<hbm>> -> memref<25600xi32, #tpu.memory_space<hbm>>
      tpu.wait_dma2 semaphore(%run_scoped3A : memref<!tpu.dma_semaphore, #tpu.memory_space<semaphore_mem>>) src(%dma_wait3A_36 : memref<25600xi32, #tpu.memory_space<hbm>>) dst(%arg5 : memref<25600xi32, #tpu.memory_space<vmem>>)
      tpu.yield
    }) : () -> ()
    %dma_start3A = arith.constant 0 : i32
    %dma_start3A_3 = tpu.memref_slice %arg5[%dma_start3A] : memref<25600xi32, #tpu.memory_space<vmem>> -> memref<128xi32, #tpu.memory_space<vmem>>
    %dma_start3A_4 = arith.constant 0 : i32
    %dma_start3A_5 = arith.constant 0 : i32
    %dma_start3A_6 = tpu.memref_slice %arg3[%dma_start3A_4, %dma_start3A_5] : memref<1000000x128xf32, #tpu.memory_space<hbm>> -> memref<1000000x128xf32, #tpu.memory_space<hbm>>
    tpu.enqueue_indirect_dma source(%dma_start3A_6 : memref<1000000x128xf32, #tpu.memory_space<hbm>>) target(%arg6 : memref<128x128xf32, #tpu.memory_space<vmem>>) offsets(%dma_start3A_3 : memref<128xi32, #tpu.memory_space<vmem>>) semaphore(%arg12 : memref<!tpu.dma_semaphore, #tpu.memory_space<semaphore_mem>>)
    %dma_start3A_7 = arith.constant 128 : i32
    %dma_start3A_8 = tpu.memref_slice %arg5[%dma_start3A_7] : memref<25600xi32, #tpu.memory_space<vmem>> -> memref<128xi32, #tpu.memory_space<vmem>>
    %dma_start3A_9 = arith.constant 0 : i32
    %dma_start3A_10 = arith.constant 0 : i32
    %dma_start3A_11 = tpu.memref_slice %arg3[%dma_start3A_9, %dma_start3A_10] : memref<1000000x128xf32, #tpu.memory_space<hbm>> -> memref<1000000x128xf32, #tpu.memory_space<hbm>>
    tpu.enqueue_indirect_dma source(%dma_start3A_11 : memref<1000000x128xf32, #tpu.memory_space<hbm>>) target(%arg7 : memref<128x128xf32, #tpu.memory_space<vmem>>) offsets(%dma_start3A_8 : memref<128xi32, #tpu.memory_space<vmem>>) semaphore(%arg13 : memref<!tpu.dma_semaphore, #tpu.memory_space<semaphore_mem>>)
    %dma_start3A_12 = arith.constant 256 : i32
    %dma_start3A_13 = tpu.memref_slice %arg5[%dma_start3A_12] : memref<25600xi32, #tpu.memory_space<vmem>> -> memref<128xi32, #tpu.memory_space<vmem>>
    %dma_start3A_14 = arith.constant 0 : i32
    %dma_start3A_15 = arith.constant 0 : i32
    %dma_start3A_16 = tpu.memref_slice %arg3[%dma_start3A_14, %dma_start3A_15] : memref<1000000x128xf32, #tpu.memory_space<hbm>> -> memref<1000000x128xf32, #tpu.memory_space<hbm>>
    tpu.enqueue_indirect_dma source(%dma_start3A_16 : memref<1000000x128xf32, #tpu.memory_space<hbm>>) target(%arg8 : memref<128x128xf32, #tpu.memory_space<vmem>>) offsets(%dma_start3A_13 : memref<128xi32, #tpu.memory_space<vmem>>) semaphore(%arg14 : memref<!tpu.dma_semaphore, #tpu.memory_space<semaphore_mem>>)
    %scan3A = arith.constant 0 : i32
    %scan3A_17 = arith.constant 0 : i32
    %scan3A_18 = arith.constant 50 : i32
    %scan3A_19 = arith.addi %scan3A_17, %scan3A_18 : i32
    %scan3A_20 = arith.constant 1 : i32
    scf.for %scan3A_33 = %scan3A_17 to %scan3A_19 step %scan3A_20  : i32 {
      %mul3A_34 = arith.constant 4 : i32
      %mul3A_35 = arith.muli %mul3A_34, %scan3A_33 : i32
      %add3A_36 = arith.constant 0 : i32
      %add3A_37 = arith.addi %mul3A_35, %add3A_36 : i32
      %add3A_38 = arith.constant 4 : i32
      %add3A_39 = arith.addi %add3A_37, %add3A_38 : i32
      %sub3A = arith.constant 1 : i32
      %sub3A_40 = arith.subi %add3A_39, %sub3A : i32
      %lt3A = arith.constant 200 : i32
      %lt3A_41 = arith.cmpi slt, %sub3A_40, %lt3A : i32
      %convert_element_type3A = arith.extui %lt3A_41 : i1 to i32
      %cond3A = arith.constant 0 : i32
      %cond3A_42 = arith.cmpi ne, %convert_element_type3A, %cond3A : i32
      scf.if %cond3A_42 {
        %add3A_173 = arith.constant 4 : i32
        %add3A_174 = arith.addi %add3A_37, %add3A_173 : i32
        %sub3A_175 = arith.constant 1 : i32
        %sub3A_176 = arith.subi %add3A_174, %sub3A_175 : i32
        %mul3A_177 = arith.constant 128 : i32
        %mul3A_178 = arith.muli %sub3A_176, %mul3A_177 : i32
        %dma_start3A_179 = tpu.memref_slice %arg5[%mul3A_178] : memref<25600xi32, #tpu.memory_space<vmem>> -> memref<128xi32, #tpu.memory_space<vmem>>
        %dma_start3A_180 = arith.constant 0 : i32
        %dma_start3A_181 = arith.constant 0 : i32
        %dma_start3A_182 = tpu.memref_slice %arg3[%dma_start3A_180, %dma_start3A_181] : memref<1000000x128xf32, #tpu.memory_space<hbm>> -> memref<1000000x128xf32, #tpu.memory_space<hbm>>
        tpu.enqueue_indirect_dma source(%dma_start3A_182 : memref<1000000x128xf32, #tpu.memory_space<hbm>>) target(%arg9 : memref<128x128xf32, #tpu.memory_space<vmem>>) offsets(%dma_start3A_179 : memref<128xi32, #tpu.memory_space<vmem>>) semaphore(%arg15 : memref<!tpu.dma_semaphore, #tpu.memory_space<semaphore_mem>>)
      } else {
      }
      %dma_wait3A_43 = arith.constant 0 : i32
      %dma_wait3A_44 = arith.constant 0 : i32
      %dma_wait3A_45 = tpu.memref_slice %arg3[%dma_wait3A_43, %dma_wait3A_44] : memref<1000000x128xf32, #tpu.memory_space<hbm>> -> memref<128x128xf32, #tpu.memory_space<hbm>>
      %dma_wait3A_46 = arith.constant 0 : i32
      %dma_wait3A_47 = arith.constant 0 : i32
      %dma_wait3A_48 = tpu.memref_slice %arg3[%dma_wait3A_46, %dma_wait3A_47] : memref<1000000x128xf32, #tpu.memory_space<hbm>> -> memref<128x128xf32, #tpu.memory_space<hbm>>
      tpu.wait_dma2 semaphore(%arg12 : memref<!tpu.dma_semaphore, #tpu.memory_space<semaphore_mem>>) src(%dma_wait3A_48 : memref<128x128xf32, #tpu.memory_space<hbm>>) dst(%arg6 : memref<128x128xf32, #tpu.memory_space<vmem>>)
      %gt3A = arith.constant 0 : i32
      %gt3A_49 = arith.cmpi sgt, %scan3A_33, %gt3A : i32
      %convert_element_type3A_50 = arith.extui %gt3A_49 : i1 to i32
      %cond3A_51 = arith.constant 0 : i32
      %cond3A_52 = arith.cmpi ne, %convert_element_type3A_50, %cond3A_51 : i32
      scf.if %cond3A_52 {
        %dma_wait3A_173 = arith.constant 0 : i32
        %dma_wait3A_174 = arith.constant 0 : i32
        %dma_wait3A_175 = tpu.memref_slice %arg3[%dma_wait3A_173, %dma_wait3A_174] : memref<1000000x128xf32, #tpu.memory_space<hbm>> -> memref<64x128xf32, #tpu.memory_space<hbm>>
        %dma_wait3A_176 = arith.constant 0 : i32
        %dma_wait3A_177 = arith.constant 0 : i32
        %dma_wait3A_178 = tpu.memref_slice %arg3[%dma_wait3A_176, %dma_wait3A_177] : memref<1000000x128xf32, #tpu.memory_space<hbm>> -> memref<64x128xf32, #tpu.memory_space<hbm>>
        tpu.wait_dma2 semaphore(%arg16 : memref<!tpu.dma_semaphore, #tpu.memory_space<semaphore_mem>>) src(%dma_wait3A_178 : memref<64x128xf32, #tpu.memory_space<hbm>>) dst(%arg10 : memref<64x128xf32, #tpu.memory_space<vmem>>)
      } else {
      }
      %iota3A = tpu.iota {dimensions = array<i32: 0>} : vector<16xi32>
      %parallel_loop3A = arith.constant 0 : i32
      %parallel_loop3A_53 = arith.constant 128 : i32
      %parallel_loop3A_54 = arith.constant 1 : i32
      scf.for %parallel_loop3A_173 = %parallel_loop3A to %parallel_loop3A_53 step %parallel_loop3A_54  : i32 {
        %parallel_loop3A_174 = vector.broadcast %parallel_loop3A_173 : i32 to vector<16xi32>
        %parallel_loop3A_175 = arith.index_cast %parallel_loop3A_173 : i32 to index
        %parallel_loop3A_176 = arith.constant 0 : index
        %parallel_loop3A_177 = tpu.vector_load %arg6[%parallel_loop3A_175, %parallel_loop3A_176] {strides = array<i32>} : memref<128x128xf32, #tpu.memory_space<vmem>>, vector<16xf32>,
        %parallel_loop3A_178 = arith.constant 0 : i32
        %parallel_loop3A_179 = vector.broadcast %parallel_loop3A_178 : i32 to vector<16xi32>
        %parallel_loop3A_180 = arith.addi %iota3A, %parallel_loop3A_179 : vector<16xi32>
        %parallel_loop3A_181 = arith.constant 8.000000e+00 : f32
        %parallel_loop3A_182 = vector.broadcast %parallel_loop3A_181 : f32 to vector<16xf32>
        %parallel_loop3A_183 = arith.mulf %parallel_loop3A_177, %parallel_loop3A_182 : vector<16xf32>
        tpu.vector_store_idx %arg10[%parallel_loop3A_180, %parallel_loop3A_174], %parallel_loop3A_183 : memref<64x128xf32, #tpu.memory_space<vmem>>[vector<16xi32>, vector<16xi32>], vector<16xf32>,
        %parallel_loop3A_184 = arith.index_cast %parallel_loop3A_173 : i32 to index
        %parallel_loop3A_185 = arith.constant 16 : index
        %parallel_loop3A_186 = tpu.vector_load %arg6[%parallel_loop3A_184, %parallel_loop3A_185] {strides = array<i32>} : memref<128x128xf32, #tpu.memory_space<vmem>>, vector<16xf32>,
        %parallel_loop3A_187 = arith.constant 16 : i32
        %parallel_loop3A_188 = vector.broadcast %parallel_loop3A_187 : i32 to vector<16xi32>
        %parallel_loop3A_189 = arith.addi %iota3A, %parallel_loop3A_188 : vector<16xi32>
        %parallel_loop3A_190 = arith.constant 8.000000e+00 : f32
        %parallel_loop3A_191 = vector.broadcast %parallel_loop3A_190 : f32 to vector<16xf32>
        %parallel_loop3A_192 = arith.mulf %parallel_loop3A_186, %parallel_loop3A_191 : vector<16xf32>
        tpu.vector_store_idx %arg10[%parallel_loop3A_189, %parallel_loop3A_174], %parallel_loop3A_192 : memref<64x128xf32, #tpu.memory_space<vmem>>[vector<16xi32>, vector<16xi32>], vector<16xf32>,
        %parallel_loop3A_193 = arith.index_cast %parallel_loop3A_173 : i32 to index
        %parallel_loop3A_194 = arith.constant 32 : index
        %parallel_loop3A_195 = tpu.vector_load %arg6[%parallel_loop3A_193, %parallel_loop3A_194] {strides = array<i32>} : memref<128x128xf32, #tpu.memory_space<vmem>>, vector<16xf32>,
        %parallel_loop3A_196 = arith.constant 32 : i32
        %parallel_loop3A_197 = vector.broadcast %parallel_loop3A_196 : i32 to vector<16xi32>
        %parallel_loop3A_198 = arith.addi %iota3A, %parallel_loop3A_197 : vector<16xi32>
        %parallel_loop3A_199 = arith.constant 8.000000e+00 : f32
        %parallel_loop3A_200 = vector.broadcast %parallel_loop3A_199 : f32 to vector<16xf32>
        %parallel_loop3A_201 = arith.mulf %parallel_loop3A_195, %parallel_loop3A_200 : vector<16xf32>
        tpu.vector_store_idx %arg10[%parallel_loop3A_198, %parallel_loop3A_174], %parallel_loop3A_201 : memref<64x128xf32, #tpu.memory_space<vmem>>[vector<16xi32>, vector<16xi32>], vector<16xf32>,
        %parallel_loop3A_202 = arith.index_cast %parallel_loop3A_173 : i32 to index
        %parallel_loop3A_203 = arith.constant 48 : index
        %parallel_loop3A_204 = tpu.vector_load %arg6[%parallel_loop3A_202, %parallel_loop3A_203] {strides = array<i32>} : memref<128x128xf32, #tpu.memory_space<vmem>>, vector<16xf32>,
        %parallel_loop3A_205 = arith.constant 48 : i32
        %parallel_loop3A_206 = vector.broadcast %parallel_loop3A_205 : i32 to vector<16xi32>
        %parallel_loop3A_207 = arith.addi %iota3A, %parallel_loop3A_206 : vector<16xi32>
        %parallel_loop3A_208 = arith.constant 8.000000e+00 : f32
        %parallel_loop3A_209 = vector.broadcast %parallel_loop3A_208 : f32 to vector<16xf32>
        %parallel_loop3A_210 = arith.mulf %parallel_loop3A_204, %parallel_loop3A_209 : vector<16xf32>
        tpu.vector_store_idx %arg10[%parallel_loop3A_207, %parallel_loop3A_174], %parallel_loop3A_210 : memref<64x128xf32, #tpu.memory_space<vmem>>[vector<16xi32>, vector<16xi32>], vector<16xf32>,
      } {sc.loop_unroll_factor = 16 : i64, sc.parallel_access}
      %mul3A_55 = arith.constant 128 : i32
      %mul3A_56 = arith.muli %add3A, %mul3A_55 : i32
      %dma_start3A_57 = arith.constant 0 : i32
      %dma_start3A_58 = tpu.memref_slice %arg4[%add3A_37, %dma_start3A_57, %mul3A_56] : memref<200x64x4096xf32, #tpu.memory_space<hbm>> -> memref<1x64x128xf32, #tpu.memory_space<hbm>>
      %dma_start3A_59 = tpu.memref_squeeze %dma_start3A_58 : memref<1x64x128xf32, #tpu.memory_space<hbm>> -> memref<64x128xf32, #tpu.memory_space<hbm>>
      %dma_start3A_60 = arith.constant 0 : i32
      %dma_start3A_61 = tpu.memref_slice %arg4[%add3A_37, %dma_start3A_60, %mul3A_56] : memref<200x64x4096xf32, #tpu.memory_space<hbm>> -> memref<1x64x128xf32, #tpu.memory_space<hbm>>
      %dma_start3A_62 = tpu.memref_squeeze %dma_start3A_61 : memref<1x64x128xf32, #tpu.memory_space<hbm>> -> memref<64x128xf32, #tpu.memory_space<hbm>>
      tpu.enqueue_dma source(%arg10 : memref<64x128xf32, #tpu.memory_space<vmem>>) target(%dma_start3A_62 : memref<64x128xf32, #tpu.memory_space<hbm>>) target_semaphore(%arg16 : memref<!tpu.dma_semaphore, #tpu.memory_space<semaphore_mem>>)
      %mul3A_63 = arith.constant 4 : i32
      %mul3A_64 = arith.muli %mul3A_63, %scan3A_33 : i32
      %add3A_65 = arith.constant 1 : i32
      %add3A_66 = arith.addi %mul3A_64, %add3A_65 : i32
      %add3A_67 = arith.constant 4 : i32
      %add3A_68 = arith.addi %add3A_66, %add3A_67 : i32
      %sub3A_69 = arith.constant 1 : i32
      %sub3A_70 = arith.subi %add3A_68, %sub3A_69 : i32
      %lt3A_71 = arith.constant 200 : i32
      %lt3A_72 = arith.cmpi slt, %sub3A_70, %lt3A_71 : i32
      %convert_element_type3A_73 = arith.extui %lt3A_72 : i1 to i32
      %cond3A_74 = arith.constant 0 : i32
      %cond3A_75 = arith.cmpi ne, %convert_element_type3A_73, %cond3A_74 : i32
      scf.if %cond3A_75 {
        %add3A_173 = arith.constant 4 : i32
        %add3A_174 = arith.addi %add3A_66, %add3A_173 : i32
        %sub3A_175 = arith.constant 1 : i32
        %sub3A_176 = arith.subi %add3A_174, %sub3A_175 : i32
        %mul3A_177 = arith.constant 128 : i32
        %mul3A_178 = arith.muli %sub3A_176, %mul3A_177 : i32
        %dma_start3A_179 = tpu.memref_slice %arg5[%mul3A_178] : memref<25600xi32, #tpu.memory_space<vmem>> -> memref<128xi32, #tpu.memory_space<vmem>>
        %dma_start3A_180 = arith.constant 0 : i32
        %dma_start3A_181 = arith.constant 0 : i32
        %dma_start3A_182 = tpu.memref_slice %arg3[%dma_start3A_180, %dma_start3A_181] : memref<1000000x128xf32, #tpu.memory_space<hbm>> -> memref<1000000x128xf32, #tpu.memory_space<hbm>>
        tpu.enqueue_indirect_dma source(%dma_start3A_182 : memref<1000000x128xf32, #tpu.memory_space<hbm>>) target(%arg6 : memref<128x128xf32, #tpu.memory_space<vmem>>) offsets(%dma_start3A_179 : memref<128xi32, #tpu.memory_space<vmem>>) semaphore(%arg12 : memref<!tpu.dma_semaphore, #tpu.memory_space<semaphore_mem>>)
      } else {
      }
      %dma_wait3A_76 = arith.constant 0 : i32
      %dma_wait3A_77 = arith.constant 0 : i32
      %dma_wait3A_78 = tpu.memref_slice %arg3[%dma_wait3A_76, %dma_wait3A_77] : memref<1000000x128xf32, #tpu.memory_space<hbm>> -> memref<128x128xf32, #tpu.memory_space<hbm>>
      %dma_wait3A_79 = arith.constant 0 : i32
      %dma_wait3A_80 = arith.constant 0 : i32
      %dma_wait3A_81 = tpu.memref_slice %arg3[%dma_wait3A_79, %dma_wait3A_80] : memref<1000000x128xf32, #tpu.memory_space<hbm>> -> memref<128x128xf32, #tpu.memory_space<hbm>>
      tpu.wait_dma2 semaphore(%arg13 : memref<!tpu.dma_semaphore, #tpu.memory_space<semaphore_mem>>) src(%dma_wait3A_81 : memref<128x128xf32, #tpu.memory_space<hbm>>) dst(%arg7 : memref<128x128xf32, #tpu.memory_space<vmem>>)
      %gt3A_82 = arith.constant 0 : i32
      %gt3A_83 = arith.cmpi sgt, %scan3A_33, %gt3A_82 : i32
      %convert_element_type3A_84 = arith.extui %gt3A_83 : i1 to i32
      %cond3A_85 = arith.constant 0 : i32
      %cond3A_86 = arith.cmpi ne, %convert_element_type3A_84, %cond3A_85 : i32
      scf.if %cond3A_86 {
        %dma_wait3A_173 = arith.constant 0 : i32
        %dma_wait3A_174 = arith.constant 0 : i32
        %dma_wait3A_175 = tpu.memref_slice %arg3[%dma_wait3A_173, %dma_wait3A_174] : memref<1000000x128xf32, #tpu.memory_space<hbm>> -> memref<64x128xf32, #tpu.memory_space<hbm>>
        %dma_wait3A_176 = arith.constant 0 : i32
        %dma_wait3A_177 = arith.constant 0 : i32
        %dma_wait3A_178 = tpu.memref_slice %arg3[%dma_wait3A_176, %dma_wait3A_177] : memref<1000000x128xf32, #tpu.memory_space<hbm>> -> memref<64x128xf32, #tpu.memory_space<hbm>>
        tpu.wait_dma2 semaphore(%arg17 : memref<!tpu.dma_semaphore, #tpu.memory_space<semaphore_mem>>) src(%dma_wait3A_178 : memref<64x128xf32, #tpu.memory_space<hbm>>) dst(%arg11 : memref<64x128xf32, #tpu.memory_space<vmem>>)
      } else {
      }
      %iota3A_87 = tpu.iota {dimensions = array<i32: 0>} : vector<16xi32>
      %parallel_loop3A_88 = arith.constant 0 : i32
      %parallel_loop3A_89 = arith.constant 128 : i32
      %parallel_loop3A_90 = arith.constant 1 : i32
      scf.for %parallel_loop3A_173 = %parallel_loop3A_88 to %parallel_loop3A_89 step %parallel_loop3A_90  : i32 {
        %parallel_loop3A_174 = vector.broadcast %parallel_loop3A_173 : i32 to vector<16xi32>
        %parallel_loop3A_175 = arith.index_cast %parallel_loop3A_173 : i32 to index
        %parallel_loop3A_176 = arith.constant 0 : index
        %parallel_loop3A_177 = tpu.vector_load %arg7[%parallel_loop3A_175, %parallel_loop3A_176] {strides = array<i32>} : memref<128x128xf32, #tpu.memory_space<vmem>>, vector<16xf32>,
        %parallel_loop3A_178 = arith.constant 0 : i32
        %parallel_loop3A_179 = vector.broadcast %parallel_loop3A_178 : i32 to vector<16xi32>
        %parallel_loop3A_180 = arith.addi %iota3A_87, %parallel_loop3A_179 : vector<16xi32>
        %parallel_loop3A_181 = arith.constant 8.000000e+00 : f32
        %parallel_loop3A_182 = vector.broadcast %parallel_loop3A_181 : f32 to vector<16xf32>
        %parallel_loop3A_183 = arith.mulf %parallel_loop3A_177, %parallel_loop3A_182 : vector<16xf32>
        tpu.vector_store_idx %arg11[%parallel_loop3A_180, %parallel_loop3A_174], %parallel_loop3A_183 : memref<64x128xf32, #tpu.memory_space<vmem>>[vector<16xi32>, vector<16xi32>], vector<16xf32>,
        %parallel_loop3A_184 = arith.index_cast %parallel_loop3A_173 : i32 to index
        %parallel_loop3A_185 = arith.constant 16 : index
        %parallel_loop3A_186 = tpu.vector_load %arg7[%parallel_loop3A_184, %parallel_loop3A_185] {strides = array<i32>} : memref<128x128xf32, #tpu.memory_space<vmem>>, vector<16xf32>,
        %parallel_loop3A_187 = arith.constant 16 : i32
        %parallel_loop3A_188 = vector.broadcast %parallel_loop3A_187 : i32 to vector<16xi32>
        %parallel_loop3A_189 = arith.addi %iota3A_87, %parallel_loop3A_188 : vector<16xi32>
        %parallel_loop3A_190 = arith.constant 8.000000e+00 : f32
        %parallel_loop3A_191 = vector.broadcast %parallel_loop3A_190 : f32 to vector<16xf32>
        %parallel_loop3A_192 = arith.mulf %parallel_loop3A_186, %parallel_loop3A_191 : vector<16xf32>
        tpu.vector_store_idx %arg11[%parallel_loop3A_189, %parallel_loop3A_174], %parallel_loop3A_192 : memref<64x128xf32, #tpu.memory_space<vmem>>[vector<16xi32>, vector<16xi32>], vector<16xf32>,
        %parallel_loop3A_193 = arith.index_cast %parallel_loop3A_173 : i32 to index
        %parallel_loop3A_194 = arith.constant 32 : index
        %parallel_loop3A_195 = tpu.vector_load %arg7[%parallel_loop3A_193, %parallel_loop3A_194] {strides = array<i32>} : memref<128x128xf32, #tpu.memory_space<vmem>>, vector<16xf32>,
        %parallel_loop3A_196 = arith.constant 32 : i32
        %parallel_loop3A_197 = vector.broadcast %parallel_loop3A_196 : i32 to vector<16xi32>
        %parallel_loop3A_198 = arith.addi %iota3A_87, %parallel_loop3A_197 : vector<16xi32>
        %parallel_loop3A_199 = arith.constant 8.000000e+00 : f32
        %parallel_loop3A_200 = vector.broadcast %parallel_loop3A_199 : f32 to vector<16xf32>
        %parallel_loop3A_201 = arith.mulf %parallel_loop3A_195, %parallel_loop3A_200 : vector<16xf32>
        tpu.vector_store_idx %arg11[%parallel_loop3A_198, %parallel_loop3A_174], %parallel_loop3A_201 : memref<64x128xf32, #tpu.memory_space<vmem>>[vector<16xi32>, vector<16xi32>], vector<16xf32>,
        %parallel_loop3A_202 = arith.index_cast %parallel_loop3A_173 : i32 to index
        %parallel_loop3A_203 = arith.constant 48 : index
        %parallel_loop3A_204 = tpu.vector_load %arg7[%parallel_loop3A_202, %parallel_loop3A_203] {strides = array<i32>} : memref<128x128xf32, #tpu.memory_space<vmem>>, vector<16xf32>,
        %parallel_loop3A_205 = arith.constant 48 : i32
        %parallel_loop3A_206 = vector.broadcast %parallel_loop3A_205 : i32 to vector<16xi32>
        %parallel_loop3A_207 = arith.addi %iota3A_87, %parallel_loop3A_206 : vector<16xi32>
        %parallel_loop3A_208 = arith.constant 8.000000e+00 : f32
        %parallel_loop3A_209 = vector.broadcast %parallel_loop3A_208 : f32 to vector<16xf32>
        %parallel_loop3A_210 = arith.mulf %parallel_loop3A_204, %parallel_loop3A_209 : vector<16xf32>
        tpu.vector_store_idx %arg11[%parallel_loop3A_207, %parallel_loop3A_174], %parallel_loop3A_210 : memref<64x128xf32, #tpu.memory_space<vmem>>[vector<16xi32>, vector<16xi32>], vector<16xf32>,
      } {sc.loop_unroll_factor = 16 : i64, sc.parallel_access}
      %mul3A_91 = arith.constant 128 : i32
      %mul3A_92 = arith.muli %add3A, %mul3A_91 : i32
      %dma_start3A_93 = arith.constant 0 : i32
      %dma_start3A_94 = tpu.memref_slice %arg4[%add3A_66, %dma_start3A_93, %mul3A_92] : memref<200x64x4096xf32, #tpu.memory_space<hbm>> -> memref<1x64x128xf32, #tpu.memory_space<hbm>>
      %dma_start3A_95 = tpu.memref_squeeze %dma_start3A_94 : memref<1x64x128xf32, #tpu.memory_space<hbm>> -> memref<64x128xf32, #tpu.memory_space<hbm>>
      %dma_start3A_96 = arith.constant 0 : i32
      %dma_start3A_97 = tpu.memref_slice %arg4[%add3A_66, %dma_start3A_96, %mul3A_92] : memref<200x64x4096xf32, #tpu.memory_space<hbm>> -> memref<1x64x128xf32, #tpu.memory_space<hbm>>
      %dma_start3A_98 = tpu.memref_squeeze %dma_start3A_97 : memref<1x64x128xf32, #tpu.memory_space<hbm>> -> memref<64x128xf32, #tpu.memory_space<hbm>>
      tpu.enqueue_dma source(%arg11 : memref<64x128xf32, #tpu.memory_space<vmem>>) target(%dma_start3A_98 : memref<64x128xf32, #tpu.memory_space<hbm>>) target_semaphore(%arg17 : memref<!tpu.dma_semaphore, #tpu.memory_space<semaphore_mem>>)
      %mul3A_99 = arith.constant 4 : i32
      %mul3A_100 = arith.muli %mul3A_99, %scan3A_33 : i32
      %add3A_101 = arith.constant 2 : i32
      %add3A_102 = arith.addi %mul3A_100, %add3A_101 : i32
      %add3A_103 = arith.constant 4 : i32
      %add3A_104 = arith.addi %add3A_102, %add3A_103 : i32
      %sub3A_105 = arith.constant 1 : i32
      %sub3A_106 = arith.subi %add3A_104, %sub3A_105 : i32
      %lt3A_107 = arith.constant 200 : i32
      %lt3A_108 = arith.cmpi slt, %sub3A_106, %lt3A_107 : i32
      %convert_element_type3A_109 = arith.extui %lt3A_108 : i1 to i32
      %cond3A_110 = arith.constant 0 : i32
      %cond3A_111 = arith.cmpi ne, %convert_element_type3A_109, %cond3A_110 : i32
      scf.if %cond3A_111 {
        %add3A_173 = arith.constant 4 : i32
        %add3A_174 = arith.addi %add3A_102, %add3A_173 : i32
        %sub3A_175 = arith.constant 1 : i32
        %sub3A_176 = arith.subi %add3A_174, %sub3A_175 : i32
        %mul3A_177 = arith.constant 128 : i32
        %mul3A_178 = arith.muli %sub3A_176, %mul3A_177 : i32
        %dma_start3A_179 = tpu.memref_slice %arg5[%mul3A_178] : memref<25600xi32, #tpu.memory_space<vmem>> -> memref<128xi32, #tpu.memory_space<vmem>>
        %dma_start3A_180 = arith.constant 0 : i32
        %dma_start3A_181 = arith.constant 0 : i32
        %dma_start3A_182 = tpu.memref_slice %arg3[%dma_start3A_180, %dma_start3A_181] : memref<1000000x128xf32, #tpu.memory_space<hbm>> -> memref<1000000x128xf32, #tpu.memory_space<hbm>>
        tpu.enqueue_indirect_dma source(%dma_start3A_182 : memref<1000000x128xf32, #tpu.memory_space<hbm>>) target(%arg7 : memref<128x128xf32, #tpu.memory_space<vmem>>) offsets(%dma_start3A_179 : memref<128xi32, #tpu.memory_space<vmem>>) semaphore(%arg13 : memref<!tpu.dma_semaphore, #tpu.memory_space<semaphore_mem>>)
      } else {
      }
      %dma_wait3A_112 = arith.constant 0 : i32
      %dma_wait3A_113 = arith.constant 0 : i32
      %dma_wait3A_114 = tpu.memref_slice %arg3[%dma_wait3A_112, %dma_wait3A_113] : memref<1000000x128xf32, #tpu.memory_space<hbm>> -> memref<128x128xf32, #tpu.memory_space<hbm>>
      %dma_wait3A_115 = arith.constant 0 : i32
      %dma_wait3A_116 = arith.constant 0 : i32
      %dma_wait3A_117 = tpu.memref_slice %arg3[%dma_wait3A_115, %dma_wait3A_116] : memref<1000000x128xf32, #tpu.memory_space<hbm>> -> memref<128x128xf32, #tpu.memory_space<hbm>>
      tpu.wait_dma2 semaphore(%arg14 : memref<!tpu.dma_semaphore, #tpu.memory_space<semaphore_mem>>) src(%dma_wait3A_117 : memref<128x128xf32, #tpu.memory_space<hbm>>) dst(%arg8 : memref<128x128xf32, #tpu.memory_space<vmem>>)
      %dma_wait3A_118 = arith.constant 0 : i32
      %dma_wait3A_119 = arith.constant 0 : i32
      %dma_wait3A_120 = tpu.memref_slice %arg3[%dma_wait3A_118, %dma_wait3A_119] : memref<1000000x128xf32, #tpu.memory_space<hbm>> -> memref<64x128xf32, #tpu.memory_space<hbm>>
      %dma_wait3A_121 = arith.constant 0 : i32
      %dma_wait3A_122 = arith.constant 0 : i32
      %dma_wait3A_123 = tpu.memref_slice %arg3[%dma_wait3A_121, %dma_wait3A_122] : memref<1000000x128xf32, #tpu.memory_space<hbm>> -> memref<64x128xf32, #tpu.memory_space<hbm>>
      tpu.wait_dma2 semaphore(%arg16 : memref<!tpu.dma_semaphore, #tpu.memory_space<semaphore_mem>>) src(%dma_wait3A_123 : memref<64x128xf32, #tpu.memory_space<hbm>>) dst(%arg10 : memref<64x128xf32, #tpu.memory_space<vmem>>)
      %iota3A_124 = tpu.iota {dimensions = array<i32: 0>} : vector<16xi32>
      %parallel_loop3A_125 = arith.constant 0 : i32
      %parallel_loop3A_126 = arith.constant 128 : i32
      %parallel_loop3A_127 = arith.constant 1 : i32
      scf.for %parallel_loop3A_173 = %parallel_loop3A_125 to %parallel_loop3A_126 step %parallel_loop3A_127  : i32 {
        %parallel_loop3A_174 = vector.broadcast %parallel_loop3A_173 : i32 to vector<16xi32>
        %parallel_loop3A_175 = arith.index_cast %parallel_loop3A_173 : i32 to index
        %parallel_loop3A_176 = arith.constant 0 : index
        %parallel_loop3A_177 = tpu.vector_load %arg8[%parallel_loop3A_175, %parallel_loop3A_176] {strides = array<i32>} : memref<128x128xf32, #tpu.memory_space<vmem>>, vector<16xf32>,
        %parallel_loop3A_178 = arith.constant 0 : i32
        %parallel_loop3A_179 = vector.broadcast %parallel_loop3A_178 : i32 to vector<16xi32>
        %parallel_loop3A_180 = arith.addi %iota3A_124, %parallel_loop3A_179 : vector<16xi32>
        %parallel_loop3A_181 = arith.constant 8.000000e+00 : f32
        %parallel_loop3A_182 = vector.broadcast %parallel_loop3A_181 : f32 to vector<16xf32>
        %parallel_loop3A_183 = arith.mulf %parallel_loop3A_177, %parallel_loop3A_182 : vector<16xf32>
        tpu.vector_store_idx %arg10[%parallel_loop3A_180, %parallel_loop3A_174], %parallel_loop3A_183 : memref<64x128xf32, #tpu.memory_space<vmem>>[vector<16xi32>, vector<16xi32>], vector<16xf32>,
        %parallel_loop3A_184 = arith.index_cast %parallel_loop3A_173 : i32 to index
        %parallel_loop3A_185 = arith.constant 16 : index
        %parallel_loop3A_186 = tpu.vector_load %arg8[%parallel_loop3A_184, %parallel_loop3A_185] {strides = array<i32>} : memref<128x128xf32, #tpu.memory_space<vmem>>, vector<16xf32>,
        %parallel_loop3A_187 = arith.constant 16 : i32
        %parallel_loop3A_188 = vector.broadcast %parallel_loop3A_187 : i32 to vector<16xi32>
        %parallel_loop3A_189 = arith.addi %iota3A_124, %parallel_loop3A_188 : vector<16xi32>
        %parallel_loop3A_190 = arith.constant 8.000000e+00 : f32
        %parallel_loop3A_191 = vector.broadcast %parallel_loop3A_190 : f32 to vector<16xf32>
        %parallel_loop3A_192 = arith.mulf %parallel_loop3A_186, %parallel_loop3A_191 : vector<16xf32>
        tpu.vector_store_idx %arg10[%parallel_loop3A_189, %parallel_loop3A_174], %parallel_loop3A_192 : memref<64x128xf32, #tpu.memory_space<vmem>>[vector<16xi32>, vector<16xi32>], vector<16xf32>,
        %parallel_loop3A_193 = arith.index_cast %parallel_loop3A_173 : i32 to index
        %parallel_loop3A_194 = arith.constant 32 : index
        %parallel_loop3A_195 = tpu.vector_load %arg8[%parallel_loop3A_193, %parallel_loop3A_194] {strides = array<i32>} : memref<128x128xf32, #tpu.memory_space<vmem>>, vector<16xf32>,
        %parallel_loop3A_196 = arith.constant 32 : i32
        %parallel_loop3A_197 = vector.broadcast %parallel_loop3A_196 : i32 to vector<16xi32>
        %parallel_loop3A_198 = arith.addi %iota3A_124, %parallel_loop3A_197 : vector<16xi32>
        %parallel_loop3A_199 = arith.constant 8.000000e+00 : f32
        %parallel_loop3A_200 = vector.broadcast %parallel_loop3A_199 : f32 to vector<16xf32>
        %parallel_loop3A_201 = arith.mulf %parallel_loop3A_195, %parallel_loop3A_200 : vector<16xf32>
        tpu.vector_store_idx %arg10[%parallel_loop3A_198, %parallel_loop3A_174], %parallel_loop3A_201 : memref<64x128xf32, #tpu.memory_space<vmem>>[vector<16xi32>, vector<16xi32>], vector<16xf32>,
        %parallel_loop3A_202 = arith.index_cast %parallel_loop3A_173 : i32 to index
        %parallel_loop3A_203 = arith.constant 48 : index
        %parallel_loop3A_204 = tpu.vector_load %arg8[%parallel_loop3A_202, %parallel_loop3A_203] {strides = array<i32>} : memref<128x128xf32, #tpu.memory_space<vmem>>, vector<16xf32>,
        %parallel_loop3A_205 = arith.constant 48 : i32
        %parallel_loop3A_206 = vector.broadcast %parallel_loop3A_205 : i32 to vector<16xi32>
        %parallel_loop3A_207 = arith.addi %iota3A_124, %parallel_loop3A_206 : vector<16xi32>
        %parallel_loop3A_208 = arith.constant 8.000000e+00 : f32
        %parallel_loop3A_209 = vector.broadcast %parallel_loop3A_208 : f32 to vector<16xf32>
        %parallel_loop3A_210 = arith.mulf %parallel_loop3A_204, %parallel_loop3A_209 : vector<16xf32>
        tpu.vector_store_idx %arg10[%parallel_loop3A_207, %parallel_loop3A_174], %parallel_loop3A_210 : memref<64x128xf32, #tpu.memory_space<vmem>>[vector<16xi32>, vector<16xi32>], vector<16xf32>,
      } {sc.loop_unroll_factor = 16 : i64, sc.parallel_access}
      %mul3A_128 = arith.constant 128 : i32
      %mul3A_129 = arith.muli %add3A, %mul3A_128 : i32
      %dma_start3A_130 = arith.constant 0 : i32
      %dma_start3A_131 = tpu.memref_slice %arg4[%add3A_102, %dma_start3A_130, %mul3A_129] : memref<200x64x4096xf32, #tpu.memory_space<hbm>> -> memref<1x64x128xf32, #tpu.memory_space<hbm>>
      %dma_start3A_132 = tpu.memref_squeeze %dma_start3A_131 : memref<1x64x128xf32, #tpu.memory_space<hbm>> -> memref<64x128xf32, #tpu.memory_space<hbm>>
      %dma_start3A_133 = arith.constant 0 : i32
      %dma_start3A_134 = tpu.memref_slice %arg4[%add3A_102, %dma_start3A_133, %mul3A_129] : memref<200x64x4096xf32, #tpu.memory_space<hbm>> -> memref<1x64x128xf32, #tpu.memory_space<hbm>>
      %dma_start3A_135 = tpu.memref_squeeze %dma_start3A_134 : memref<1x64x128xf32, #tpu.memory_space<hbm>> -> memref<64x128xf32, #tpu.memory_space<hbm>>
      tpu.enqueue_dma source(%arg10 : memref<64x128xf32, #tpu.memory_space<vmem>>) target(%dma_start3A_135 : memref<64x128xf32, #tpu.memory_space<hbm>>) target_semaphore(%arg16 : memref<!tpu.dma_semaphore, #tpu.memory_space<semaphore_mem>>)
      %mul3A_136 = arith.constant 4 : i32
      %mul3A_137 = arith.muli %mul3A_136, %scan3A_33 : i32
      %add3A_138 = arith.constant 3 : i32
      %add3A_139 = arith.addi %mul3A_137, %add3A_138 : i32
      %add3A_140 = arith.constant 4 : i32
      %add3A_141 = arith.addi %add3A_139, %add3A_140 : i32
      %sub3A_142 = arith.constant 1 : i32
      %sub3A_143 = arith.subi %add3A_141, %sub3A_142 : i32
      %lt3A_144 = arith.constant 200 : i32
      %lt3A_145 = arith.cmpi slt, %sub3A_143, %lt3A_144 : i32
      %convert_element_type3A_146 = arith.extui %lt3A_145 : i1 to i32
      %cond3A_147 = arith.constant 0 : i32
      %cond3A_148 = arith.cmpi ne, %convert_element_type3A_146, %cond3A_147 : i32
      scf.if %cond3A_148 {
        %add3A_173 = arith.constant 4 : i32
        %add3A_174 = arith.addi %add3A_139, %add3A_173 : i32
        %sub3A_175 = arith.constant 1 : i32
        %sub3A_176 = arith.subi %add3A_174, %sub3A_175 : i32
        %mul3A_177 = arith.constant 128 : i32
        %mul3A_178 = arith.muli %sub3A_176, %mul3A_177 : i32
        %dma_start3A_179 = tpu.memref_slice %arg5[%mul3A_178] : memref<25600xi32, #tpu.memory_space<vmem>> -> memref<128xi32, #tpu.memory_space<vmem>>
        %dma_start3A_180 = arith.constant 0 : i32
        %dma_start3A_181 = arith.constant 0 : i32
        %dma_start3A_182 = tpu.memref_slice %arg3[%dma_start3A_180, %dma_start3A_181] : memref<1000000x128xf32, #tpu.memory_space<hbm>> -> memref<1000000x128xf32, #tpu.memory_space<hbm>>
        tpu.enqueue_indirect_dma source(%dma_start3A_182 : memref<1000000x128xf32, #tpu.memory_space<hbm>>) target(%arg8 : memref<128x128xf32, #tpu.memory_space<vmem>>) offsets(%dma_start3A_179 : memref<128xi32, #tpu.memory_space<vmem>>) semaphore(%arg14 : memref<!tpu.dma_semaphore, #tpu.memory_space<semaphore_mem>>)
      } else {
      }
      %dma_wait3A_149 = arith.constant 0 : i32
      %dma_wait3A_150 = arith.constant 0 : i32
      %dma_wait3A_151 = tpu.memref_slice %arg3[%dma_wait3A_149, %dma_wait3A_150] : memref<1000000x128xf32, #tpu.memory_space<hbm>> -> memref<128x128xf32, #tpu.memory_space<hbm>>
      %dma_wait3A_152 = arith.constant 0 : i32
      %dma_wait3A_153 = arith.constant 0 : i32
      %dma_wait3A_154 = tpu.memref_slice %arg3[%dma_wait3A_152, %dma_wait3A_153] : memref<1000000x128xf32, #tpu.memory_space<hbm>> -> memref<128x128xf32, #tpu.memory_space<hbm>>
      tpu.wait_dma2 semaphore(%arg15 : memref<!tpu.dma_semaphore, #tpu.memory_space<semaphore_mem>>) src(%dma_wait3A_154 : memref<128x128xf32, #tpu.memory_space<hbm>>) dst(%arg9 : memref<128x128xf32, #tpu.memory_space<vmem>>)
      %dma_wait3A_155 = arith.constant 0 : i32
      %dma_wait3A_156 = arith.constant 0 : i32
      %dma_wait3A_157 = tpu.memref_slice %arg3[%dma_wait3A_155, %dma_wait3A_156] : memref<1000000x128xf32, #tpu.memory_space<hbm>> -> memref<64x128xf32, #tpu.memory_space<hbm>>
      %dma_wait3A_158 = arith.constant 0 : i32
      %dma_wait3A_159 = arith.constant 0 : i32
      %dma_wait3A_160 = tpu.memref_slice %arg3[%dma_wait3A_158, %dma_wait3A_159] : memref<1000000x128xf32, #tpu.memory_space<hbm>> -> memref<64x128xf32, #tpu.memory_space<hbm>>
      tpu.wait_dma2 semaphore(%arg17 : memref<!tpu.dma_semaphore, #tpu.memory_space<semaphore_mem>>) src(%dma_wait3A_160 : memref<64x128xf32, #tpu.memory_space<hbm>>) dst(%arg11 : memref<64x128xf32, #tpu.memory_space<vmem>>)
      %iota3A_161 = tpu.iota {dimensions = array<i32: 0>} : vector<16xi32>
      %parallel_loop3A_162 = arith.constant 0 : i32
      %parallel_loop3A_163 = arith.constant 128 : i32
      %parallel_loop3A_164 = arith.constant 1 : i32
      scf.for %parallel_loop3A_173 = %parallel_loop3A_162 to %parallel_loop3A_163 step %parallel_loop3A_164  : i32 {
        %parallel_loop3A_174 = vector.broadcast %parallel_loop3A_173 : i32 to vector<16xi32>
        %parallel_loop3A_175 = arith.index_cast %parallel_loop3A_173 : i32 to index
        %parallel_loop3A_176 = arith.constant 0 : index
        %parallel_loop3A_177 = tpu.vector_load %arg9[%parallel_loop3A_175, %parallel_loop3A_176] {strides = array<i32>} : memref<128x128xf32, #tpu.memory_space<vmem>>, vector<16xf32>,
        %parallel_loop3A_178 = arith.constant 0 : i32
        %parallel_loop3A_179 = vector.broadcast %parallel_loop3A_178 : i32 to vector<16xi32>
        %parallel_loop3A_180 = arith.addi %iota3A_161, %parallel_loop3A_179 : vector<16xi32>
        %parallel_loop3A_181 = arith.constant 8.000000e+00 : f32
        %parallel_loop3A_182 = vector.broadcast %parallel_loop3A_181 : f32 to vector<16xf32>
        %parallel_loop3A_183 = arith.mulf %parallel_loop3A_177, %parallel_loop3A_182 : vector<16xf32>
        tpu.vector_store_idx %arg11[%parallel_loop3A_180, %parallel_loop3A_174], %parallel_loop3A_183 : memref<64x128xf32, #tpu.memory_space<vmem>>[vector<16xi32>, vector<16xi32>], vector<16xf32>,
        %parallel_loop3A_184 = arith.index_cast %parallel_loop3A_173 : i32 to index
        %parallel_loop3A_185 = arith.constant 16 : index
        %parallel_loop3A_186 = tpu.vector_load %arg9[%parallel_loop3A_184, %parallel_loop3A_185] {strides = array<i32>} : memref<128x128xf32, #tpu.memory_space<vmem>>, vector<16xf32>,
        %parallel_loop3A_187 = arith.constant 16 : i32
        %parallel_loop3A_188 = vector.broadcast %parallel_loop3A_187 : i32 to vector<16xi32>
        %parallel_loop3A_189 = arith.addi %iota3A_161, %parallel_loop3A_188 : vector<16xi32>
        %parallel_loop3A_190 = arith.constant 8.000000e+00 : f32
        %parallel_loop3A_191 = vector.broadcast %parallel_loop3A_190 : f32 to vector<16xf32>
        %parallel_loop3A_192 = arith.mulf %parallel_loop3A_186, %parallel_loop3A_191 : vector<16xf32>
        tpu.vector_store_idx %arg11[%parallel_loop3A_189, %parallel_loop3A_174], %parallel_loop3A_192 : memref<64x128xf32, #tpu.memory_space<vmem>>[vector<16xi32>, vector<16xi32>], vector<16xf32>,
        %parallel_loop3A_193 = arith.index_cast %parallel_loop3A_173 : i32 to index
        %parallel_loop3A_194 = arith.constant 32 : index
        %parallel_loop3A_195 = tpu.vector_load %arg9[%parallel_loop3A_193, %parallel_loop3A_194] {strides = array<i32>} : memref<128x128xf32, #tpu.memory_space<vmem>>, vector<16xf32>,
        %parallel_loop3A_196 = arith.constant 32 : i32
        %parallel_loop3A_197 = vector.broadcast %parallel_loop3A_196 : i32 to vector<16xi32>
        %parallel_loop3A_198 = arith.addi %iota3A_161, %parallel_loop3A_197 : vector<16xi32>
        %parallel_loop3A_199 = arith.constant 8.000000e+00 : f32
        %parallel_loop3A_200 = vector.broadcast %parallel_loop3A_199 : f32 to vector<16xf32>
        %parallel_loop3A_201 = arith.mulf %parallel_loop3A_195, %parallel_loop3A_200 : vector<16xf32>
        tpu.vector_store_idx %arg11[%parallel_loop3A_198, %parallel_loop3A_174], %parallel_loop3A_201 : memref<64x128xf32, #tpu.memory_space<vmem>>[vector<16xi32>, vector<16xi32>], vector<16xf32>,
        %parallel_loop3A_202 = arith.index_cast %parallel_loop3A_173 : i32 to index
        %parallel_loop3A_203 = arith.constant 48 : index
        %parallel_loop3A_204 = tpu.vector_load %arg9[%parallel_loop3A_202, %parallel_loop3A_203] {strides = array<i32>} : memref<128x128xf32, #tpu.memory_space<vmem>>, vector<16xf32>,
        %parallel_loop3A_205 = arith.constant 48 : i32
        %parallel_loop3A_206 = vector.broadcast %parallel_loop3A_205 : i32 to vector<16xi32>
        %parallel_loop3A_207 = arith.addi %iota3A_161, %parallel_loop3A_206 : vector<16xi32>
        %parallel_loop3A_208 = arith.constant 8.000000e+00 : f32
        %parallel_loop3A_209 = vector.broadcast %parallel_loop3A_208 : f32 to vector<16xf32>
        %parallel_loop3A_210 = arith.mulf %parallel_loop3A_204, %parallel_loop3A_209 : vector<16xf32>
        tpu.vector_store_idx %arg11[%parallel_loop3A_207, %parallel_loop3A_174], %parallel_loop3A_210 : memref<64x128xf32, #tpu.memory_space<vmem>>[vector<16xi32>, vector<16xi32>], vector<16xf32>,
      } {sc.loop_unroll_factor = 16 : i64, sc.parallel_access}
      %mul3A_165 = arith.constant 128 : i32
      %mul3A_166 = arith.muli %add3A, %mul3A_165 : i32
      %dma_start3A_167 = arith.constant 0 : i32
      %dma_start3A_168 = tpu.memref_slice %arg4[%add3A_139, %dma_start3A_167, %mul3A_166] : memref<200x64x4096xf32, #tpu.memory_space<hbm>> -> memref<1x64x128xf32, #tpu.memory_space<hbm>>
      %dma_start3A_169 = tpu.memref_squeeze %dma_start3A_168 : memref<1x64x128xf32, #tpu.memory_space<hbm>> -> memref<64x128xf32, #tpu.memory_space<hbm>>
      %dma_start3A_170 = arith.constant 0 : i32
      %dma_start3A_171 = tpu.memref_slice %arg4[%add3A_139, %dma_start3A_170, %mul3A_166] : memref<200x64x4096xf32, #tpu.memory_space<hbm>> -> memref<1x64x128xf32, #tpu.memory_space<hbm>>
      %dma_start3A_172 = tpu.memref_squeeze %dma_start3A_171 : memref<1x64x128xf32, #tpu.memory_space<hbm>> -> memref<64x128xf32, #tpu.memory_space<hbm>>
      tpu.enqueue_dma source(%arg11 : memref<64x128xf32, #tpu.memory_space<vmem>>) target(%dma_start3A_172 : memref<64x128xf32, #tpu.memory_space<hbm>>) target_semaphore(%arg17 : memref<!tpu.dma_semaphore, #tpu.memory_space<semaphore_mem>>)
    }
    %scan3A_21 = arith.constant 50 : i32
    %dma_wait3A = arith.constant 0 : i32
    %dma_wait3A_22 = arith.constant 0 : i32
    %dma_wait3A_23 = tpu.memref_slice %arg3[%dma_wait3A, %dma_wait3A_22] : memref<1000000x128xf32, #tpu.memory_space<hbm>> -> memref<64x128xf32, #tpu.memory_space<hbm>>
    %dma_wait3A_24 = arith.constant 0 : i32
    %dma_wait3A_25 = arith.constant 0 : i32
    %dma_wait3A_26 = tpu.memref_slice %arg3[%dma_wait3A_24, %dma_wait3A_25] : memref<1000000x128xf32, #tpu.memory_space<hbm>> -> memref<64x128xf32, #tpu.memory_space<hbm>>
    tpu.wait_dma2 semaphore(%arg16 : memref<!tpu.dma_semaphore, #tpu.memory_space<semaphore_mem>>) src(%dma_wait3A_26 : memref<64x128xf32, #tpu.memory_space<hbm>>) dst(%arg10 : memref<64x128xf32, #tpu.memory_space<vmem>>)
    %dma_wait3A_27 = arith.constant 0 : i32
    %dma_wait3A_28 = arith.constant 0 : i32
    %dma_wait3A_29 = tpu.memref_slice %arg3[%dma_wait3A_27, %dma_wait3A_28] : memref<1000000x128xf32, #tpu.memory_space<hbm>> -> memref<64x128xf32, #tpu.memory_space<hbm>>
    %dma_wait3A_30 = arith.constant 0 : i32
    %dma_wait3A_31 = arith.constant 0 : i32
    %dma_wait3A_32 = tpu.memref_slice %arg3[%dma_wait3A_30, %dma_wait3A_31] : memref<1000000x128xf32, #tpu.memory_space<hbm>> -> memref<64x128xf32, #tpu.memory_space<hbm>>
    tpu.wait_dma2 semaphore(%arg17 : memref<!tpu.dma_semaphore, #tpu.memory_space<semaphore_mem>>) src(%dma_wait3A_32 : memref<64x128xf32, #tpu.memory_space<hbm>>) dst(%arg11 : memref<64x128xf32, #tpu.memory_space<vmem>>)
    return
  }
}

</mosaic_0001>

<sc_bundles>
// kernel: kernel.3.cloned.1.call-start
scs
__scs_entry_jumppad:
0x0: {  	(pc) =	sbr.rel $0x88, $3  }
0x1: {  	(tag) =	ssettag $0x0;
	lr =	simm.s32 $0x1  }
0x2: {  	[smem:$0x3F9F] =	sst lr;
	_ =	strace $0xD0000000  }
0x3: {  	_ = 	snop  }
0x4: {  	_ = 	snop  }
0x5: {  	_ = 	snop  }
0x6: {  	_ = 	snop  }
0x7: {  	_ = 	snop  }
__scs_overlays_trampoline_lowered:
0x8: {  	[smem:$0x3FAE] =	sst s0  }
0x9: {  	[smem:$0x3FAF] =	sst s1  }
0xa: {  	[smem:$0x3FB0] =	sst s2  }
0xb: {  	[smem:$0x3FB1] =	sst s3  }
0xc: {  	[smem:$0x3FB2] =	sst s4  }
0xd: {  	[smem:$0x3FB3] =	sst s5  }
0xe: {  	[smem:$0x3FB4] =	sst s6  }
0xf: {  	[smem:$0x3FB5] =	sst s7  }
0x10: {  	[smem:$0x3FB6] =	sst s8  }
0x11: {  	[smem:$0x3FB7] =	sst s9;
	s0 =	simm.s32 @!p0 $0x0  }
0x12: {  	s1 =	sld [smem:$0x3F9D];
	s0 =	simm.s32 @p0 $0x1  }
0x13: {  	[smem:$0x3FB8] =	sst s0;
	s0 =	simm.s32 @!p1 $0x0  }
0x14: {  	s2 =	sld [smem:$0x3F9C];
	s0 =	simm.s32 @p1 $0x1  }
0x15: {  	[smem:$0x3FB9] =	sst s0;
	s0 =	simm.s32 @!p2 $0x0  }
0x16: {  	s3 =	sld [smem:$0x3FDB];
	s0 =	simm.s32 @p2 $0x1  }
0x17: {  	s4 =	simm.s32 $0x1BF5;
	[smem:$0x3FBB] =	sst s0  }
0x18: {  	s0 =	sld [smem:$0x3F9E];
	_ =	swait.ge [sflag:s4], $0x0  }
0x19: {  	s7 =	sld [smem:$0x3F9F]  }
0x1a: {  	s8 =	sadd.s32 $0xFFFFE003, lr  }
0x1b: {  	s9 =	sadd.s32 $0xFFFFFEF7, lr;
	s5 =	simm.s32 $0xFFFFFFFF;
	p2 =	slt.u32 s8, $0xFFFFF086  }
0x1c: {  	p1 =	slt.u32 s9, $0xF7A;
	s5 =	simm.s32 @!p2 $0x0  }
0x1d: {  	s5 =	simm.s32 @p1 $0x1;
	p0 =	seq.s32 s7, s2  }
0x1e: {  	s7 =	smul.u32 @!p0 $0xF7A, s2;
	p2 =	seq.s32 @!p0 s5, $0x0  }
0x1f: {  	s9 =	smul.u32 $0xF7A, s1;
	s8 =	simm.s32 @!p0 $0x1BF5;
	p2 =	por !p2, p0  }
0x20: {  	[sflag:s8] =	ssyncset.s32 @!p0 $0xFFFFF086;
	s6 =	sadd.s32 @!p0 s3, s7;
	s7 =	simm.s32 @!p0 $0x108  }
0x21: {  	s3 =	sadd.s32 s3, s9;
	s6 =	sadd.s32 @!p0 $0x88, s6;
	s7 =	simm.s32 @p2 $0x1082  }
0x22: {  	[simem:s7], [sflag:s8] =	dma.local @!p0 [hbm:s6], $0xF7A  }
0x23: {  	s9 =	sor.u32 $0xD0000000, s2;
	s6 =	simm.s32 $0x108;
	_ =	swait.ge @!p0 [sflag:s8], $0x0  }
0x24: {  	s3 =	sadd.s32 $0x88, s3;
	s6 =	simm.s32 @!p1 $0x1082;
	[sflag:s4] =	ssyncset.s32 $0xFFFFF086  }
0x25: {  	[simem:s6], [sflag:s4] =	dma.local [hbm:s3], $0xF7A  }
0x26: {  	[smem:$0x3F9F] =	sst s1;
	(tag) =	ssettag s2;
	_ =	strace s9  }
0x27: {  	s1 =	sld [smem:$0x3FAF]  }
0x28: {  	s2 =	sld [smem:$0x3FB0]  }
0x29: {  	s4 =	sld [smem:$0x3FB2]  }
0x2a: {  	p0 =	seq.s32 s5, $0x0;
	s5 =	sld [smem:$0x3FB3]  }
0x2b: {  	s6 =	sld [smem:$0x3FB4]  }
0x2c: {  	s7 =	sld [smem:$0x3FB5]  }
0x2d: {  	s3 =	simm.s32 $0x108;
	s8 =	sld [smem:$0x3FB6]  }
0x2e: {  	s3 =	simm.s32 @!p0 $0x1082;
	s9 =	sld [smem:$0x3FB7]  }
0x2f: {  	lr =	sadd.s32 s0, s3;
	s0 =	sld [smem:$0x3FAE]  }
0x30: {  	s3 =	sld [smem:$0x3FB1]  }
0x31: {  	[smem:$0x3FBA] =	sst s10  }
0x32: {  	s10 =	sld [smem:$0x3FB8];
	_ =	sdelay $0x3  }
0x33: {  	p0 =	seq.s32 s10, $0x1;
	s10 =	sld [smem:$0x3FBA];
	_ =	sdelay $0x3  }
0x34: {  	[smem:$0x3FBA] =	sst s10  }
0x35: {  	s10 =	sld [smem:$0x3FB9];
	_ =	sdelay $0x3  }
0x36: {  	p1 =	seq.s32 s10, $0x1;
	s10 =	sld [smem:$0x3FBA];
	_ =	sdelay $0x3  }
0x37: {  	[smem:$0x3FBA] =	sst s10  }
0x38: {  	s10 =	sld [smem:$0x3FBB]  }
0x39: {  	_ = 	snop;
	(pc) =	sbr.ind lr, $3  }
0x3a: {  	_ = 	snop  }
0x3b: {  	_ = 	snop  }
0x3c: {  	p2 =	seq.s32 s10, $0x1;
	s10 =	sld [smem:$0x3FBA]  }
0x3d: {  	_ =	shalt  }
0x3e: {  	_ =	shalt  }
0x3f: {  	_ =	shalt  }
0x40: {  	_ =	shalt  }
0x41: {  	_ =	shalt  }
0x42: {  	_ =	shalt  }
0x43: {  	_ =	shalt  }
0x44: {  	_ =	shalt  }
0x45: {  	_ =	shalt  }
0x46: {  	_ =	shalt  }
0x47: {  	_ =	shalt  }
0x48: {  	_ =	shalt  }
0x49: {  	_ =	shalt  }
0x4a: {  	_ =	shalt  }
0x4b: {  	_ =	shalt  }
0x4c: {  	_ =	shalt  }
0x4d: {  	_ =	shalt  }
0x4e: {  	_ =	shalt  }
0x4f: {  	_ =	shalt  }
0x50: {  	_ =	shalt  }
0x51: {  	_ =	shalt  }
0x52: {  	_ =	shalt  }
0x53: {  	_ =	shalt  }
0x54: {  	_ =	shalt  }
0x55: {  	_ =	shalt  }
0x56: {  	_ =	shalt  }
0x57: {  	_ =	shalt  }
0x58: {  	_ =	shalt  }
0x59: {  	_ =	shalt  }
0x5a: {  	_ =	shalt  }
0x5b: {  	_ =	shalt  }
0x5c: {  	_ =	shalt  }
0x5d: {  	_ =	shalt  }
0x5e: {  	_ =	shalt  }
0x5f: {  	_ =	shalt  }
0x60: {  	_ =	shalt  }
0x61: {  	_ =	shalt  }
0x62: {  	_ =	shalt  }
0x63: {  	_ =	shalt  }
0x64: {  	_ =	shalt  }
0x65: {  	_ =	shalt  }
0x66: {  	_ =	shalt  }
0x67: {  	_ =	shalt  }
0x68: {  	_ =	shalt  }
0x69: {  	_ =	shalt  }
0x6a: {  	_ =	shalt  }
0x6b: {  	_ =	shalt  }
0x6c: {  	_ =	shalt  }
0x6d: {  	_ =	shalt  }
0x6e: {  	_ =	shalt  }
0x6f: {  	_ =	shalt  }
0x70: {  	_ =	shalt  }
0x71: {  	_ =	shalt  }
0x72: {  	_ =	shalt  }
0x73: {  	_ =	shalt  }
0x74: {  	_ =	shalt  }
0x75: {  	_ =	shalt  }
0x76: {  	_ =	shalt  }
0x77: {  	_ =	shalt  }
0x78: {  	_ =	shalt  }
0x79: {  	_ =	shalt  }
0x7a: {  	_ =	shalt  }
0x7b: {  	_ =	shalt  }
0x7c: {  	_ =	shalt  }
0x7d: {  	_ =	shalt  }
0x7e: {  	_ =	shalt  }
0x7f: {  	_ =	shalt  }
0x80: {  	_ =	shalt  }
0x81: {  	_ =	shalt  }
0x82: {  	_ =	shalt  }
0x83: {  	_ =	shalt  }
0x84: {  	_ =	shalt  }
0x85: {  	_ =	shalt  }
0x86: {  	_ =	shalt  }
0x87: {  	_ =	shalt  }
.Lfunc_end0:
.L_simem_size_0:
called_computation_lowered:
.L_overlay_start_0:
0x88: {  	s2 =	sld [smem:$0x3FD9]  }
0x89: {  	s3 =	sld [smem:$0x3FFE];
	_ =	sdelay $0x1  }
0x8a: {  	s1 =	srdreg.scid  }
0x8b: {  	s0 =	sand.u32 $0x1, s1  }
0x8c: {  	s17 =	sshll.u32 s0, $0xA;
	s2 =	sadd.s32 s3, s2  }
0x8d: {  	s2 =	sadd.s32 s2, s17  }
0x8e: {  	[smem:$0x3FC6] =	sst s2  }
0x8f: {  	_ = 	snop  }
0x90: {  	s2 =	sld [smem:$0x3FD0];
	(tm) =	ssettm $0x1  }
0x91: {  	s18 =	sld [smem:$0x3FFB];
	_ =	sdelay $0x3  }
0x92: {  	_ =	strace s18  }
0x93: {  	s3 =	sld [smem:$0x3FFC];
	_ =	sdelay $0x3  }
0x94: {  	_ =	strace s3  }
0x95: {  	s3 =	sld [smem:$0x3FFD];
	_ =	sdelay $0x3  }
0x96: {  	_ =	strace s3  }
0x97: {  	_ =	strace $0x8FFFFFFF  }
0x98: {  	s19 =	sld [smem:$0x3FDB];
	_ =	sdelay $0x1  }
0x99: {  	s4 =	simm.s32 $_scs_section_size  }
0x9a: {  	s5 =	simm.s32 $_size__tile_overlayer_lowered;
	s6 =	simm.s32 $_tile_overlayer_lowered  }
0x9b: {  	s22 =	simm.s32 $0x1BFF;
	s21 =	sshll.u32 s6, $0x1;
	s3 =	sadd.s32 s4, s19  }
0x9c: {  	s7 =	simm.s32 $0x0;
	s20 =	sshll.u32 s5, $0x1;
	s5 =	sadd.s32 s21, s3  }
0x9d: {  	[timem:s7], [sflag:s22] =	dma.local [hbm:s5], s20  }
0x9e: {  	_ =	swait.ge [sflag:s22], s20  }
0x9f: {  	s4 =	ssub.s32 $0x0, s20;
	[sflag:s22] =	ssyncset.done $0x0  }
0xa0: {  	[sflag:s22] =	ssyncadd.s32 s4;
	_ =	sdelay $0x1  }
0xa1: {  	s23 =	simm.s32 $0x1B8B  }
0xa2: {  	_ =	swait.ge [sflag:s23], $0x1  }
0xa3: {  	[sflag:s23] =	ssyncset.done $0x0  }
0xa4: {  	s25 =	simm.s32 $0x1B8E;
	s24 =	sld [smem:$0x3FFE];
	[sflag:s23] =	ssyncadd.s32 $0xFFFFFFFF  }
0xa5: {  	s26 =	simm.s32 $execute0_lowered;
	[smem:$0x3FD2] =	sst s25  }
0xa6: {  	s5 =	sshll.u32 s26, $0x1;
	_ =	strace $0x80000046;
	[dreg:$0x1] =	wrdreg $0xFFFFFFFF  }
0xa7: {  	s28 =	simm.s32 $_size_execute0_lowered;
	s3 =	sadd.s32 s3, s5;
	[dreg:$0x0] =	wrdreg $0x0  }
0xa8: {  	s5 =	sshll.u32 s28, $0x1;
	[dreg:$0x2] =	wrdreg s3  }
0xa9: {  	[dreg:$0x3] =	wrdreg s5  }
0xaa: {  	[dreg:$0x4] =	wrdreg $0xC0  }
0xab: {  	_ =	task [dreg:s7], $0x5FFFF  }
0xac: {  	[dreg:$0x1] =	wrdreg $0xFFFFFFFF  }
0xad: {  	[dreg:$0x0] =	wrdreg $0x60  }
0xae: {  	[dreg:$0x2] =	wrdreg s24  }
0xaf: {  	[dreg:$0x3] =	wrdreg s2  }
0xb0: {  	[dreg:$0x4] =	wrdreg $0x9  }
0xb1: {  	_ =	task.clear_ibuf [dreg:s7], $0x5FFFF;
	_ =	strace $0x90000046  }
0xb2: {  	s29 =	simm.s32 $0x9;
	_ =	strace $0x80000048  }
0xb3: {  	_ =	swait.ge [sflag:s29], $0x1  }
0xb4: {  	[sflag:s29] =	ssyncadd.s32 $0xFFFFFFFF  }
0xb5: {  	_ =	strace $0x90000048  }
0xb6: {  	_ =	sfence  }
0xb7: {  	s30 =	sld [smem:$0x0];
	_ =	sdelay $0x2  }
0xb8: {  	s31 =	sshll.u32 s1, $0xD;
	s1 =	sshrl.u32 s1, $0x2  }
0xb9: {  	s3 =	sand.u32 $0x4000, s31;
	s1 =	sadd.s32 s1, s30  }
0xba: {  	s0 =	sor.u32 s3, s0;
	s1 =	sshll.u32 s1, $0x11  }
0xbb: {  	s0 =	sor.u32 s1, s0  }
0xbc: {  	s0 =	sadd.s32 $0x8F2B, s0  }
0xbd: {  	[sflag:s0] =	ssyncadd.remote.s32 $0x1  }
0xbe: {  	_ =	sfence.sel $0xFFFF  }
0xbf: {  	[dreg:$0x0] =	wrdreg $0xFFFFFFFF;
	(pc) =	sbr.abs _section_cstart, $3  }
0xc0: {  	[dreg:$0x1] =	wrdreg $0xFFFFFFFF  }
0xc1: {  	_ =	task.clear_ibuf [dreg:s7], $0x2FFFF;
	_ =	strace $0x9FFFFFFF  }
0xc2: {  	(tm) =	ssettm $0x7FFFFFFF  }
0xc3: {  	_ =	shalt  }
tec
execute0_lowered:
.L_overlay_start_1:
0x0: {  	(tag) =	ssettag $0x1  }
0x1: {  	s0 =	rddreg [dreg:$0x0];
	s1 =	srdreg.scid  }
0x2: {  	s3 =	stileid.u32;
	s2 =	rddreg [dreg:$0x1]  }
0x3: {  	s10 =	simm.s32 $0x7;
	s11 =	simm.s32 $0x80;
	s12 =	simm.s32 $0x6400  }
0x4: {  	s15 =	simm.s32 $0xE400;
	s16 =	simm.s32 $0x12400;
	s17 =	simm.s32 $0x1  }
0x5: {  	s18 =	simm.s32 $0x16400;
	s19 =	simm.s32 $0x400;
	s20 =	simm.s32 $0x8000  }
0x6: {  	s21 =	simm.s32 $0x2;
	s22 =	simm.s32 $0x6;
	s23 =	simm.s32 $0x18400  }
0x7: {  	s24 =	simm.s32 $0x3;
	s25 =	simm.s32 $0x5;
	s26 =	simm.s32 $0x4  }
0x8: {  	s28 =	simm.s32 $0x0;
	s1 =	sand.u32 $0x1, s1;
	s4 =	sshll.u32 s3, $0x1  }
0x9: {  	s3 =	simm.s32 $0x0;
	s7 =	sadd.s32 $0x8000, s2;
	s6 =	sor.u32 s1, s4  }
0xa: {  	v0 =	vlaneseq.u32;
	[smem:$0x7FF] =	sst s3;
	s1 =	ssub.s32 $0x2, s1;
	s4 =	smul.u32 $0xC80, s6  }
0xb: {  	s8 =	sadd.s32 $0x10000, s2;
	v0 =	vmul.u32 $0x80, v0;
	_ =	strace $0x80000047;
	s31 =	sshrl.u32 s1, $0x1  }
0xc: {  	s5 =	sadd.s32 s4, s0;
	s4 =	sadd.s32 $0xF5BA00, s0;
	s0 =	ssub.s32 s1, s31  }
0xd: {  	s6 =	sshll.u32 s6, $0xA;
	v1 =	vor.u32 $0x800, v0;
	v2 =	vor.u32 $0x1000, v0;
	v3 =	vor.u32 $0x1800, v0;
	s5 =	sadd.s32 $0xF42A00, s5;
	s9 =	smax.u32 s0, $0x1  }
.LBB2_1:
0xe: {  	[tilespmem:s3], [sflag:$0x7] =	stream.linear.gather [hbm4b:s5+s3], $0x6400, $0x38;
	[tilespmem:$0x1A400] =	vst v63  }
0xf: {  	_ =	swait.ge [sflag:s10], $0x6400  }
0x10: {  	[sflag:s10] =	ssyncset.done $0x0  }
0x11: {  	[sflag:s10] =	ssyncadd.s32 $0xFFFF9C00  }
0x12: {  	[tilespmem:s12], [sflag:$0x1] =	stream.indirect.gather [hbm4b:s4+s11], $0x80, s3, s11, $0xb8;
	[tilespmem:$0x1A400] =	vst v63  }
0x13: {  	s0 =	simm.s32 $0xA400  }
0x14: {  	[tilespmem:s0], [sflag:$0x2] =	stream.indirect.gather [hbm4b:s4+s11], $0x80, s11, s11, $0xb8;
	[tilespmem:$0x1A400] =	vst v63  }
0x15: {  	s31 =	simm.s32 $0x100;
	s29 =	simm.s32 $0x0  }
0x16: {  	[tilespmem:s15], [sflag:$0x3] =	stream.indirect.gather [hbm4b:s4+s11], $0x80, s31, s11, $0xb8;
	[tilespmem:$0x1A400] =	vst v63  }
.LBB2_2:
0x17: {  	s30 =	sshllo.u32 s29, $0x2;
	s13 =	simm.s32 $0x0  }
0x18: {  	s1 =	simm.s32 $0x1;
	s14 =	simm.s32 $0x2;
	s31 =	simm.s32 $0x3  }
0x19: {  	p0 =	seq.s32 s29, $0x0;
	s0 =	sshll.u32 s30, $0x7;
	v4 =	vmov s13;
	s13 =	simm.s32 $0x4  }
0x1a: {  	v6 =	vmov s14;
	v7 =	vmov s31;
	s14 =	simm.s32 $0x6;
	s31 =	simm.s32 $0x7;
	s0 =	sand.u32 $0x3FFFFF80, s0  }
0x1b: {  	v5 =	vmov s1;
	v8 =	vmov s13;
	[tilespmem:s16], [sflag:$0x4] =	stream.indirect.gather [hbm4b:s4+s11], $0x80, s0, s11, $0xb8;
	[tilespmem:$0x1A400] =	vst v63  }
0x1c: {  	s1 =	simm.s32 $0xF;
	s13 =	simm.s32 $0x5;
	v10 =	vmov s14;
	v11 =	vmov s31;
	v4 =	vand.u32 $0x70, v4;
	_ =	swait.ge [sflag:s17], $0x4000  }
0x1d: {  	s14 =	simm.s32 $0x9;
	v5 =	vand.u32 $0x71, v5;
	v6 =	vand.u32 $0x72, v6;
	v9 =	vmov s13;
	s13 =	simm.s32 $0x8;
	[sflag:s17] =	ssyncset.done $0x0  }
0x1e: {  	s31 =	simm.s32 $0xA;
	v16 =	vmov s1;
	v7 =	vand.u32 $0x73, v7;
	v12 =	vmov s13;
	s13 =	simm.s32 @!p0 $0x5;
	[sflag:s17] =	ssyncadd.s32 $0xFFFFC000  }
0x1f: {  	v13 =	vmov s14;
	v14 =	vmov s31;
	v4 =	vbroadcast v4, $0x0;
	_ =	swait.ge @!p0 [sflag:s13], $0x2000  }
0x20: {  	s14 =	simm.s32 $0xB;
	v8 =	vand.u32 $0x74, v8;
	v16 =	vand.u32 $0x7F, v16;
	v10 =	vand.u32 $0x76, v10;
	[sflag:s13] =	ssyncset.done @!p0 $0x0  }
0x21: {  	s1 =	simm.s32 $0x6800;
	s31 =	simm.s32 $0xC;
	v23 =	vand.u32 $0x77, v11;
	v17 =	vbroadcast v6, $0x0;
	v15 =	vmov s14;
	[sflag:s13] =	ssyncadd.s32 @!p0 $0xFFFFE000  }
0x22: {  	v18 =	vmov s31;
	v9 =	vand.u32 $0x75, v9;
	v22 =	vbroadcast v16, $0x0;
	v20 =	vld [tilespmem:s1+$0x380]  }
0x23: {  	v13 =	vand.u32 $0x79, v13;
	v25 =	vand.u32 $0x7A, v14;
	v16 =	vbroadcast v5, $0x0;
	v11 =	vld [tilespmem:s1+$0xFFFFFC00]  }
0x24: {  	s14 =	simm.s32 $0xD;
	v14 =	vbroadcast v7, $0x0;
	v10 =	vbroadcast v10, $0x0;
	v5 =	vor.u32 v0, v22;
	v26 =	vld [tilespmem:s1+$0xFFFFFC80]  }
0x25: {  	v19 =	vmov s14;
	v27 =	vand.u32 $0x7B, v15;
	v15 =	vor.u32 v0, v4;
	v28 =	vld [tilespmem:s1+$0xFFFFFD00]  }
0x26: {  	v24 =	vand.u32 $0x78, v12;
	v6 =	vand.u32 $0x7C, v18;
	v18 =	vor.u32 v0, v16;
	v29 =	vld [tilespmem:s1+$0xFFFFFD80]  }
0x27: {  	v7 =	vor.u32 v0, v17;
	v12 =	vbroadcast v8, $0x0;
	v30 =	vld [tilespmem:s1+$0xFFFFFE00];
	v8 =	vmul.f32 $8.000000000e+00, v20  }
0x28: {  	s31 =	simm.s32 $0xE;
	v31 =	vor.u32 v0, v14;
	v32 =	vld [tilespmem:s1+$0xFFFFFE80];
	v20 =	vmul.f32 $8.000000000e+00, v11;
	v11 =	vbroadcast v9, $0x0  }
0x29: {  	v21 =	vmov s31;
	v33 =	vld [tilespmem:s1+$0xFFFFFF00];
	v9 =	vmul.f32 $8.000000000e+00, v26;
	v26 =	vor.u32 v0, v12;
	[tilespmem:v5+s18+$0x0] =	vst.idx.msk $0xffff, v8  }
0x2a: {  	[tilespmem:v15+s18+$0x0] =	vst.idx.msk $0xffff, v20;
	v5 =	vmul.f32 $8.000000000e+00, v28;
	v8 =	vor.u32 v0, v11;
	v28 =	vand.u32 $0x7D, v19;
	v34 =	vld [tilespmem:s1+$0x390]  }
0x2b: {  	v35 =	vld [tilespmem:s1+$0xFFFFFF80];
	[tilespmem:v18+s18+$0x0] =	vst.idx.msk $0xffff, v9;
	v9 =	vmul.f32 $8.000000000e+00, v29;
	v29 =	vor.u32 v0, v10;
	v18 =	vbroadcast v23, $0x0  }
0x2c: {  	v15 =	vbroadcast v24, $0x0;
	v23 =	vor.u32 v1, v22;
	[tilespmem:v7+s18+$0x0] =	vst.idx.msk $0xffff, v5;
	v5 =	vmul.f32 $8.000000000e+00, v30;
	v7 =	vld [tilespmem:s1+$0x0]  }
0x2d: {  	v19 =	vbroadcast v13, $0x0;
	[tilespmem:v31+s18+$0x0] =	vst.idx.msk $0xffff, v9;
	v9 =	vmul.f32 $8.000000000e+00, v32;
	v24 =	vor.u32 v0, v18;
	v30 =	vld [tilespmem:s1+$0x80]  }
0x2e: {  	v20 =	vbroadcast v25, $0x0;
	v31 =	vld [tilespmem:s1+$0x100];
	[tilespmem:v26+s18+$0x0] =	vst.idx.msk $0xffff, v5;
	v5 =	vmul.f32 $8.000000000e+00, v33;
	v26 =	vor.u32 v0, v15  }
0x2f: {  	v13 =	vbroadcast v27, $0x0;
	[tilespmem:v8+s18+$0x0] =	vst.idx.msk $0xffff, v9;
	v8 =	vor.u32 v0, v19;
	v9 =	vld [tilespmem:s1+$0x180];
	v25 =	vmul.f32 $8.000000000e+00, v34  }
0x30: {  	v6 =	vbroadcast v6, $0x0;
	v40 =	vld [tilespmem:s1+$0x200];
	v27 =	vmul.f32 $8.000000000e+00, v35;
	[tilespmem:v29+s18+$0x0] =	vst.idx.msk $0xffff, v5;
	v29 =	vor.u32 v0, v20  }
0x31: {  	v42 =	vld [tilespmem:s1+$0x280];
	v41 =	vor.u32 v0, v13;
	v5 =	vbroadcast v28, $0x0;
	v7 =	vmul.f32 $8.000000000e+00, v7;
	[tilespmem:v23+s18+$0x0] =	vst.idx.msk $0xffff, v25  }
0x32: {  	v21 =	vand.u32 $0x7E, v21;
	[tilespmem:v24+s18+$0x0] =	vst.idx.msk $0xffff, v27;
	v24 =	vor.u32 v0, v6;
	v23 =	vmul.f32 $8.000000000e+00, v30;
	v25 =	vld [tilespmem:s1+$0x3A0]  }
0x33: {  	v28 =	vld [tilespmem:s1+$0x300];
	v27 =	vor.u32 v0, v5;
	[tilespmem:v26+s18+$0x0] =	vst.idx.msk $0xffff, v7;
	v26 =	vmul.f32 $8.000000000e+00, v31;
	v7 =	vbroadcast v21, $0x0  }
0x34: {  	v21 =	vld [tilespmem:s1+$0xFFFFFC90];
	[tilespmem:v8+s18+$0x0] =	vst.idx.msk $0xffff, v23;
	v8 =	vmul.f32 $8.000000000e+00, v9;
	v9 =	vor.u32 v2, v22  }
0x35: {  	v23 =	vld [tilespmem:s1+$0xFFFFFD10];
	[tilespmem:v29+s18+$0x0] =	vst.idx.msk $0xffff, v26;
	v26 =	vmul.f32 $8.000000000e+00, v40;
	v29 =	vor.u32 v0, v7  }
0x36: {  	v30 =	vor.u32 v1, v16;
	v31 =	vld [tilespmem:s1+$0xFFFFFD90];
	[tilespmem:v41+s18+$0x0] =	vst.idx.msk $0xffff, v8;
	v8 =	vmul.f32 $8.000000000e+00, v42  }
0x37: {  	v43 =	vor.u32 v1, v17;
	v44 =	vld [tilespmem:s1+$0xFFFFFE10];
	[tilespmem:v24+s18+$0x0] =	vst.idx.msk $0xffff, v26;
	v24 =	vmul.f32 $8.000000000e+00, v25  }
0x38: {  	v26 =	vld [tilespmem:s1+$0xFFFFFE90];
	v25 =	vor.u32 v1, v14;
	[tilespmem:v27+s18+$0x0] =	vst.idx.msk $0xffff, v8;
	v8 =	vmul.f32 $8.000000000e+00, v28  }
0x39: {  	v21 =	vmul.f32 $8.000000000e+00, v21;
	v27 =	vor.u32 v1, v12;
	v28 =	vld [tilespmem:s1+$0xFFFFFF10];
	[tilespmem:v9+s18+$0x0] =	vst.idx.msk $0xffff, v24  }
0x3a: {  	v9 =	vmul.f32 $8.000000000e+00, v23;
	v23 =	vor.u32 v1, v11;
	[tilespmem:v29+s18+$0x0] =	vst.idx.msk $0xffff, v8;
	v8 =	vld [tilespmem:s1+$0x3B0]  }
0x3b: {  	[tilespmem:v30+s18+$0x0] =	vst.idx.msk $0xffff, v21;
	v21 =	vmul.f32 $8.000000000e+00, v31;
	v24 =	vor.u32 v1, v10;
	v29 =	vld [tilespmem:s1+$0xFFFFFF90]  }
0x3c: {  	v22 =	vor.u32 v3, v22;
	v30 =	vld [tilespmem:s1+$0x10];
	[tilespmem:v43+s18+$0x0] =	vst.idx.msk $0xffff, v9;
	v9 =	vmul.f32 $8.000000000e+00, v44  }
0x3d: {  	[tilespmem:v25+s18+$0x0] =	vst.idx.msk $0xffff, v21;
	v21 =	vmul.f32 $8.000000000e+00, v26;
	v25 =	vor.u32 v1, v18;
	v26 =	vld [tilespmem:s1+$0x90]  }
0x3e: {  	[tilespmem:v27+s18+$0x0] =	vst.idx.msk $0xffff, v9;
	v9 =	vmul.f32 $8.000000000e+00, v28;
	v27 =	vor.u32 v1, v15;
	v28 =	vld [tilespmem:s1+$0x110]  }
0x3f: {  	[tilespmem:v23+s18+$0x0] =	vst.idx.msk $0xffff, v21;
	v21 =	vor.u32 v1, v19;
	v23 =	vld [tilespmem:s1+$0x190];
	v8 =	vmul.f32 $8.000000000e+00, v8  }
0x40: {  	[tilespmem:v24+s18+$0x0] =	vst.idx.msk $0xffff, v9;
	v9 =	vmul.f32 $8.000000000e+00, v29;
	v24 =	vor.u32 v1, v20;
	v29 =	vld [tilespmem:s1+$0x210]  }
0x41: {  	v45 =	vld [tilespmem:s1+$0x290];
	v31 =	vor.u32 v1, v13;
	v30 =	vmul.f32 $8.000000000e+00, v30;
	[tilespmem:v22+s18+$0x0] =	vst.idx.msk $0xffff, v8  }
0x42: {  	[tilespmem:v25+s18+$0x0] =	vst.idx.msk $0xffff, v9;
	v8 =	vmul.f32 $8.000000000e+00, v26;
	v9 =	vor.u32 v1, v6;
	v22 =	vld [tilespmem:s1+$0x310]  }
0x43: {  	s13 =	simm.s32 $0x10;
	v25 =	vld [tilespmem:s1+$0xFFFFFC10];
	[tilespmem:v27+s18+$0x0] =	vst.idx.msk $0xffff, v30;
	v26 =	vmul.f32 $8.000000000e+00, v28;
	v27 =	vor.u32 v1, v5  }
0x44: {  	v28 =	vmov s13;
	v30 =	vld [tilespmem:s1+$0xFFFFFCA0];
	[tilespmem:v21+s18+$0x0] =	vst.idx.msk $0xffff, v8;
	v8 =	vmul.f32 $8.000000000e+00, v23;
	v21 =	vor.u32 v1, v7  }
0x45: {  	v46 =	vld [tilespmem:s1+$0xFFFFFD20];
	v23 =	vand.u32 $0x70, v28;
	v28 =	vor.u32 v1, v4;
	[tilespmem:v24+s18+$0x0] =	vst.idx.msk $0xffff, v26;
	v24 =	vmul.f32 $8.000000000e+00, v29  }
0x46: {  	v48 =	vor.u32 v2, v17;
	v47 =	vld [tilespmem:s1+$0xFFFFFDA0];
	v29 =	vor.u32 v2, v16;
	[tilespmem:v31+s18+$0x0] =	vst.idx.msk $0xffff, v8;
	v8 =	vmul.f32 $8.000000000e+00, v45  }
0x47: {  	v17 =	vor.u32 v3, v17;
	v62 =	vor.u32 v3, v10;
	v49 =	vld [tilespmem:s1+$0xFFFFFE20];
	[tilespmem:v9+s18+$0x0] =	vst.idx.msk $0xffff, v24;
	v9 =	vmul.f32 $8.000000000e+00, v22  }
0x48: {  	v55 =	vor.u32 v2, v6;
	v36 =	vld [tilespmem:s1+$0xFFFFFEA0];
	v22 =	vmul.f32 $8.000000000e+00, v25;
	v25 =	vor.u32 v2, v14;
	[tilespmem:v27+s18+$0x0] =	vst.idx.msk $0xffff, v8  }
0x49: {  	v50 =	vor.u32 v2, v18;
	v37 =	vld [tilespmem:s1+$0xFFFFFF20];
	v8 =	vmul.f32 $8.000000000e+00, v30;
	v30 =	vor.u32 v2, v12;
	[tilespmem:v21+s18+$0x0] =	vst.idx.msk $0xffff, v9  }
0x4a: {  	v56 =	vor.u32 v2, v5;
	[tilespmem:v28+s18+$0x0] =	vst.idx.msk $0xffff, v22;
	v9 =	vmul.f32 $8.000000000e+00, v46;
	v21 =	vor.u32 v2, v11;
	v22 =	vld [tilespmem:s1+$0xFFFFFFA0]  }
0x4b: {  	s14 =	simm.s32 $0x11;
	v57 =	vor.u32 v2, v7;
	v28 =	vor.u32 v2, v10;
	[tilespmem:v29+s18+$0x0] =	vst.idx.msk $0xffff, v8;
	v8 =	vmul.f32 $8.000000000e+00, v47;
	v29 =	vld [tilespmem:s1+$0x20]  }
0x4c: {  	v42 =	vor.u32 v2, v20;
	v26 =	vmov s14;
	v51 =	vld [tilespmem:s1+$0xA0];
	[tilespmem:v48+s18+$0x0] =	vst.idx.msk $0xffff, v9;
	v9 =	vmul.f32 $8.000000000e+00, v49  }
0x4d: {  	s31 =	simm.s32 $0x12;
	v16 =	vor.u32 v3, v16;
	v47 =	vld [tilespmem:s1+$0xFFFFFCB0];
	[tilespmem:v25+s18+$0x0] =	vst.idx.msk $0xffff, v8;
	v8 =	vmul.f32 $8.000000000e+00, v36;
	v25 =	vor.u32 v2, v15  }
0x4e: {  	s13 =	simm.s32 $0x13;
	v31 =	vmov s31;
	v52 =	vld [tilespmem:s1+$0x120];
	[tilespmem:v30+s18+$0x0] =	vst.idx.msk $0xffff, v9;
	v9 =	vmul.f32 $8.000000000e+00, v37;
	v30 =	vor.u32 v2, v19  }
0x4f: {  	s31 =	simm.s32 $0x15;
	v33 =	vand.u32 $0x71, v26;
	v24 =	vmov s13;
	v54 =	vld [tilespmem:s1+$0x1A0];
	[tilespmem:v21+s18+$0x0] =	vst.idx.msk $0xffff, v8;
	v8 =	vmul.f32 $8.000000000e+00, v22  }
0x50: {  	s14 =	simm.s32 $0x14;
	v38 =	vmov s31;
	v14 =	vor.u32 v3, v14;
	v26 =	vld [tilespmem:s1+$0xFFFFFDB0];
	[tilespmem:v28+s18+$0x0] =	vst.idx.msk $0xffff, v9;
	v9 =	vmul.f32 $8.000000000e+00, v29  }
0x51: {  	s13 =	simm.s32 $0x16;
	v27 =	vmov s14;
	v43 =	vld [tilespmem:s1+$0x220];
	v28 =	vor.u32 v2, v13;
	[tilespmem:v50+s18+$0x0] =	vst.idx.msk $0xffff, v8;
	v8 =	vmul.f32 $8.000000000e+00, v51  }
0x52: {  	s31 =	simm.s32 $0x18;
	v39 =	vmov s13;
	v32 =	vand.u32 $0x74, v27;
	v58 =	vld [tilespmem:s1+$0xFFFFFE30];
	v27 =	vmul.f32 $8.000000000e+00, v47;
	[tilespmem:v25+s18+$0x0] =	vst.idx.msk $0xffff, v9  }
0x53: {  	s14 =	simm.s32 $0x17;
	v40 =	vmov s31;
	s13 =	simm.s32 $0x19;
	v12 =	vor.u32 v3, v12;
	v46 =	vld [tilespmem:s1+$0xFFFFFC20];
	v25 =	vmul.f32 $8.000000000e+00, v52;
	[tilespmem:v30+s18+$0x0] =	vst.idx.msk $0xffff, v8  }
0x54: {  	v34 =	vmov s14;
	v53 =	vmov s13;
	v29 =	vld [tilespmem:s1+$0x2A0];
	v30 =	vmul.f32 $8.000000000e+00, v54;
	[tilespmem:v16+s18+$0x0] =	vst.idx.msk $0xffff, v27  }
0x55: {  	s31 =	simm.s32 $0x1B;
	v48 =	vld [tilespmem:s1+$0xFFFFFD30];
	v8 =	vbroadcast v23, $0x0;
	v23 =	vor.u32 v2, v4;
	v16 =	vmul.f32 $8.000000000e+00, v26;
	[tilespmem:v42+s18+$0x0] =	vst.idx.msk $0xffff, v25  }
0x56: {  	s14 =	simm.s32 $0x1A;
	v44 =	vmov s31;
	s13 =	simm.s32 $0x1C;
	v11 =	vor.u32 v3, v11;
	v59 =	vld [tilespmem:s1+$0xFFFFFEB0];
	v25 =	vmul.f32 $8.000000000e+00, v43;
	[tilespmem:v28+s18+$0x0] =	vst.idx.msk $0xffff, v30  }
0x57: {  	v41 =	vmov s14;
	v45 =	vld [tilespmem:s1+$0x320];
	v22 =	vmov s13;
	v10 =	vmul.f32 $8.000000000e+00, v58;
	[tilespmem:v14+s18+$0x0] =	vst.idx.msk $0xffff, v16  }
0x58: {  	s14 =	simm.s32 $0x1D;
	v60 =	vld [tilespmem:s1+$0xFFFFFF30];
	v30 =	vand.u32 $0x72, v31;
	v31 =	vand.u32 $0x73, v24;
	v24 =	vmul.f32 $8.000000000e+00, v46;
	[tilespmem:v55+s18+$0x0] =	vst.idx.msk $0xffff, v25  }
0x59: {  	s31 =	simm.s32 $0x1E;
	v21 =	vmov s14;
	v13 =	vor.u32 v3, v13;
	v61 =	vld [tilespmem:s1+$0xFFFFFFB0];
	v28 =	vmul.f32 $8.000000000e+00, v29;
	[tilespmem:v12+s18+$0x0] =	vst.idx.msk $0xffff, v10  }
0x5a: {  	v9 =	vmov s31;
	v63 =	vld [tilespmem:s1+$0x30];
	v26 =	vand.u32 $0x78, v40;
	[tilespmem:v23+s18+$0x0] =	vst.idx.msk $0xffff, v24;
	v24 =	vmul.f32 $8.000000000e+00, v48  }
0x5b: {  	v35 =	vld [tilespmem:s1+$0xB0];
	v16 =	vmul.f32 $8.000000000e+00, v59;
	[tilespmem:v56+s18+$0x0] =	vst.idx.msk $0xffff, v28;
	v23 =	vand.u32 $0x77, v34;
	v34 =	vor.u32 v3, v18  }
0x5c: {  	v27 =	vand.u32 $0x7B, v44;
	v25 =	vmul.f32 $8.000000000e+00, v45;
	v18 =	vld [tilespmem:s1+$0x130];
	[tilespmem:v17+s18+$0x0] =	vst.idx.msk $0xffff, v24;
	v17 =	vor.u32 v3, v15  }
0x5d: {  	v29 =	vand.u32 $0x76, v39;
	v12 =	vor.u32 v3, v19;
	v14 =	vld [tilespmem:s1+$0x1B0];
	[tilespmem:v11+s18+$0x0] =	vst.idx.msk $0xffff, v16;
	v15 =	vmul.f32 $8.000000000e+00, v60  }
0x5e: {  	v10 =	vor.u32 v3, v20;
	v28 =	vand.u32 $0x75, v38;
	v19 =	vmul.f32 $8.000000000e+00, v61;
	v11 =	vld [tilespmem:s1+$0x230];
	[tilespmem:v57+s18+$0x0] =	vst.idx.msk $0xffff, v25  }
0x5f: {  	s0 =	simm.s32 $0x20;
	s13 =	simm.s32 $0x1F;
	v25 =	vand.u32 $0x7A, v41;
	v20 =	vmul.f32 $8.000000000e+00, v63;
	v24 =	vand.u32 $0x79, v53;
	[tilespmem:v62+s18+$0x0] =	vst.idx.msk $0xffff, v15;
	v15 =	vld [tilespmem:s1+$0x2B0]  }
.LBB2_3:
0x60: {  	p1 =	slt.u32 s0, $0x70;
	v16 =	vmov s13;
	[tilespmem:v34+s18+$0x0] =	vst.idx.msk $0xffff, v19;
	v19 =	vmul.f32 $8.000000000e+00, v35;
	v6 =	vor.u32 v3, v6;
	v35 =	vld [tilespmem:s1+$0x330]  }
0x61: {  	v5 =	vor.u32 v3, v5;
	v16 =	vand.u32 $0x7F, v16;
	v36 =	vld [tilespmem:s1+$0xFFFFFC30];
	[tilespmem:v17+s18+$0x0] =	vst.idx.msk $0xffff, v20;
	v17 =	vmul.f32 $8.000000000e+00, v18;
	s1 =	sadd.s32 $0x800, s1  }
0x62: {  	v7 =	vor.u32 v3, v7;
	v18 =	vld [tilespmem:s1+$0x380];
	v34 =	vbroadcast v16, $0x0;
	[tilespmem:v12+s18+$0x0] =	vst.idx.msk $0xffff, v19;
	v12 =	vmul.f32 $8.000000000e+00, v14  }
0x63: {  	v22 =	vand.u32 $0x7C, v22;
	v16 =	vor.u32 v3, v4;
	v4 =	vmovc v8;
	v14 =	vld [tilespmem:s1+$0xFFFFFC00];
	[tilespmem:v10+s18+$0x0] =	vst.idx.msk $0xffff, v17;
	v11 =	vmul.f32 $8.000000000e+00, v11  }
0x64: {  	v10 =	vbroadcast v33, $0x0;
	v8 =	vld [tilespmem:s1+$0xFFFFFC80];
	v17 =	vor.u32 v0, v34;
	[tilespmem:v13+s18+$0x0] =	vst.idx.msk $0xffff, v12;
	v12 =	vmul.f32 $8.000000000e+00, v15  }
0x65: {  	v19 =	vor.u32 v0, v4;
	v15 =	vbroadcast v30, $0x0;
	v20 =	vld [tilespmem:s1+$0xFFFFFD00];
	[tilespmem:v6+s18+$0x0] =	vst.idx.msk $0xffff, v11;
	v6 =	vmul.f32 $8.000000000e+00, v35  }
0x66: {  	v30 =	vor.u32 v0, v10;
	v11 =	vbroadcast v31, $0x0;
	v33 =	vld [tilespmem:s1+$0xFFFFFD80];
	v31 =	vmul.f32 $8.000000000e+00, v36;
	[tilespmem:v5+s18+$0x0] =	vst.idx.msk $0xffff, v12  }
0x67: {  	v5 =	vor.u32 v0, v15;
	v12 =	vbroadcast v32, $0x0;
	v35 =	vld [tilespmem:s1+$0xFFFFFE00];
	v18 =	vmul.f32 $8.000000000e+00, v18;
	[tilespmem:v7+s18+$0x0] =	vst.idx.msk $0xffff, v6  }
0x68: {  	v13 =	vbroadcast v28, $0x0;
	v7 =	vor.u32 v0, v11;
	v6 =	vmul.f32 $8.000000000e+00, v14;
	v32 =	vld [tilespmem:s1+$0xFFFFFE80];
	[tilespmem:v16+s18+$0x0] =	vst.idx.msk $0xffff, v31  }
0x69: {  	v16 =	vor.u32 v0, v12;
	v14 =	vbroadcast v29, $0x0;
	v8 =	vmul.f32 $8.000000000e+00, v8;
	v28 =	vld [tilespmem:s1+$0xFFFFFF00];
	[tilespmem:v17+s18+$0x0] =	vst.idx.msk $0xffff, v18  }
0x6a: {  	v21 =	vand.u32 $0x7D, v21;
	v29 =	vor.u32 v0, v13;
	[tilespmem:v19+s18+$0x0] =	vst.idx.msk $0xffff, v6;
	v6 =	vmul.f32 $8.000000000e+00, v20;
	v31 =	vld [tilespmem:s1+$0x390]  }
0x6b: {  	v18 =	vbroadcast v23, $0x0;
	[tilespmem:v30+s18+$0x0] =	vst.idx.msk $0xffff, v8;
	v8 =	vmul.f32 $8.000000000e+00, v33;
	v30 =	vor.u32 v0, v14;
	v33 =	vld [tilespmem:s1+$0xFFFFFF80]  }
0x6c: {  	v17 =	vbroadcast v26, $0x0;
	v26 =	vor.u32 v1, v34;
	[tilespmem:v5+s18+$0x0] =	vst.idx.msk $0xffff, v6;
	v5 =	vmul.f32 $8.000000000e+00, v35;
	v23 =	vld [tilespmem:s1+$0x0]  }
0x6d: {  	v19 =	vbroadcast v24, $0x0;
	[tilespmem:v7+s18+$0x0] =	vst.idx.msk $0xffff, v8;
	v6 =	vmul.f32 $8.000000000e+00, v32;
	v7 =	vor.u32 v0, v18;
	v8 =	vld [tilespmem:s1+$0x80]  }
0x6e: {  	v20 =	vbroadcast v25, $0x0;
	v24 =	vor.u32 v0, v17;
	[tilespmem:v16+s18+$0x0] =	vst.idx.msk $0xffff, v5;
	v5 =	vmul.f32 $8.000000000e+00, v28;
	v28 =	vld [tilespmem:s1+$0x100]  }
0x6f: {  	v25 =	vor.u32 v0, v19;
	v16 =	vbroadcast v27, $0x0;
	[tilespmem:v29+s18+$0x0] =	vst.idx.msk $0xffff, v6;
	v29 =	vld [tilespmem:s1+$0x180];
	v27 =	vmul.f32 $8.000000000e+00, v31  }
0x70: {  	v31 =	vor.u32 v0, v20;
	v6 =	vbroadcast v22, $0x0;
	[tilespmem:v30+s18+$0x0] =	vst.idx.msk $0xffff, v5;
	v30 =	vmul.f32 $8.000000000e+00, v33;
	v32 =	vld [tilespmem:s1+$0x200]  }
0x71: {  	v5 =	vbroadcast v21, $0x0;
	v22 =	vmul.f32 $8.000000000e+00, v23;
	v23 =	vor.u32 v0, v16;
	v33 =	vld [tilespmem:s1+$0x280];
	[tilespmem:v26+s18+$0x0] =	vst.idx.msk $0xffff, v27  }
0x72: {  	v21 =	vor.u32 v0, v6;
	[tilespmem:v7+s18+$0x0] =	vst.idx.msk $0xffff, v30;
	v8 =	vmul.f32 $8.000000000e+00, v8;
	v7 =	vand.u32 $0x7E, v9;
	v9 =	vld [tilespmem:s1+$0x3A0]  }
0x73: {  	[tilespmem:v24+s18+$0x0] =	vst.idx.msk $0xffff, v22;
	v22 =	vmul.f32 $8.000000000e+00, v28;
	v24 =	vor.u32 v0, v5;
	v26 =	vld [tilespmem:s1+$0x300];
	v7 =	vbroadcast v7, $0x0  }
0x74: {  	v27 =	vld [tilespmem:s1+$0xFFFFFC90];
	[tilespmem:v25+s18+$0x0] =	vst.idx.msk $0xffff, v8;
	v8 =	vmul.f32 $8.000000000e+00, v29;
	v25 =	vor.u32 v2, v34  }
0x75: {  	v28 =	vld [tilespmem:s1+$0xFFFFFD10];
	[tilespmem:v31+s18+$0x0] =	vst.idx.msk $0xffff, v22;
	v22 =	vmul.f32 $8.000000000e+00, v32;
	v29 =	vor.u32 v0, v7  }
0x76: {  	v30 =	vor.u32 v1, v10;
	v31 =	vld [tilespmem:s1+$0xFFFFFD90];
	[tilespmem:v23+s18+$0x0] =	vst.idx.msk $0xffff, v8;
	v8 =	vmul.f32 $8.000000000e+00, v33  }
0x77: {  	v23 =	vor.u32 v1, v15;
	v32 =	vld [tilespmem:s1+$0xFFFFFE10];
	[tilespmem:v21+s18+$0x0] =	vst.idx.msk $0xffff, v22;
	v9 =	vmul.f32 $8.000000000e+00, v9  }
0x78: {  	v21 =	vor.u32 v1, v11;
	v22 =	vld [tilespmem:s1+$0xFFFFFE90];
	[tilespmem:v24+s18+$0x0] =	vst.idx.msk $0xffff, v8;
	v8 =	vmul.f32 $8.000000000e+00, v26  }
0x79: {  	v26 =	vor.u32 v1, v12;
	v24 =	vmul.f32 $8.000000000e+00, v27;
	v27 =	vld [tilespmem:s1+$0xFFFFFF10];
	[tilespmem:v25+s18+$0x0] =	vst.idx.msk $0xffff, v9  }
0x7a: {  	v25 =	vor.u32 v1, v13;
	v9 =	vmul.f32 $8.000000000e+00, v28;
	[tilespmem:v29+s18+$0x0] =	vst.idx.msk $0xffff, v8;
	v8 =	vld [tilespmem:s1+$0x3B0]  }
0x7b: {  	v28 =	vor.u32 v1, v14;
	[tilespmem:v30+s18+$0x0] =	vst.idx.msk $0xffff, v24;
	v24 =	vmul.f32 $8.000000000e+00, v31;
	v29 =	vld [tilespmem:s1+$0xFFFFFF90]  }
0x7c: {  	v30 =	vor.u32 v3, v34;
	[tilespmem:v23+s18+$0x0] =	vst.idx.msk $0xffff, v9;
	v9 =	vmul.f32 $8.000000000e+00, v32;
	v23 =	vld [tilespmem:s1+$0x10]  }
0x7d: {  	[tilespmem:v21+s18+$0x0] =	vst.idx.msk $0xffff, v24;
	v21 =	vmul.f32 $8.000000000e+00, v22;
	v22 =	vor.u32 v1, v18;
	v24 =	vld [tilespmem:s1+$0x90]  }
0x7e: {  	[tilespmem:v26+s18+$0x0] =	vst.idx.msk $0xffff, v9;
	v9 =	vmul.f32 $8.000000000e+00, v27;
	v26 =	vor.u32 v1, v17;
	v27 =	vld [tilespmem:s1+$0x110]  }
0x7f: {  	[tilespmem:v25+s18+$0x0] =	vst.idx.msk $0xffff, v21;
	v21 =	vor.u32 v1, v19;
	v25 =	vld [tilespmem:s1+$0x190];
	v8 =	vmul.f32 $8.000000000e+00, v8  }
0x80: {  	[tilespmem:v28+s18+$0x0] =	vst.idx.msk $0xffff, v9;
	v9 =	vmul.f32 $8.000000000e+00, v29;
	v28 =	vor.u32 v1, v20;
	v29 =	vld [tilespmem:s1+$0x210]  }
0x81: {  	v31 =	vor.u32 v1, v16;
	v23 =	vmul.f32 $8.000000000e+00, v23;
	v32 =	vld [tilespmem:s1+$0x290];
	[tilespmem:v30+s18+$0x0] =	vst.idx.msk $0xffff, v8  }
0x82: {  	[tilespmem:v22+s18+$0x0] =	vst.idx.msk $0xffff, v9;
	v8 =	vmul.f32 $8.000000000e+00, v24;
	v9 =	vor.u32 v1, v6;
	v22 =	vld [tilespmem:s1+$0x310]  }
0x83: {  	v24 =	vld [tilespmem:s1+$0xFFFFFC10];
	[tilespmem:v26+s18+$0x0] =	vst.idx.msk $0xffff, v23;
	v23 =	vmul.f32 $8.000000000e+00, v27;
	v26 =	vor.u32 v1, v5  }
0x84: {  	v27 =	vmov s0;
	v30 =	vld [tilespmem:s1+$0xFFFFFCA0];
	[tilespmem:v21+s18+$0x0] =	vst.idx.msk $0xffff, v8;
	v8 =	vmul.f32 $8.000000000e+00, v25;
	v21 =	vor.u32 v1, v7  }
0x85: {  	s13 =	sadd.s32 $0x1, s0;
	v25 =	vand.u32 $0x70, v27;
	v27 =	vor.u32 v1, v4;
	v33 =	vld [tilespmem:s1+$0xFFFFFD20];
	[tilespmem:v28+s18+$0x0] =	vst.idx.msk $0xffff, v23;
	v23 =	vmul.f32 $8.000000000e+00, v29  }
0x86: {  	v28 =	vmov s13;
	s13 =	sadd.s32 $0x2, s0;
	v29 =	vor.u32 v2, v10;
	v34 =	vld [tilespmem:s1+$0xFFFFFDA0];
	[tilespmem:v31+s18+$0x0] =	vst.idx.msk $0xffff, v8;
	v8 =	vmul.f32 $8.000000000e+00, v32  }
0x87: {  	v31 =	vmov s13;
	s13 =	sadd.s32 $0x3, s0;
	v32 =	vor.u32 v2, v15;
	v35 =	vld [tilespmem:s1+$0xFFFFFE20];
	[tilespmem:v9+s18+$0x0] =	vst.idx.msk $0xffff, v23;
	v9 =	vmul.f32 $8.000000000e+00, v22  }
0x88: {  	v23 =	vmov s13;
	s13 =	sadd.s32 $0x4, s0;
	v22 =	vmul.f32 $8.000000000e+00, v24;
	v24 =	vor.u32 v2, v11;
	v36 =	vld [tilespmem:s1+$0xFFFFFEA0];
	[tilespmem:v26+s18+$0x0] =	vst.idx.msk $0xffff, v8  }
0x89: {  	v26 =	vmov s13;
	s13 =	sadd.s32 $0x5, s0;
	v8 =	vmul.f32 $8.000000000e+00, v30;
	v30 =	vor.u32 v2, v12;
	v37 =	vld [tilespmem:s1+$0xFFFFFF20];
	[tilespmem:v21+s18+$0x0] =	vst.idx.msk $0xffff, v9  }
0x8a: {  	v38 =	vmov s13;
	s13 =	sadd.s32 $0x6, s0;
	v21 =	vor.u32 v2, v13;
	[tilespmem:v27+s18+$0x0] =	vst.idx.msk $0xffff, v22;
	v9 =	vmul.f32 $8.000000000e+00, v33;
	v22 =	vld [tilespmem:s1+$0xFFFFFFA0]  }
0x8b: {  	v27 =	vmov s13;
	s13 =	sadd.s32 $0x7, s0;
	[tilespmem:v29+s18+$0x0] =	vst.idx.msk $0xffff, v8;
	v8 =	vmul.f32 $8.000000000e+00, v34;
	v29 =	vor.u32 v2, v14;
	v33 =	vld [tilespmem:s1+$0x20]  }
0x8c: {  	v34 =	vmov s13;
	s13 =	sadd.s32 $0x8, s0;
	[tilespmem:v32+s18+$0x0] =	vst.idx.msk $0xffff, v9;
	v9 =	vmul.f32 $8.000000000e+00, v35;
	v32 =	vor.u32 v2, v18;
	v35 =	vld [tilespmem:s1+$0xA0]  }
0x8d: {  	v39 =	vmov s13;
	s13 =	sadd.s32 $0x9, s0;
	[tilespmem:v24+s18+$0x0] =	vst.idx.msk $0xffff, v8;
	v8 =	vmul.f32 $8.000000000e+00, v36;
	v24 =	vor.u32 v2, v17;
	v36 =	vld [tilespmem:s1+$0x120]  }
0x8e: {  	v40 =	vmov s13;
	s13 =	sadd.s32 $0xA, s0;
	[tilespmem:v30+s18+$0x0] =	vst.idx.msk $0xffff, v9;
	v9 =	vmul.f32 $8.000000000e+00, v37;
	v30 =	vor.u32 v2, v19;
	v37 =	vld [tilespmem:s1+$0x1A0]  }
0x8f: {  	v42 =	vor.u32 v2, v20;
	v41 =	vmov s13;
	s13 =	sadd.s32 $0xB, s0;
	[tilespmem:v21+s18+$0x0] =	vst.idx.msk $0xffff, v8;
	v8 =	vmul.f32 $8.000000000e+00, v22;
	v43 =	vld [tilespmem:s1+$0x220]  }
0x90: {  	v44 =	vmov s13;
	s13 =	sadd.s32 $0xC, s0;
	[tilespmem:v29+s18+$0x0] =	vst.idx.msk $0xffff, v9;
	v9 =	vmul.f32 $8.000000000e+00, v33;
	v29 =	vor.u32 v2, v16;
	v45 =	vld [tilespmem:s1+$0x2A0]  }
0x91: {  	v22 =	vmov s13;
	s13 =	sadd.s32 $0xD, s0;
	[tilespmem:v32+s18+$0x0] =	vst.idx.msk $0xffff, v8;
	v8 =	vmul.f32 $8.000000000e+00, v35;
	v32 =	vor.u32 v2, v6;
	v35 =	vld [tilespmem:s1+$0x320]  }
0x92: {  	v21 =	vmov s13;
	s13 =	sadd.s32 $0xE, s0;
	v46 =	vld [tilespmem:s1+$0xFFFFFC20];
	[tilespmem:v24+s18+$0x0] =	vst.idx.msk $0xffff, v9;
	v24 =	vmul.f32 $8.000000000e+00, v36;
	v36 =	vor.u32 v2, v5  }
0x93: {  	v9 =	vmov s13;
	v47 =	vld [tilespmem:s1+$0xFFFFFCB0];
	[tilespmem:v30+s18+$0x0] =	vst.idx.msk $0xffff, v8;
	v30 =	vmul.f32 $8.000000000e+00, v37;
	v37 =	vor.u32 v2, v7  }
0x94: {  	v8 =	vbroadcast v25, $0x0;
	v25 =	vor.u32 v2, v4;
	v48 =	vld [tilespmem:s1+$0xFFFFFD30];
	[tilespmem:v42+s18+$0x0] =	vst.idx.msk $0xffff, v24;
	v24 =	vmul.f32 $8.000000000e+00, v43  }
0x95: {  	v10 =	vor.u32 v3, v10;
	v33 =	vand.u32 $0x71, v28;
	v42 =	vld [tilespmem:s1+$0xFFFFFDB0];
	[tilespmem:v29+s18+$0x0] =	vst.idx.msk $0xffff, v30;
	v28 =	vmul.f32 $8.000000000e+00, v45  }
0x96: {  	v15 =	vor.u32 v3, v15;
	v30 =	vand.u32 $0x72, v31;
	v43 =	vld [tilespmem:s1+$0xFFFFFE30];
	[tilespmem:v32+s18+$0x0] =	vst.idx.msk $0xffff, v24;
	v24 =	vmul.f32 $8.000000000e+00, v35  }
0x97: {  	v11 =	vor.u32 v3, v11;
	v31 =	vand.u32 $0x73, v23;
	v23 =	vmul.f32 $8.000000000e+00, v46;
	v45 =	vld [tilespmem:s1+$0xFFFFFEB0];
	[tilespmem:v36+s18+$0x0] =	vst.idx.msk $0xffff, v28  }
0x98: {  	v12 =	vor.u32 v3, v12;
	v32 =	vand.u32 $0x74, v26;
	v26 =	vmul.f32 $8.000000000e+00, v47;
	v36 =	vld [tilespmem:s1+$0xFFFFFF30];
	[tilespmem:v37+s18+$0x0] =	vst.idx.msk $0xffff, v24  }
0x99: {  	v13 =	vor.u32 v3, v13;
	v28 =	vand.u32 $0x75, v38;
	[tilespmem:v25+s18+$0x0] =	vst.idx.msk $0xffff, v23;
	v24 =	vmul.f32 $8.000000000e+00, v48;
	v37 =	vld [tilespmem:s1+$0xFFFFFFB0]  }
0x9a: {  	v29 =	vand.u32 $0x76, v27;
	v38 =	vor.u32 v3, v14;
	[tilespmem:v10+s18+$0x0] =	vst.idx.msk $0xffff, v26;
	v10 =	vmul.f32 $8.000000000e+00, v42;
	v42 =	vld [tilespmem:s1+$0x30]  }
.Ltmp0:
0x9b: {  	v23 =	vand.u32 $0x77, v34;
	v34 =	vor.u32 v3, v18;
	[tilespmem:v15+s18+$0x0] =	vst.idx.msk $0xffff, v24;
	v14 =	vmul.f32 $8.000000000e+00, v43;
	v35 =	vld [tilespmem:s1+$0xB0];
	(pc) =	sbr.rel @p1 .LBB2_3-.Ltmp0, $4  }
0x9c: {  	v17 =	vor.u32 v3, v17;
	v26 =	vand.u32 $0x78, v39;
	[tilespmem:v11+s18+$0x0] =	vst.idx.msk $0xffff, v10;
	v10 =	vmul.f32 $8.000000000e+00, v45;
	v18 =	vld [tilespmem:s1+$0x130]  }
0x9d: {  	v24 =	vand.u32 $0x79, v40;
	[tilespmem:v12+s18+$0x0] =	vst.idx.msk $0xffff, v14;
	v15 =	vmul.f32 $8.000000000e+00, v36;
	v12 =	vor.u32 v3, v19;
	v14 =	vld [tilespmem:s1+$0x1B0]  }
0x9e: {  	v25 =	vand.u32 $0x7A, v41;
	[tilespmem:v13+s18+$0x0] =	vst.idx.msk $0xffff, v10;
	v19 =	vmul.f32 $8.000000000e+00, v37;
	v10 =	vor.u32 v3, v20;
	v11 =	vld [tilespmem:s1+$0x230]  }
0x9f: {  	s13 =	sadd.s32 $0xF, s0;
	s0 =	sadd.s32 $0x10, s0;
	v27 =	vand.u32 $0x7B, v44;
	v13 =	vor.u32 v3, v16;
	[tilespmem:v38+s18+$0x0] =	vst.idx.msk $0xffff, v15;
	v20 =	vmul.f32 $8.000000000e+00, v42;
	v15 =	vld [tilespmem:s1+$0x2B0]  }
0xa0: {  	_ =	sdelay $0x3  }
0xa1: {  	v16 =	vmov s13;
	[tilespmem:v34+s18+$0x0] =	vst.idx.msk $0xffff, v19;
	v55 =	vmul.f32 $8.000000000e+00, v35;
	v56 =	vld [tilespmem:s1+$0x330]  }
0xa2: {  	v6 =	vor.u32 v3, v6;
	v57 =	vld [tilespmem:s1+$0xFFFFFC30];
	v59 =	vor.u32 v3, v5;
	s0 =	sadd.s32 $0x800, s1;
	v61 =	vor.u32 v3, v7  }
0xa3: {  	v19 =	vand.u32 $0x7C, v22;
	v63 =	vor.u32 v3, v4;
	[tilespmem:v17+s18+$0x0] =	vst.idx.msk $0xffff, v20;
	v58 =	vmul.f32 $8.000000000e+00, v18;
	v60 =	vld [tilespmem:s0+$0x380]  }
0xa4: {  	v4 =	vbroadcast v33, $0x0;
	v40 =	vor.u32 v0, v8;
	v62 =	vld [tilespmem:s0+$0xFFFFFC00];
	[tilespmem:v12+s18+$0x0] =	vst.idx.msk $0xffff, v55;
	v5 =	vmul.f32 $8.000000000e+00, v14  }
0xa5: {  	v7 =	vbroadcast v32, $0x0;
	v16 =	vand.u32 $0x7F, v16;
	v37 =	vld [tilespmem:s0+$0xFFFFFC80];
	[tilespmem:v10+s18+$0x0] =	vst.idx.msk $0xffff, v58;
	v22 =	vmul.f32 $8.000000000e+00, v11  }
0xa6: {  	v9 =	vand.u32 $0x7E, v9;
	v47 =	vld [tilespmem:s0+$0xFFFFFE00];
	v36 =	vbroadcast v16, $0x0;
	[tilespmem:v13+s18+$0x0] =	vst.idx.msk $0xffff, v5;
	v39 =	vmul.f32 $8.000000000e+00, v15  }
0xa7: {  	v41 =	vld [tilespmem:s0+$0xFFFFFD00];
	v43 =	vor.u32 v0, v4;
	v10 =	vbroadcast v28, $0x0;
	[tilespmem:v6+s18+$0x0] =	vst.idx.msk $0xffff, v22;
	v42 =	vmul.f32 $8.000000000e+00, v56  }
0xa8: {  	v50 =	vld [tilespmem:s0+$0xFFFFFE80];
	v52 =	vor.u32 v0, v7;
	v11 =	vbroadcast v29, $0x0;
	v45 =	vmul.f32 $8.000000000e+00, v57;
	[tilespmem:v59+s18+$0x0] =	vst.idx.msk $0xffff, v39  }
0xa9: {  	v53 =	vld [tilespmem:s0+$0xFFFFFF00];
	v38 =	vor.u32 v0, v36;
	v5 =	vbroadcast v30, $0x0;
	v48 =	vmul.f32 $8.000000000e+00, v62;
	[tilespmem:v61+s18+$0x0] =	vst.idx.msk $0xffff, v42  }
0xaa: {  	v44 =	vld [tilespmem:s0+$0xFFFFFD80];
	v6 =	vbroadcast v31, $0x0;
	v55 =	vor.u32 v0, v10;
	v51 =	vmul.f32 $8.000000000e+00, v37;
	[tilespmem:v63+s18+$0x0] =	vst.idx.msk $0xffff, v45  }
0xab: {  	v29 =	vor.u32 v0, v11;
	v20 =	vmul.f32 $8.000000000e+00, v60;
	v59 =	vld [tilespmem:s0+$0xFFFFFF80];
	v60 =	vmul.f32 $8.000000000e+00, v47;
	[tilespmem:v40+s18+$0x0] =	vst.idx.msk $0xffff, v48  }
0xac: {  	v12 =	vbroadcast v23, $0x0;
	v46 =	vor.u32 v0, v5;
	v54 =	vmul.f32 $8.000000000e+00, v41;
	v41 =	vld [tilespmem:s0+$0x100];
	[tilespmem:v43+s18+$0x0] =	vst.idx.msk $0xffff, v51  }
0xad: {  	v15 =	vbroadcast v25, $0x0;
	v49 =	vor.u32 v0, v6;
	v61 =	vld [tilespmem:s0+$0x0];
	v63 =	vmul.f32 $8.000000000e+00, v50;
	[tilespmem:v52+s18+$0x0] =	vst.idx.msk $0xffff, v60  }
0xae: {  	v13 =	vbroadcast v26, $0x0;
	v37 =	vor.u32 v0, v12;
	v39 =	vmul.f32 $8.000000000e+00, v53;
	v43 =	vld [tilespmem:s0+$0x180];
	[tilespmem:v38+s18+$0x0] =	vst.idx.msk $0xffff, v20  }
0xaf: {  	v14 =	vbroadcast v24, $0x0;
	v16 =	vbroadcast v27, $0x0;
	v45 =	vor.u32 v0, v15;
	v38 =	vld [tilespmem:s0+$0x80];
	[tilespmem:v55+s18+$0x0] =	vst.idx.msk $0xffff, v63  }
0xb0: {  	v56 =	vand.u32 $0x7D, v21;
	v58 =	vmul.f32 $8.000000000e+00, v44;
	v40 =	vor.u32 v0, v13;
	v57 =	vld [tilespmem:s0+$0x390];
	[tilespmem:v29+s18+$0x0] =	vst.idx.msk $0xffff, v39  }
0xb1: {  	v17 =	vbroadcast v56, $0x0;
	v42 =	vor.u32 v0, v14;
	v56 =	vld [tilespmem:s0+$0xFFFFFC90];
	[tilespmem:v46+s18+$0x0] =	vst.idx.msk $0xffff, v54;
	v44 =	vmul.f32 $8.000000000e+00, v59  }
0xb2: {  	v18 =	vbroadcast v19, $0x0;
	v62 =	vor.u32 v1, v36;
	v46 =	vld [tilespmem:s0+$0x200];
	v53 =	vmul.f32 $8.000000000e+00, v41;
	[tilespmem:v49+s18+$0x0] =	vst.idx.msk $0xffff, v58  }
0xb3: {  	v9 =	vbroadcast v9, $0x0;
	v48 =	vor.u32 v0, v16;
	v55 =	vld [tilespmem:s0+$0x300];
	v47 =	vmul.f32 $8.000000000e+00, v61;
	[tilespmem:v37+s18+$0x0] =	vst.idx.msk $0xffff, v44  }
0xb4: {  	v51 =	vor.u32 v0, v18;
	v49 =	vld [tilespmem:s0+$0x280];
	[tilespmem:v45+s18+$0x0] =	vst.idx.msk $0xffff, v53;
	v50 =	vmul.f32 $8.000000000e+00, v38  }
0xb5: {  	v59 =	vld [tilespmem:s0+$0xFFFFFD10];
	v61 =	vor.u32 v0, v9;
	[tilespmem:v40+s18+$0x0] =	vst.idx.msk $0xffff, v47;
	v21 =	vmul.f32 $8.000000000e+00, v57  }
0xb6: {  	v54 =	vor.u32 v0, v17;
	v41 =	vld [tilespmem:s0+$0xFFFFFE90];
	v57 =	vmul.f32 $8.000000000e+00, v43;
	[tilespmem:v42+s18+$0x0] =	vst.idx.msk $0xffff, v50  }
0xb7: {  	v63 =	vld [tilespmem:s0+$0xFFFFFD90];
	v37 =	vor.u32 v1, v5;
	v60 =	vmul.f32 $8.000000000e+00, v46;
	[tilespmem:v62+s18+$0x0] =	vst.idx.msk $0xffff, v21  }
0xb8: {  	v45 =	vld [tilespmem:s0+$0xFFFFFF10];
	v47 =	vor.u32 v1, v10;
	v42 =	vmul.f32 $8.000000000e+00, v55;
	[tilespmem:v48+s18+$0x0] =	vst.idx.msk $0xffff, v57  }
0xb9: {  	v40 =	vor.u32 v1, v6;
	v53 =	vld [tilespmem:s0+$0x10];
	v35 =	vmul.f32 $8.000000000e+00, v49;
	[tilespmem:v51+s18+$0x0] =	vst.idx.msk $0xffff, v60  }
0xba: {  	v62 =	vor.u32 v1, v4;
	v46 =	vmul.f32 $8.000000000e+00, v59;
	v57 =	vld [tilespmem:s0+$0x90];
	[tilespmem:v61+s18+$0x0] =	vst.idx.msk $0xffff, v42  }
0xbb: {  	v55 =	vmul.f32 $8.000000000e+00, v41;
	v59 =	vor.u32 v1, v13;
	v52 =	vld [tilespmem:s0+$0x3A0];
	[tilespmem:v54+s18+$0x0] =	vst.idx.msk $0xffff, v35  }
0xbc: {  	v38 =	vld [tilespmem:s0+$0xFFFFFE10];
	v49 =	vmul.f32 $8.000000000e+00, v63;
	v61 =	vor.u32 v1, v14;
	[tilespmem:v37+s18+$0x0] =	vst.idx.msk $0xffff, v46  }
0xbd: {  	v58 =	vor.u32 v2, v36;
	v43 =	vmul.f32 $8.000000000e+00, v56;
	v51 =	vld [tilespmem:s0+$0xFFFFFF90];
	[tilespmem:v47+s18+$0x0] =	vst.idx.msk $0xffff, v55  }
0xbe: {  	v44 =	vor.u32 v1, v7;
	v37 =	vld [tilespmem:s0+$0x210];
	[tilespmem:v40+s18+$0x0] =	vst.idx.msk $0xffff, v49;
	v23 =	vmul.f32 $8.000000000e+00, v53  }
0xbf: {  	v56 =	vor.u32 v1, v12;
	v60 =	vld [tilespmem:s0+$0x110];
	[tilespmem:v62+s18+$0x0] =	vst.idx.msk $0xffff, v43;
	v40 =	vmul.f32 $8.000000000e+00, v57  }
0xc0: {  	v41 =	vor.u32 v1, v18;
	v42 =	vld [tilespmem:s0+$0x310];
	[tilespmem:v59+s18+$0x0] =	vst.idx.msk $0xffff, v23;
	v39 =	vmul.f32 $8.000000000e+00, v52  }
0xc1: {  	v50 =	vor.u32 v1, v11;
	v53 =	vld [tilespmem:s0+$0xFFFFFDA0];
	v52 =	vmul.f32 $8.000000000e+00, v38;
	[tilespmem:v61+s18+$0x0] =	vst.idx.msk $0xffff, v40  }
0xc2: {  	v54 =	vor.u32 v3, v36;
	v36 =	vor.u32 v1, v15;
	v62 =	vld [tilespmem:s0+$0x190];
	v63 =	vmul.f32 $8.000000000e+00, v51;
	[tilespmem:v58+s18+$0x0] =	vst.idx.msk $0xffff, v39  }
0xc3: {  	v43 =	vld [tilespmem:s0+$0xFFFFFC10];
	v59 =	vor.u32 v2, v6;
	v51 =	vmul.f32 $8.000000000e+00, v37;
	[tilespmem:v44+s18+$0x0] =	vst.idx.msk $0xffff, v52  }
0xc4: {  	v38 =	vor.u32 v1, v16;
	v46 =	vld [tilespmem:s0+$0xFFFFFCA0];
	v58 =	vmul.f32 $8.000000000e+00, v45;
	[tilespmem:v56+s18+$0x0] =	vst.idx.msk $0xffff, v63  }
0xc5: {  	v49 =	vor.u32 v1, v8;
	v44 =	vmul.f32 $8.000000000e+00, v60;
	v60 =	vld [tilespmem:s0+$0xFFFFFEA0];
	[tilespmem:v41+s18+$0x0] =	vst.idx.msk $0xffff, v51  }
0xc6: {  	v52 =	vor.u32 v2, v4;
	v48 =	vld [tilespmem:s0+$0x3B0];
	v35 =	vmul.f32 $8.000000000e+00, v53;
	[tilespmem:v50+s18+$0x0] =	vst.idx.msk $0xffff, v58  }
0xc7: {  	v33 =	vor.u32 v2, v10;
	v56 =	vld [tilespmem:s0+$0xFFFFFE20];
	v47 =	vmul.f32 $8.000000000e+00, v62;
	[tilespmem:v36+s18+$0x0] =	vst.idx.msk $0xffff, v44  }
0xc8: {  	v50 =	vld [tilespmem:s0+$0xFFFFFD20];
	v58 =	vmul.f32 $8.000000000e+00, v43;
	[tilespmem:v59+s18+$0x0] =	vst.idx.msk $0xffff, v35  }
0xc9: {  	v37 =	vld [tilespmem:s0+$0x20];
	v62 =	vor.u32 v2, v7;
	v61 =	vmul.f32 $8.000000000e+00, v46;
	[tilespmem:v38+s18+$0x0] =	vst.idx.msk $0xffff, v47  }
0xca: {  	v55 =	vor.u32 v2, v5;
	v39 =	vld [tilespmem:s0+$0x290];
	[tilespmem:v49+s18+$0x0] =	vst.idx.msk $0xffff, v58;
	v41 =	vmul.f32 $8.000000000e+00, v60  }
0xcb: {  	v57 =	vmul.f32 $8.000000000e+00, v42;
	v42 =	vor.u32 v2, v13;
	v63 =	vld [tilespmem:s0+$0xFFFFFF20];
	[tilespmem:v52+s18+$0x0] =	vst.idx.msk $0xffff, v61;
	v20 =	vmul.f32 $8.000000000e+00, v48  }
0xcc: {  	v45 =	vor.u32 v1, v17;
	v34 =	vld [tilespmem:s0+$0xFFFFFFA0];
	v38 =	vmul.f32 $8.000000000e+00, v56;
	[tilespmem:v33+s18+$0x0] =	vst.idx.msk $0xffff, v41  }
0xcd: {  	v36 =	vor.u32 v2, v11;
	v46 =	vld [tilespmem:s0+$0x1A0];
	v30 =	vmul.f32 $8.000000000e+00, v50;
	[tilespmem:v54+s18+$0x0] =	vst.idx.msk $0xffff, v20  }
0xce: {  	v43 =	vld [tilespmem:s0+$0x120];
	v48 =	vor.u32 v1, v9;
	v50 =	vmul.f32 $8.000000000e+00, v37;
	[tilespmem:v62+s18+$0x0] =	vst.idx.msk $0xffff, v38  }
0xcf: {  	v51 =	vor.u32 v2, v16;
	v56 =	vld [tilespmem:s0+$0xFFFFFC20];
	v54 =	vmul.f32 $8.000000000e+00, v39;
	[tilespmem:v55+s18+$0x0] =	vst.idx.msk $0xffff, v30  }
0xd0: {  	v59 =	vld [tilespmem:s0+$0xFFFFFCB0];
	v39 =	vor.u32 v2, v12;
	v44 =	vmul.f32 $8.000000000e+00, v63;
	[tilespmem:v42+s18+$0x0] =	vst.idx.msk $0xffff, v50  }
0xd1: {  	v40 =	vld [tilespmem:s0+$0xA0];
	v62 =	vor.u32 v2, v8;
	[tilespmem:v45+s18+$0x0] =	vst.idx.msk $0xffff, v54  }
0xd2: {  	v4 =	vor.u32 v3, v4;
	v49 =	vld [tilespmem:s0+$0x220];
	[tilespmem:v36+s18+$0x0] =	vst.idx.msk $0xffff, v44;
	v60 =	vmul.f32 $8.000000000e+00, v46  }
0xd3: {  	v47 =	vmul.f32 $8.000000000e+00, v34;
	v37 =	vld [tilespmem:s0+$0xFFFFFDB0];
	v45 =	vor.u32 v2, v14;
	[tilespmem:v48+s18+$0x0] =	vst.idx.msk $0xffff, v57  }
0xd4: {  	v54 =	vor.u32 v2, v18;
	v41 =	vmul.f32 $8.000000000e+00, v56;
	[tilespmem:v51+s18+$0x0] =	vst.idx.msk $0xffff, v60  }
0xd5: {  	v6 =	vor.u32 v3, v6;
	v63 =	vld [tilespmem:s0+$0xFFFFFD30];
	v57 =	vmul.f32 $8.000000000e+00, v43;
	v43 =	vmul.f32 $8.000000000e+00, v59;
	[tilespmem:v39+s18+$0x0] =	vst.idx.msk $0xffff, v47  }
0xd6: {  	v53 =	vmul.f32 $8.000000000e+00, v40;
	v42 =	vld [tilespmem:s0+$0xFFFFFEB0];
	v48 =	vor.u32 v2, v15;
	[tilespmem:v62+s18+$0x0] =	vst.idx.msk $0xffff, v41  }
0xd7: {  	v5 =	vor.u32 v3, v5;
	v36 =	vmul.f32 $8.000000000e+00, v49;
	v52 =	vld [tilespmem:s0+$0x2A0];
	[tilespmem:v4+s18+$0x0] =	vst.idx.msk $0xffff, v43  }
0xd8: {  	v10 =	vor.u32 v3, v10;
	v55 =	vld [tilespmem:s0+$0x320];
	v4 =	vmul.f32 $8.000000000e+00, v37;
	[tilespmem:v45+s18+$0x0] =	vst.idx.msk $0xffff, v53  }
0xd9: {  	v58 =	vor.u32 v2, v17;
	v39 =	vld [tilespmem:s0+$0xFFFFFE30];
	[tilespmem:v54+s18+$0x0] =	vst.idx.msk $0xffff, v36  }
0xda: {  	v61 =	vor.u32 v2, v9;
	v46 =	vld [tilespmem:s0+$0xFFFFFFB0];
	v45 =	vmul.f32 $8.000000000e+00, v63;
	[tilespmem:v6+s18+$0x0] =	vst.idx.msk $0xffff, v4  }
0xdb: {  	v7 =	vor.u32 v3, v7;
	v44 =	vld [tilespmem:s0+$0xFFFFFF30];
	v4 =	vmul.f32 $8.000000000e+00, v42;
	[tilespmem:v48+s18+$0x0] =	vst.idx.msk $0xffff, v57  }
0xdc: {  	v12 =	vor.u32 v3, v12;
	v59 =	vld [tilespmem:s0+$0xFFFFFC30];
	v38 =	vmul.f32 $8.000000000e+00, v52;
	[tilespmem:v5+s18+$0x0] =	vst.idx.msk $0xffff, v45  }
0xdd: {  	v11 =	vor.u32 v3, v11;
	v47 =	vld [tilespmem:s0+$0x30];
	v40 =	vmul.f32 $8.000000000e+00, v55;
	[tilespmem:v10+s18+$0x0] =	vst.idx.msk $0xffff, v4  }
0xde: {  	v62 =	vor.u32 v3, v8;
	v48 =	vld [tilespmem:s0+$0xB0];
	[tilespmem:v58+s18+$0x0] =	vst.idx.msk $0xffff, v38;
	v5 =	vmul.f32 $8.000000000e+00, v39  }
0xdf: {  	v49 =	vor.u32 v3, v13;
	v50 =	vld [tilespmem:s0+$0x130];
	[tilespmem:v61+s18+$0x0] =	vst.idx.msk $0xffff, v40;
	v4 =	vmul.f32 $8.000000000e+00, v46  }
0xe0: {  	v51 =	vor.u32 v3, v14;
	v52 =	vld [tilespmem:s0+$0x1B0];
	[tilespmem:v7+s18+$0x0] =	vst.idx.msk $0xffff, v5;
	v5 =	vmul.f32 $8.000000000e+00, v44  }
0xe1: {  	v53 =	vor.u32 v3, v15;
	v54 =	vld [tilespmem:s0+$0x230];
	v63 =	vmul.f32 $8.000000000e+00, v59;
	[tilespmem:v12+s18+$0x0] =	vst.idx.msk $0xffff, v4  }
0xe2: {  	v55 =	vor.u32 v3, v16;
	v56 =	vld [tilespmem:s0+$0x2B0];
	[tilespmem:v11+s18+$0x0] =	vst.idx.msk $0xffff, v5;
	v5 =	vmul.f32 $8.000000000e+00, v47  }
0xe3: {  	v57 =	vor.u32 v3, v18;
	v58 =	vld [tilespmem:s0+$0x330];
	v4 =	vmul.f32 $8.000000000e+00, v48;
	[tilespmem:v62+s18+$0x0] =	vst.idx.msk $0xffff, v63  }
0xe4: {  	v60 =	vor.u32 v3, v17;
	[tilespmem:v49+s18+$0x0] =	vst.idx.msk $0xffff, v5;
	v5 =	vmul.f32 $8.000000000e+00, v50  }
0xe5: {  	v61 =	vor.u32 v3, v9;
	[tilespmem:v51+s18+$0x0] =	vst.idx.msk $0xffff, v4;
	v4 =	vmul.f32 $8.000000000e+00, v52  }
0xe6: {  	p1 =	sne.s32 s29, $0x31;
	[tilespmem:v53+s18+$0x0] =	vst.idx.msk $0xffff, v5;
	v5 =	vmul.f32 $8.000000000e+00, v54  }
.Ltmp1:
0xe7: {  	s14 =	sshll.u32 s29, $0x14;
	[tilespmem:v55+s18+$0x0] =	vst.idx.msk $0xffff, v4;
	v4 =	vmul.f32 $8.000000000e+00, v56;
	(pc) =	sbr.rel @p1 .LBB2_6-.Ltmp1, $4  }
0xe8: {  	s0 =	sor.u32 s6, s14;
	[tilespmem:v57+s18+$0x0] =	vst.idx.msk $0xffff, v5;
	v5 =	vmul.f32 $8.000000000e+00, v58  }
0xe9: {  	s31 =	sshrl.u32 s0, $0x3;
	[tilespmem:v60+s18+$0x0] =	vst.idx.msk $0xffff, v4  }
0xea: {  	s0 =	sadd.s32 s2, s31;
	[tilespmem:v61+s18+$0x0] =	vst.idx.msk $0xffff, v5  }
0xeb: {  	[hbm4b:s0+s19] =	stream.strided.scatter [tilespmem:s18], [sflag:$0x5], $0x2000, s20, s19, $0x38;
	[tilespmem:$0x1A400] =	vst v63  }
.Ltmp2:
0xec: {  	(pc) =	sbr.rel .LBB2_7-.Ltmp2, $4  }
0xed: {  	_ = 	snop  }
0xee: {  	_ =	swait.ge [sflag:s21], $0x4000  }
0xef: {  	[sflag:s21] =	ssyncset.done $0x0  }
0xf0: {  	[sflag:s21] =	ssyncadd.s32 $0xFFFFC000  }
.LBB2_6:
0xf1: {  	s0 =	sshll.u32 s29, $0x9  }
0xf2: {  	s0 =	sand.u32 $0x3FFFFE00, s0  }
.Ltmp3:
0xf3: {  	s0 =	sadd.s32 $0x200, s0;
	(pc) =	sbr.rel @p0 .LBB2_8-.Ltmp3, $4  }
0xf4: {  	[tilespmem:s12], [sflag:$0x1] =	stream.indirect.gather [hbm4b:s4+s11], $0x80, s0, s11, $0xb8;
	[tilespmem:$0x1A400] =	vst v63  }
0xf5: {  	_ =	swait.ge [sflag:s21], $0x4000  }
0xf6: {  	[sflag:s21] =	ssyncset.done $0x0  }
0xf7: {  	[sflag:s21] =	ssyncadd.s32 $0xFFFFC000  }
.LBB2_7:
0xf8: {  	_ =	swait.ge [sflag:s22], $0x2000  }
0xf9: {  	[sflag:s22] =	ssyncset.done $0x0  }
0xfa: {  	[sflag:s22] =	ssyncadd.s32 $0xFFFFE000  }
.LBB2_8:
0xfb: {  	s0 =	simm.s32 $0x0;
	s14 =	simm.s32 $0x1  }
0xfc: {  	s1 =	simm.s32 $0x2;
	s13 =	simm.s32 $0x3;
	v4 =	vmov s0;
	v5 =	vmov s14  }
0xfd: {  	v6 =	vmov s1;
	v7 =	vmov s13;
	s1 =	simm.s32 $0x4;
	s13 =	simm.s32 $0x5;
	s14 =	simm.s32 $0x6;
	v4 =	vand.u32 $0x70, v4  }
0xfe: {  	v8 =	vmov s1;
	v9 =	vmov s13;
	v10 =	vmov s14;
	s13 =	simm.s32 $0x8  }
0xff: {  	s1 =	simm.s32 $0x7;
	v5 =	vand.u32 $0x71, v5;
	v6 =	vand.u32 $0x72, v6;
	v12 =	vmov s13;
	s13 =	simm.s32 $0xB  }
0x100: {  	s14 =	simm.s32 $0x9;
	v7 =	vand.u32 $0x73, v7;
	v11 =	vmov s1;
	v15 =	vmov s13;
	s13 =	simm.s32 $0xD  }
0x101: {  	v13 =	vmov s14;
	v4 =	vbroadcast v4, $0x0;
	v19 =	vmov s13;
	s13 =	simm.s32 $0xF  }
0x102: {  	s1 =	simm.s32 $0xA;
	v8 =	vand.u32 $0x74, v8;
	v9 =	vand.u32 $0x75, v9;
	v16 =	vmov s13  }
0x103: {  	s14 =	simm.s32 $0xC;
	v10 =	vand.u32 $0x76, v10;
	v14 =	vmov s1;
	s1 =	simm.s32 $0xA800;
	v16 =	vand.u32 $0x7F, v16  }
0x104: {  	v17 =	vbroadcast v6, $0x0;
	v18 =	vmov s14;
	v20 =	vld [tilespmem:s1+$0x380];
	v22 =	vbroadcast v16, $0x0  }
0x105: {  	v23 =	vand.u32 $0x77, v11;
	v24 =	vand.u32 $0x78, v12;
	v13 =	vand.u32 $0x79, v13;
	v11 =	vld [tilespmem:s1+$0xFFFFFC00]  }
0x106: {  	v12 =	vbroadcast v8, $0x0;
	v26 =	vld [tilespmem:s1+$0xFFFFFC80];
	v16 =	vbroadcast v5, $0x0;
	v5 =	vor.u32 v0, v22  }
0x107: {  	v25 =	vand.u32 $0x7A, v14;
	v27 =	vand.u32 $0x7B, v15;
	v15 =	vor.u32 v0, v4;
	v28 =	vld [tilespmem:s1+$0xFFFFFD00]  }
0x108: {  	v6 =	vand.u32 $0x7C, v18;
	v29 =	vld [tilespmem:s1+$0xFFFFFD80];
	v14 =	vbroadcast v7, $0x0;
	v18 =	vor.u32 v0, v16  }
0x109: {  	v10 =	vbroadcast v10, $0x0;
	v7 =	vor.u32 v0, v17;
	v30 =	vld [tilespmem:s1+$0xFFFFFE00];
	v8 =	vmul.f32 $8.000000000e+00, v20  }
0x10a: {  	s14 =	simm.s32 $0xE;
	v32 =	vld [tilespmem:s1+$0xFFFFFE80];
	v31 =	vor.u32 v0, v14;
	v20 =	vmul.f32 $8.000000000e+00, v11;
	v11 =	vbroadcast v9, $0x0  }
0x10b: {  	v21 =	vmov s14;
	v33 =	vld [tilespmem:s1+$0xFFFFFF00];
	v9 =	vmul.f32 $8.000000000e+00, v26;
	v26 =	vor.u32 v0, v12;
	[tilespmem:v5+s23+$0x0] =	vst.idx.msk $0xffff, v8  }
0x10c: {  	[tilespmem:v15+s23+$0x0] =	vst.idx.msk $0xffff, v20;
	v15 =	vbroadcast v24, $0x0;
	v5 =	vmul.f32 $8.000000000e+00, v28;
	v8 =	vor.u32 v0, v11;
	v34 =	vld [tilespmem:s1+$0x390]  }
0x10d: {  	v35 =	vld [tilespmem:s1+$0xFFFFFF80];
	[tilespmem:v18+s23+$0x0] =	vst.idx.msk $0xffff, v9;
	v9 =	vmul.f32 $8.000000000e+00, v29;
	v29 =	vor.u32 v0, v10;
	v18 =	vbroadcast v23, $0x0  }
0x10e: {  	v28 =	vand.u32 $0x7D, v19;
	v23 =	vor.u32 v1, v22;
	[tilespmem:v7+s23+$0x0] =	vst.idx.msk $0xffff, v5;
	v5 =	vmul.f32 $8.000000000e+00, v30;
	v7 =	vld [tilespmem:s1+$0x0]  }
0x10f: {  	v19 =	vbroadcast v13, $0x0;
	[tilespmem:v31+s23+$0x0] =	vst.idx.msk $0xffff, v9;
	v9 =	vmul.f32 $8.000000000e+00, v32;
	v24 =	vor.u32 v0, v18;
	v30 =	vld [tilespmem:s1+$0x80]  }
0x110: {  	v20 =	vbroadcast v25, $0x0;
	v31 =	vld [tilespmem:s1+$0x100];
	[tilespmem:v26+s23+$0x0] =	vst.idx.msk $0xffff, v5;
	v5 =	vmul.f32 $8.000000000e+00, v33;
	v26 =	vor.u32 v0, v15  }
0x111: {  	v13 =	vbroadcast v27, $0x0;
	[tilespmem:v8+s23+$0x0] =	vst.idx.msk $0xffff, v9;
	v8 =	vor.u32 v0, v19;
	v9 =	vld [tilespmem:s1+$0x180];
	v25 =	vmul.f32 $8.000000000e+00, v34  }
0x112: {  	v40 =	vld [tilespmem:s1+$0x200];
	v6 =	vbroadcast v6, $0x0;
	v27 =	vmul.f32 $8.000000000e+00, v35;
	[tilespmem:v29+s23+$0x0] =	vst.idx.msk $0xffff, v5;
	v29 =	vor.u32 v0, v20  }
0x113: {  	v42 =	vld [tilespmem:s1+$0x280];
	v41 =	vor.u32 v0, v13;
	v5 =	vbroadcast v28, $0x0;
	v7 =	vmul.f32 $8.000000000e+00, v7;
	[tilespmem:v23+s23+$0x0] =	vst.idx.msk $0xffff, v25  }
0x114: {  	v21 =	vand.u32 $0x7E, v21;
	[tilespmem:v24+s23+$0x0] =	vst.idx.msk $0xffff, v27;
	v24 =	vor.u32 v0, v6;
	v23 =	vmul.f32 $8.000000000e+00, v30;
	v25 =	vld [tilespmem:s1+$0x3A0]  }
0x115: {  	v28 =	vld [tilespmem:s1+$0x300];
	v27 =	vor.u32 v0, v5;
	[tilespmem:v26+s23+$0x0] =	vst.idx.msk $0xffff, v7;
	v26 =	vmul.f32 $8.000000000e+00, v31;
	v7 =	vbroadcast v21, $0x0  }
0x116: {  	v21 =	vld [tilespmem:s1+$0xFFFFFC90];
	[tilespmem:v8+s23+$0x0] =	vst.idx.msk $0xffff, v23;
	v8 =	vmul.f32 $8.000000000e+00, v9;
	v9 =	vor.u32 v2, v22  }
0x117: {  	v23 =	vld [tilespmem:s1+$0xFFFFFD10];
	[tilespmem:v29+s23+$0x0] =	vst.idx.msk $0xffff, v26;
	v26 =	vmul.f32 $8.000000000e+00, v40;
	v29 =	vor.u32 v0, v7  }
0x118: {  	v30 =	vor.u32 v1, v16;
	v31 =	vld [tilespmem:s1+$0xFFFFFD90];
	[tilespmem:v41+s23+$0x0] =	vst.idx.msk $0xffff, v8;
	v8 =	vmul.f32 $8.000000000e+00, v42  }
0x119: {  	v43 =	vor.u32 v1, v17;
	v44 =	vld [tilespmem:s1+$0xFFFFFE10];
	[tilespmem:v24+s23+$0x0] =	vst.idx.msk $0xffff, v26;
	v24 =	vmul.f32 $8.000000000e+00, v25  }
0x11a: {  	v26 =	vld [tilespmem:s1+$0xFFFFFE90];
	v25 =	vor.u32 v1, v14;
	[tilespmem:v27+s23+$0x0] =	vst.idx.msk $0xffff, v8;
	v8 =	vmul.f32 $8.000000000e+00, v28  }
0x11b: {  	v21 =	vmul.f32 $8.000000000e+00, v21;
	v27 =	vor.u32 v1, v12;
	v28 =	vld [tilespmem:s1+$0xFFFFFF10];
	[tilespmem:v9+s23+$0x0] =	vst.idx.msk $0xffff, v24  }
0x11c: {  	v9 =	vmul.f32 $8.000000000e+00, v23;
	v23 =	vor.u32 v1, v11;
	[tilespmem:v29+s23+$0x0] =	vst.idx.msk $0xffff, v8;
	v8 =	vld [tilespmem:s1+$0x3B0]  }
0x11d: {  	[tilespmem:v30+s23+$0x0] =	vst.idx.msk $0xffff, v21;
	v21 =	vmul.f32 $8.000000000e+00, v31;
	v24 =	vor.u32 v1, v10;
	v29 =	vld [tilespmem:s1+$0xFFFFFF90]  }
0x11e: {  	v22 =	vor.u32 v3, v22;
	v30 =	vld [tilespmem:s1+$0x10];
	[tilespmem:v43+s23+$0x0] =	vst.idx.msk $0xffff, v9;
	v9 =	vmul.f32 $8.000000000e+00, v44  }
0x11f: {  	[tilespmem:v25+s23+$0x0] =	vst.idx.msk $0xffff, v21;
	v21 =	vmul.f32 $8.000000000e+00, v26;
	v25 =	vor.u32 v1, v18;
	v26 =	vld [tilespmem:s1+$0x90]  }
0x120: {  	[tilespmem:v27+s23+$0x0] =	vst.idx.msk $0xffff, v9;
	v9 =	vmul.f32 $8.000000000e+00, v28;
	v27 =	vor.u32 v1, v15;
	v28 =	vld [tilespmem:s1+$0x110]  }
0x121: {  	[tilespmem:v23+s23+$0x0] =	vst.idx.msk $0xffff, v21;
	v21 =	vor.u32 v1, v19;
	v23 =	vld [tilespmem:s1+$0x190];
	v8 =	vmul.f32 $8.000000000e+00, v8  }
0x122: {  	[tilespmem:v24+s23+$0x0] =	vst.idx.msk $0xffff, v9;
	v9 =	vmul.f32 $8.000000000e+00, v29;
	v24 =	vor.u32 v1, v20;
	v29 =	vld [tilespmem:s1+$0x210]  }
0x123: {  	v45 =	vld [tilespmem:s1+$0x290];
	v31 =	vor.u32 v1, v13;
	v30 =	vmul.f32 $8.000000000e+00, v30;
	[tilespmem:v22+s23+$0x0] =	vst.idx.msk $0xffff, v8  }
0x124: {  	[tilespmem:v25+s23+$0x0] =	vst.idx.msk $0xffff, v9;
	v8 =	vmul.f32 $8.000000000e+00, v26;
	v9 =	vor.u32 v1, v6;
	v22 =	vld [tilespmem:s1+$0x310]  }
0x125: {  	s14 =	simm.s32 $0x10;
	v25 =	vld [tilespmem:s1+$0xFFFFFC10];
	[tilespmem:v27+s23+$0x0] =	vst.idx.msk $0xffff, v30;
	v26 =	vmul.f32 $8.000000000e+00, v28;
	v27 =	vor.u32 v1, v5  }
0x126: {  	v28 =	vmov s14;
	v30 =	vld [tilespmem:s1+$0xFFFFFCA0];
	[tilespmem:v21+s23+$0x0] =	vst.idx.msk $0xffff, v8;
	v8 =	vmul.f32 $8.000000000e+00, v23;
	v21 =	vor.u32 v1, v7  }
0x127: {  	v46 =	vld [tilespmem:s1+$0xFFFFFD20];
	v23 =	vand.u32 $0x70, v28;
	v28 =	vor.u32 v1, v4;
	[tilespmem:v24+s23+$0x0] =	vst.idx.msk $0xffff, v26;
	v24 =	vmul.f32 $8.000000000e+00, v29  }
0x128: {  	v48 =	vor.u32 v2, v17;
	v47 =	vld [tilespmem:s1+$0xFFFFFDA0];
	v29 =	vor.u32 v2, v16;
	[tilespmem:v31+s23+$0x0] =	vst.idx.msk $0xffff, v8;
	v8 =	vmul.f32 $8.000000000e+00, v45  }
0x129: {  	v17 =	vor.u32 v3, v17;
	v62 =	vor.u32 v3, v10;
	v49 =	vld [tilespmem:s1+$0xFFFFFE20];
	[tilespmem:v9+s23+$0x0] =	vst.idx.msk $0xffff, v24;
	v9 =	vmul.f32 $8.000000000e+00, v22  }
0x12a: {  	v55 =	vor.u32 v2, v6;
	v36 =	vld [tilespmem:s1+$0xFFFFFEA0];
	v22 =	vmul.f32 $8.000000000e+00, v25;
	v25 =	vor.u32 v2, v14;
	[tilespmem:v27+s23+$0x0] =	vst.idx.msk $0xffff, v8  }
0x12b: {  	v50 =	vor.u32 v2, v18;
	v37 =	vld [tilespmem:s1+$0xFFFFFF20];
	v8 =	vmul.f32 $8.000000000e+00, v30;
	v30 =	vor.u32 v2, v12;
	[tilespmem:v21+s23+$0x0] =	vst.idx.msk $0xffff, v9  }
0x12c: {  	v56 =	vor.u32 v2, v5;
	[tilespmem:v28+s23+$0x0] =	vst.idx.msk $0xffff, v22;
	v9 =	vmul.f32 $8.000000000e+00, v46;
	v21 =	vor.u32 v2, v11;
	v22 =	vld [tilespmem:s1+$0xFFFFFFA0]  }
0x12d: {  	s13 =	simm.s32 $0x11;
	v57 =	vor.u32 v2, v7;
	v28 =	vor.u32 v2, v10;
	[tilespmem:v29+s23+$0x0] =	vst.idx.msk $0xffff, v8;
	v8 =	vmul.f32 $8.000000000e+00, v47;
	v29 =	vld [tilespmem:s1+$0x20]  }
0x12e: {  	v42 =	vor.u32 v2, v20;
	v26 =	vmov s13;
	v51 =	vld [tilespmem:s1+$0xA0];
	[tilespmem:v48+s23+$0x0] =	vst.idx.msk $0xffff, v9;
	v9 =	vmul.f32 $8.000000000e+00, v49  }
0x12f: {  	s14 =	simm.s32 $0x12;
	v16 =	vor.u32 v3, v16;
	v47 =	vld [tilespmem:s1+$0xFFFFFCB0];
	[tilespmem:v25+s23+$0x0] =	vst.idx.msk $0xffff, v8;
	v8 =	vmul.f32 $8.000000000e+00, v36;
	v25 =	vor.u32 v2, v15  }
0x130: {  	s13 =	simm.s32 $0x13;
	v31 =	vmov s14;
	v52 =	vld [tilespmem:s1+$0x120];
	[tilespmem:v30+s23+$0x0] =	vst.idx.msk $0xffff, v9;
	v9 =	vmul.f32 $8.000000000e+00, v37;
	v30 =	vor.u32 v2, v19  }
0x131: {  	s14 =	simm.s32 $0x14;
	v33 =	vand.u32 $0x71, v26;
	v24 =	vmov s13;
	v54 =	vld [tilespmem:s1+$0x1A0];
	[tilespmem:v21+s23+$0x0] =	vst.idx.msk $0xffff, v8;
	v8 =	vmul.f32 $8.000000000e+00, v22  }
0x132: {  	s13 =	simm.s32 $0x15;
	v14 =	vor.u32 v3, v14;
	v27 =	vmov s14;
	v26 =	vld [tilespmem:s1+$0xFFFFFDB0];
	[tilespmem:v28+s23+$0x0] =	vst.idx.msk $0xffff, v9;
	v9 =	vmul.f32 $8.000000000e+00, v29  }
0x133: {  	v38 =	vmov s13;
	v43 =	vld [tilespmem:s1+$0x220];
	v28 =	vor.u32 v2, v13;
	[tilespmem:v50+s23+$0x0] =	vst.idx.msk $0xffff, v8;
	v8 =	vmul.f32 $8.000000000e+00, v51  }
0x134: {  	s14 =	simm.s32 $0x16;
	s13 =	simm.s32 $0x17;
	v12 =	vor.u32 v3, v12;
	v32 =	vand.u32 $0x74, v27;
	v58 =	vld [tilespmem:s1+$0xFFFFFE30];
	v27 =	vmul.f32 $8.000000000e+00, v47;
	[tilespmem:v25+s23+$0x0] =	vst.idx.msk $0xffff, v9  }
0x135: {  	v39 =	vmov s14;
	v34 =	vmov s13;
	s14 =	simm.s32 $0x18;
	v46 =	vld [tilespmem:s1+$0xFFFFFC20];
	v25 =	vmul.f32 $8.000000000e+00, v52;
	[tilespmem:v30+s23+$0x0] =	vst.idx.msk $0xffff, v8  }
0x136: {  	v11 =	vor.u32 v3, v11;
	v40 =	vmov s14;
	v29 =	vld [tilespmem:s1+$0x2A0];
	v30 =	vmul.f32 $8.000000000e+00, v54;
	[tilespmem:v16+s23+$0x0] =	vst.idx.msk $0xffff, v27  }
0x137: {  	s13 =	simm.s32 $0x19;
	s14 =	simm.s32 $0x1A;
	v48 =	vld [tilespmem:s1+$0xFFFFFD30];
	v8 =	vbroadcast v23, $0x0;
	v23 =	vor.u32 v2, v4;
	v16 =	vmul.f32 $8.000000000e+00, v26;
	[tilespmem:v42+s23+$0x0] =	vst.idx.msk $0xffff, v25  }
0x138: {  	v53 =	vmov s13;
	s13 =	simm.s32 $0x1B;
	v41 =	vmov s14;
	s14 =	simm.s32 $0x1C;
	v59 =	vld [tilespmem:s1+$0xFFFFFEB0];
	v25 =	vmul.f32 $8.000000000e+00, v43;
	[tilespmem:v28+s23+$0x0] =	vst.idx.msk $0xffff, v30  }
0x139: {  	v45 =	vld [tilespmem:s1+$0x320];
	v44 =	vmov s13;
	v22 =	vmov s14;
	v10 =	vmul.f32 $8.000000000e+00, v58;
	[tilespmem:v14+s23+$0x0] =	vst.idx.msk $0xffff, v16  }
0x13a: {  	s13 =	simm.s32 $0x1D;
	v60 =	vld [tilespmem:s1+$0xFFFFFF30];
	v30 =	vand.u32 $0x72, v31;
	v31 =	vand.u32 $0x73, v24;
	v24 =	vmul.f32 $8.000000000e+00, v46;
	[tilespmem:v55+s23+$0x0] =	vst.idx.msk $0xffff, v25  }
0x13b: {  	v21 =	vmov s13;
	s14 =	simm.s32 $0x1E;
	v13 =	vor.u32 v3, v13;
	v61 =	vld [tilespmem:s1+$0xFFFFFFB0];
	v28 =	vmul.f32 $8.000000000e+00, v29;
	[tilespmem:v12+s23+$0x0] =	vst.idx.msk $0xffff, v10  }
0x13c: {  	v9 =	vmov s14;
	v63 =	vld [tilespmem:s1+$0x30];
	v26 =	vand.u32 $0x78, v40;
	[tilespmem:v23+s23+$0x0] =	vst.idx.msk $0xffff, v24;
	v24 =	vmul.f32 $8.000000000e+00, v48  }
0x13d: {  	v35 =	vld [tilespmem:s1+$0xB0];
	v16 =	vmul.f32 $8.000000000e+00, v59;
	[tilespmem:v56+s23+$0x0] =	vst.idx.msk $0xffff, v28;
	v23 =	vand.u32 $0x77, v34;
	v34 =	vor.u32 v3, v18  }
0x13e: {  	v27 =	vand.u32 $0x7B, v44;
	v25 =	vmul.f32 $8.000000000e+00, v45;
	v18 =	vld [tilespmem:s1+$0x130];
	[tilespmem:v17+s23+$0x0] =	vst.idx.msk $0xffff, v24;
	v17 =	vor.u32 v3, v15  }
0x13f: {  	v29 =	vand.u32 $0x76, v39;
	v12 =	vor.u32 v3, v19;
	v14 =	vld [tilespmem:s1+$0x1B0];
	[tilespmem:v11+s23+$0x0] =	vst.idx.msk $0xffff, v16;
	v15 =	vmul.f32 $8.000000000e+00, v60  }
0x140: {  	v10 =	vor.u32 v3, v20;
	v28 =	vand.u32 $0x75, v38;
	v19 =	vmul.f32 $8.000000000e+00, v61;
	v11 =	vld [tilespmem:s1+$0x230];
	[tilespmem:v57+s23+$0x0] =	vst.idx.msk $0xffff, v25  }
0x141: {  	s0 =	simm.s32 $0x20;
	s13 =	simm.s32 $0x1F;
	v25 =	vand.u32 $0x7A, v41;
	v20 =	vmul.f32 $8.000000000e+00, v63;
	v24 =	vand.u32 $0x79, v53;
	[tilespmem:v62+s23+$0x0] =	vst.idx.msk $0xffff, v15;
	v15 =	vld [tilespmem:s1+$0x2B0]  }
.LBB2_9:
0x142: {  	p0 =	slt.u32 s0, $0x70;
	v16 =	vmov s13;
	[tilespmem:v34+s23+$0x0] =	vst.idx.msk $0xffff, v19;
	v19 =	vmul.f32 $8.000000000e+00, v35;
	v6 =	vor.u32 v3, v6;
	v35 =	vld [tilespmem:s1+$0x330]  }
0x143: {  	v5 =	vor.u32 v3, v5;
	v16 =	vand.u32 $0x7F, v16;
	v36 =	vld [tilespmem:s1+$0xFFFFFC30];
	[tilespmem:v17+s23+$0x0] =	vst.idx.msk $0xffff, v20;
	v17 =	vmul.f32 $8.000000000e+00, v18;
	s1 =	sadd.s32 $0x800, s1  }
0x144: {  	v7 =	vor.u32 v3, v7;
	v18 =	vld [tilespmem:s1+$0x380];
	v34 =	vbroadcast v16, $0x0;
	[tilespmem:v12+s23+$0x0] =	vst.idx.msk $0xffff, v19;
	v12 =	vmul.f32 $8.000000000e+00, v14  }
0x145: {  	v22 =	vand.u32 $0x7C, v22;
	v16 =	vor.u32 v3, v4;
	v4 =	vmovc v8;
	v14 =	vld [tilespmem:s1+$0xFFFFFC00];
	[tilespmem:v10+s23+$0x0] =	vst.idx.msk $0xffff, v17;
	v11 =	vmul.f32 $8.000000000e+00, v11  }
0x146: {  	v10 =	vbroadcast v33, $0x0;
	v8 =	vld [tilespmem:s1+$0xFFFFFC80];
	v17 =	vor.u32 v0, v34;
	[tilespmem:v13+s23+$0x0] =	vst.idx.msk $0xffff, v12;
	v12 =	vmul.f32 $8.000000000e+00, v15  }
0x147: {  	v19 =	vor.u32 v0, v4;
	v15 =	vbroadcast v30, $0x0;
	v20 =	vld [tilespmem:s1+$0xFFFFFD00];
	[tilespmem:v6+s23+$0x0] =	vst.idx.msk $0xffff, v11;
	v6 =	vmul.f32 $8.000000000e+00, v35  }
0x148: {  	v30 =	vor.u32 v0, v10;
	v11 =	vbroadcast v31, $0x0;
	v33 =	vld [tilespmem:s1+$0xFFFFFD80];
	v31 =	vmul.f32 $8.000000000e+00, v36;
	[tilespmem:v5+s23+$0x0] =	vst.idx.msk $0xffff, v12  }
0x149: {  	v5 =	vor.u32 v0, v15;
	v12 =	vbroadcast v32, $0x0;
	v35 =	vld [tilespmem:s1+$0xFFFFFE00];
	v18 =	vmul.f32 $8.000000000e+00, v18;
	[tilespmem:v7+s23+$0x0] =	vst.idx.msk $0xffff, v6  }
0x14a: {  	v13 =	vbroadcast v28, $0x0;
	v7 =	vor.u32 v0, v11;
	v6 =	vmul.f32 $8.000000000e+00, v14;
	v32 =	vld [tilespmem:s1+$0xFFFFFE80];
	[tilespmem:v16+s23+$0x0] =	vst.idx.msk $0xffff, v31  }
0x14b: {  	v16 =	vor.u32 v0, v12;
	v14 =	vbroadcast v29, $0x0;
	v8 =	vmul.f32 $8.000000000e+00, v8;
	v28 =	vld [tilespmem:s1+$0xFFFFFF00];
	[tilespmem:v17+s23+$0x0] =	vst.idx.msk $0xffff, v18  }
0x14c: {  	v21 =	vand.u32 $0x7D, v21;
	v29 =	vor.u32 v0, v13;
	[tilespmem:v19+s23+$0x0] =	vst.idx.msk $0xffff, v6;
	v6 =	vmul.f32 $8.000000000e+00, v20;
	v31 =	vld [tilespmem:s1+$0x390]  }
0x14d: {  	v18 =	vbroadcast v23, $0x0;
	[tilespmem:v30+s23+$0x0] =	vst.idx.msk $0xffff, v8;
	v8 =	vmul.f32 $8.000000000e+00, v33;
	v30 =	vor.u32 v0, v14;
	v33 =	vld [tilespmem:s1+$0xFFFFFF80]  }
0x14e: {  	v17 =	vbroadcast v26, $0x0;
	v26 =	vor.u32 v1, v34;
	[tilespmem:v5+s23+$0x0] =	vst.idx.msk $0xffff, v6;
	v5 =	vmul.f32 $8.000000000e+00, v35;
	v23 =	vld [tilespmem:s1+$0x0]  }
0x14f: {  	v19 =	vbroadcast v24, $0x0;
	[tilespmem:v7+s23+$0x0] =	vst.idx.msk $0xffff, v8;
	v6 =	vmul.f32 $8.000000000e+00, v32;
	v7 =	vor.u32 v0, v18;
	v8 =	vld [tilespmem:s1+$0x80]  }
0x150: {  	v20 =	vbroadcast v25, $0x0;
	v24 =	vor.u32 v0, v17;
	[tilespmem:v16+s23+$0x0] =	vst.idx.msk $0xffff, v5;
	v5 =	vmul.f32 $8.000000000e+00, v28;
	v28 =	vld [tilespmem:s1+$0x100]  }
0x151: {  	v25 =	vor.u32 v0, v19;
	v16 =	vbroadcast v27, $0x0;
	[tilespmem:v29+s23+$0x0] =	vst.idx.msk $0xffff, v6;
	v29 =	vld [tilespmem:s1+$0x180];
	v27 =	vmul.f32 $8.000000000e+00, v31  }
0x152: {  	v31 =	vor.u32 v0, v20;
	v6 =	vbroadcast v22, $0x0;
	[tilespmem:v30+s23+$0x0] =	vst.idx.msk $0xffff, v5;
	v30 =	vmul.f32 $8.000000000e+00, v33;
	v32 =	vld [tilespmem:s1+$0x200]  }
0x153: {  	v5 =	vbroadcast v21, $0x0;
	v22 =	vmul.f32 $8.000000000e+00, v23;
	v23 =	vor.u32 v0, v16;
	v33 =	vld [tilespmem:s1+$0x280];
	[tilespmem:v26+s23+$0x0] =	vst.idx.msk $0xffff, v27  }
0x154: {  	v21 =	vor.u32 v0, v6;
	[tilespmem:v7+s23+$0x0] =	vst.idx.msk $0xffff, v30;
	v8 =	vmul.f32 $8.000000000e+00, v8;
	v7 =	vand.u32 $0x7E, v9;
	v9 =	vld [tilespmem:s1+$0x3A0]  }
0x155: {  	[tilespmem:v24+s23+$0x0] =	vst.idx.msk $0xffff, v22;
	v22 =	vmul.f32 $8.000000000e+00, v28;
	v24 =	vor.u32 v0, v5;
	v26 =	vld [tilespmem:s1+$0x300];
	v7 =	vbroadcast v7, $0x0  }
0x156: {  	v27 =	vld [tilespmem:s1+$0xFFFFFC90];
	[tilespmem:v25+s23+$0x0] =	vst.idx.msk $0xffff, v8;
	v8 =	vmul.f32 $8.000000000e+00, v29;
	v25 =	vor.u32 v2, v34  }
0x157: {  	v28 =	vld [tilespmem:s1+$0xFFFFFD10];
	[tilespmem:v31+s23+$0x0] =	vst.idx.msk $0xffff, v22;
	v22 =	vmul.f32 $8.000000000e+00, v32;
	v29 =	vor.u32 v0, v7  }
0x158: {  	v30 =	vor.u32 v1, v10;
	v31 =	vld [tilespmem:s1+$0xFFFFFD90];
	[tilespmem:v23+s23+$0x0] =	vst.idx.msk $0xffff, v8;
	v8 =	vmul.f32 $8.000000000e+00, v33  }
0x159: {  	v23 =	vor.u32 v1, v15;
	v32 =	vld [tilespmem:s1+$0xFFFFFE10];
	[tilespmem:v21+s23+$0x0] =	vst.idx.msk $0xffff, v22;
	v9 =	vmul.f32 $8.000000000e+00, v9  }
0x15a: {  	v21 =	vor.u32 v1, v11;
	v22 =	vld [tilespmem:s1+$0xFFFFFE90];
	[tilespmem:v24+s23+$0x0] =	vst.idx.msk $0xffff, v8;
	v8 =	vmul.f32 $8.000000000e+00, v26  }
0x15b: {  	v26 =	vor.u32 v1, v12;
	v24 =	vmul.f32 $8.000000000e+00, v27;
	v27 =	vld [tilespmem:s1+$0xFFFFFF10];
	[tilespmem:v25+s23+$0x0] =	vst.idx.msk $0xffff, v9  }
0x15c: {  	v25 =	vor.u32 v1, v13;
	v9 =	vmul.f32 $8.000000000e+00, v28;
	[tilespmem:v29+s23+$0x0] =	vst.idx.msk $0xffff, v8;
	v8 =	vld [tilespmem:s1+$0x3B0]  }
0x15d: {  	v28 =	vor.u32 v1, v14;
	[tilespmem:v30+s23+$0x0] =	vst.idx.msk $0xffff, v24;
	v24 =	vmul.f32 $8.000000000e+00, v31;
	v29 =	vld [tilespmem:s1+$0xFFFFFF90]  }
0x15e: {  	v30 =	vor.u32 v3, v34;
	[tilespmem:v23+s23+$0x0] =	vst.idx.msk $0xffff, v9;
	v9 =	vmul.f32 $8.000000000e+00, v32;
	v23 =	vld [tilespmem:s1+$0x10]  }
0x15f: {  	[tilespmem:v21+s23+$0x0] =	vst.idx.msk $0xffff, v24;
	v21 =	vmul.f32 $8.000000000e+00, v22;
	v22 =	vor.u32 v1, v18;
	v24 =	vld [tilespmem:s1+$0x90]  }
0x160: {  	[tilespmem:v26+s23+$0x0] =	vst.idx.msk $0xffff, v9;
	v9 =	vmul.f32 $8.000000000e+00, v27;
	v26 =	vor.u32 v1, v17;
	v27 =	vld [tilespmem:s1+$0x110]  }
0x161: {  	[tilespmem:v25+s23+$0x0] =	vst.idx.msk $0xffff, v21;
	v21 =	vor.u32 v1, v19;
	v25 =	vld [tilespmem:s1+$0x190];
	v8 =	vmul.f32 $8.000000000e+00, v8  }
0x162: {  	[tilespmem:v28+s23+$0x0] =	vst.idx.msk $0xffff, v9;
	v9 =	vmul.f32 $8.000000000e+00, v29;
	v28 =	vor.u32 v1, v20;
	v29 =	vld [tilespmem:s1+$0x210]  }
0x163: {  	v31 =	vor.u32 v1, v16;
	v23 =	vmul.f32 $8.000000000e+00, v23;
	v32 =	vld [tilespmem:s1+$0x290];
	[tilespmem:v30+s23+$0x0] =	vst.idx.msk $0xffff, v8  }
0x164: {  	[tilespmem:v22+s23+$0x0] =	vst.idx.msk $0xffff, v9;
	v8 =	vmul.f32 $8.000000000e+00, v24;
	v9 =	vor.u32 v1, v6;
	v22 =	vld [tilespmem:s1+$0x310]  }
0x165: {  	v24 =	vld [tilespmem:s1+$0xFFFFFC10];
	[tilespmem:v26+s23+$0x0] =	vst.idx.msk $0xffff, v23;
	v23 =	vmul.f32 $8.000000000e+00, v27;
	v26 =	vor.u32 v1, v5  }
0x166: {  	v27 =	vmov s0;
	v30 =	vld [tilespmem:s1+$0xFFFFFCA0];
	[tilespmem:v21+s23+$0x0] =	vst.idx.msk $0xffff, v8;
	v8 =	vmul.f32 $8.000000000e+00, v25;
	v21 =	vor.u32 v1, v7  }
0x167: {  	s13 =	sadd.s32 $0x1, s0;
	v25 =	vand.u32 $0x70, v27;
	v27 =	vor.u32 v1, v4;
	v33 =	vld [tilespmem:s1+$0xFFFFFD20];
	[tilespmem:v28+s23+$0x0] =	vst.idx.msk $0xffff, v23;
	v23 =	vmul.f32 $8.000000000e+00, v29  }
0x168: {  	v28 =	vmov s13;
	s13 =	sadd.s32 $0x2, s0;
	v29 =	vor.u32 v2, v10;
	v34 =	vld [tilespmem:s1+$0xFFFFFDA0];
	[tilespmem:v31+s23+$0x0] =	vst.idx.msk $0xffff, v8;
	v8 =	vmul.f32 $8.000000000e+00, v32  }
0x169: {  	v31 =	vmov s13;
	s13 =	sadd.s32 $0x3, s0;
	v32 =	vor.u32 v2, v15;
	v35 =	vld [tilespmem:s1+$0xFFFFFE20];
	[tilespmem:v9+s23+$0x0] =	vst.idx.msk $0xffff, v23;
	v9 =	vmul.f32 $8.000000000e+00, v22  }
0x16a: {  	v23 =	vmov s13;
	s13 =	sadd.s32 $0x4, s0;
	v22 =	vmul.f32 $8.000000000e+00, v24;
	v24 =	vor.u32 v2, v11;
	v36 =	vld [tilespmem:s1+$0xFFFFFEA0];
	[tilespmem:v26+s23+$0x0] =	vst.idx.msk $0xffff, v8  }
0x16b: {  	v26 =	vmov s13;
	s13 =	sadd.s32 $0x5, s0;
	v8 =	vmul.f32 $8.000000000e+00, v30;
	v30 =	vor.u32 v2, v12;
	v37 =	vld [tilespmem:s1+$0xFFFFFF20];
	[tilespmem:v21+s23+$0x0] =	vst.idx.msk $0xffff, v9  }
0x16c: {  	v38 =	vmov s13;
	s13 =	sadd.s32 $0x6, s0;
	v21 =	vor.u32 v2, v13;
	[tilespmem:v27+s23+$0x0] =	vst.idx.msk $0xffff, v22;
	v9 =	vmul.f32 $8.000000000e+00, v33;
	v22 =	vld [tilespmem:s1+$0xFFFFFFA0]  }
0x16d: {  	v27 =	vmov s13;
	s13 =	sadd.s32 $0x7, s0;
	[tilespmem:v29+s23+$0x0] =	vst.idx.msk $0xffff, v8;
	v8 =	vmul.f32 $8.000000000e+00, v34;
	v29 =	vor.u32 v2, v14;
	v33 =	vld [tilespmem:s1+$0x20]  }
0x16e: {  	v34 =	vmov s13;
	s13 =	sadd.s32 $0x8, s0;
	[tilespmem:v32+s23+$0x0] =	vst.idx.msk $0xffff, v9;
	v9 =	vmul.f32 $8.000000000e+00, v35;
	v32 =	vor.u32 v2, v18;
	v35 =	vld [tilespmem:s1+$0xA0]  }
0x16f: {  	v39 =	vmov s13;
	s13 =	sadd.s32 $0x9, s0;
	[tilespmem:v24+s23+$0x0] =	vst.idx.msk $0xffff, v8;
	v8 =	vmul.f32 $8.000000000e+00, v36;
	v24 =	vor.u32 v2, v17;
	v36 =	vld [tilespmem:s1+$0x120]  }
0x170: {  	v40 =	vmov s13;
	s13 =	sadd.s32 $0xA, s0;
	[tilespmem:v30+s23+$0x0] =	vst.idx.msk $0xffff, v9;
	v9 =	vmul.f32 $8.000000000e+00, v37;
	v30 =	vor.u32 v2, v19;
	v37 =	vld [tilespmem:s1+$0x1A0]  }
0x171: {  	v42 =	vor.u32 v2, v20;
	v41 =	vmov s13;
	s13 =	sadd.s32 $0xB, s0;
	[tilespmem:v21+s23+$0x0] =	vst.idx.msk $0xffff, v8;
	v8 =	vmul.f32 $8.000000000e+00, v22;
	v43 =	vld [tilespmem:s1+$0x220]  }
0x172: {  	v44 =	vmov s13;
	s13 =	sadd.s32 $0xC, s0;
	[tilespmem:v29+s23+$0x0] =	vst.idx.msk $0xffff, v9;
	v9 =	vmul.f32 $8.000000000e+00, v33;
	v29 =	vor.u32 v2, v16;
	v45 =	vld [tilespmem:s1+$0x2A0]  }
0x173: {  	v22 =	vmov s13;
	s13 =	sadd.s32 $0xD, s0;
	[tilespmem:v32+s23+$0x0] =	vst.idx.msk $0xffff, v8;
	v8 =	vmul.f32 $8.000000000e+00, v35;
	v32 =	vor.u32 v2, v6;
	v35 =	vld [tilespmem:s1+$0x320]  }
0x174: {  	v21 =	vmov s13;
	s13 =	sadd.s32 $0xE, s0;
	v46 =	vld [tilespmem:s1+$0xFFFFFC20];
	[tilespmem:v24+s23+$0x0] =	vst.idx.msk $0xffff, v9;
	v24 =	vmul.f32 $8.000000000e+00, v36;
	v36 =	vor.u32 v2, v5  }
0x175: {  	v9 =	vmov s13;
	v47 =	vld [tilespmem:s1+$0xFFFFFCB0];
	[tilespmem:v30+s23+$0x0] =	vst.idx.msk $0xffff, v8;
	v30 =	vmul.f32 $8.000000000e+00, v37;
	v37 =	vor.u32 v2, v7  }
0x176: {  	v8 =	vbroadcast v25, $0x0;
	v25 =	vor.u32 v2, v4;
	v48 =	vld [tilespmem:s1+$0xFFFFFD30];
	[tilespmem:v42+s23+$0x0] =	vst.idx.msk $0xffff, v24;
	v24 =	vmul.f32 $8.000000000e+00, v43  }
0x177: {  	v10 =	vor.u32 v3, v10;
	v33 =	vand.u32 $0x71, v28;
	v42 =	vld [tilespmem:s1+$0xFFFFFDB0];
	[tilespmem:v29+s23+$0x0] =	vst.idx.msk $0xffff, v30;
	v28 =	vmul.f32 $8.000000000e+00, v45  }
0x178: {  	v15 =	vor.u32 v3, v15;
	v30 =	vand.u32 $0x72, v31;
	v43 =	vld [tilespmem:s1+$0xFFFFFE30];
	[tilespmem:v32+s23+$0x0] =	vst.idx.msk $0xffff, v24;
	v24 =	vmul.f32 $8.000000000e+00, v35  }
0x179: {  	v11 =	vor.u32 v3, v11;
	v31 =	vand.u32 $0x73, v23;
	v23 =	vmul.f32 $8.000000000e+00, v46;
	v45 =	vld [tilespmem:s1+$0xFFFFFEB0];
	[tilespmem:v36+s23+$0x0] =	vst.idx.msk $0xffff, v28  }
0x17a: {  	v12 =	vor.u32 v3, v12;
	v32 =	vand.u32 $0x74, v26;
	v26 =	vmul.f32 $8.000000000e+00, v47;
	v36 =	vld [tilespmem:s1+$0xFFFFFF30];
	[tilespmem:v37+s23+$0x0] =	vst.idx.msk $0xffff, v24  }
0x17b: {  	v13 =	vor.u32 v3, v13;
	v28 =	vand.u32 $0x75, v38;
	[tilespmem:v25+s23+$0x0] =	vst.idx.msk $0xffff, v23;
	v24 =	vmul.f32 $8.000000000e+00, v48;
	v37 =	vld [tilespmem:s1+$0xFFFFFFB0]  }
0x17c: {  	v29 =	vand.u32 $0x76, v27;
	v38 =	vor.u32 v3, v14;
	[tilespmem:v10+s23+$0x0] =	vst.idx.msk $0xffff, v26;
	v10 =	vmul.f32 $8.000000000e+00, v42;
	v42 =	vld [tilespmem:s1+$0x30]  }
.Ltmp4:
0x17d: {  	v23 =	vand.u32 $0x77, v34;
	v34 =	vor.u32 v3, v18;
	[tilespmem:v15+s23+$0x0] =	vst.idx.msk $0xffff, v24;
	v14 =	vmul.f32 $8.000000000e+00, v43;
	v35 =	vld [tilespmem:s1+$0xB0];
	(pc) =	sbr.rel @p0 .LBB2_9-.Ltmp4, $4  }
0x17e: {  	v17 =	vor.u32 v3, v17;
	v26 =	vand.u32 $0x78, v39;
	[tilespmem:v11+s23+$0x0] =	vst.idx.msk $0xffff, v10;
	v10 =	vmul.f32 $8.000000000e+00, v45;
	v18 =	vld [tilespmem:s1+$0x130]  }
0x17f: {  	v24 =	vand.u32 $0x79, v40;
	[tilespmem:v12+s23+$0x0] =	vst.idx.msk $0xffff, v14;
	v15 =	vmul.f32 $8.000000000e+00, v36;
	v12 =	vor.u32 v3, v19;
	v14 =	vld [tilespmem:s1+$0x1B0]  }
0x180: {  	v25 =	vand.u32 $0x7A, v41;
	[tilespmem:v13+s23+$0x0] =	vst.idx.msk $0xffff, v10;
	v19 =	vmul.f32 $8.000000000e+00, v37;
	v10 =	vor.u32 v3, v20;
	v11 =	vld [tilespmem:s1+$0x230]  }
0x181: {  	s13 =	sadd.s32 $0xF, s0;
	s0 =	sadd.s32 $0x10, s0;
	v27 =	vand.u32 $0x7B, v44;
	v13 =	vor.u32 v3, v16;
	[tilespmem:v38+s23+$0x0] =	vst.idx.msk $0xffff, v15;
	v20 =	vmul.f32 $8.000000000e+00, v42;
	v15 =	vld [tilespmem:s1+$0x2B0]  }
0x182: {  	_ =	sdelay $0x3  }
0x183: {  	v16 =	vmov s13;
	[tilespmem:v34+s23+$0x0] =	vst.idx.msk $0xffff, v19;
	v19 =	vmul.f32 $8.000000000e+00, v35;
	v6 =	vor.u32 v3, v6;
	v53 =	vld [tilespmem:s1+$0x330]  }
0x184: {  	v54 =	vld [tilespmem:s1+$0xFFFFFC30];
	s0 =	sadd.s32 $0x800, s1;
	v16 =	vand.u32 $0x7F, v16;
	[tilespmem:v17+s23+$0x0] =	vst.idx.msk $0xffff, v20;
	v17 =	vmul.f32 $8.000000000e+00, v18;
	v18 =	vor.u32 v3, v5  }
0x185: {  	v20 =	vld [tilespmem:s0+$0x380];
	v36 =	vbroadcast v16, $0x0;
	[tilespmem:v12+s23+$0x0] =	vst.idx.msk $0xffff, v19;
	v5 =	vmul.f32 $8.000000000e+00, v14;
	v12 =	vor.u32 v3, v7  }
0x186: {  	v14 =	vld [tilespmem:s0+$0xFFFFFC00];
	v19 =	vand.u32 $0x7C, v22;
	v16 =	vor.u32 v3, v4;
	[tilespmem:v10+s23+$0x0] =	vst.idx.msk $0xffff, v17;
	v7 =	vmul.f32 $8.000000000e+00, v11  }
0x187: {  	v4 =	vbroadcast v33, $0x0;
	v11 =	vld [tilespmem:s0+$0xFFFFFC80];
	v17 =	vor.u32 v0, v36;
	[tilespmem:v13+s23+$0x0] =	vst.idx.msk $0xffff, v5;
	v10 =	vmul.f32 $8.000000000e+00, v15  }
0x188: {  	v13 =	vor.u32 v0, v8;
	v15 =	vld [tilespmem:s0+$0xFFFFFD00];
	v5 =	vbroadcast v30, $0x0;
	[tilespmem:v6+s23+$0x0] =	vst.idx.msk $0xffff, v7;
	v22 =	vmul.f32 $8.000000000e+00, v53  }
0x189: {  	v55 =	vld [tilespmem:s0+$0xFFFFFD80];
	v30 =	vor.u32 v0, v4;
	v6 =	vbroadcast v31, $0x0;
	v31 =	vmul.f32 $8.000000000e+00, v54;
	[tilespmem:v18+s23+$0x0] =	vst.idx.msk $0xffff, v10  }
0x18a: {  	v56 =	vld [tilespmem:s0+$0xFFFFFE00];
	v7 =	vbroadcast v32, $0x0;
	v18 =	vor.u32 v0, v5;
	v20 =	vmul.f32 $8.000000000e+00, v20;
	[tilespmem:v12+s23+$0x0] =	vst.idx.msk $0xffff, v22  }
0x18b: {  	v10 =	vbroadcast v28, $0x0;
	v12 =	vmul.f32 $8.000000000e+00, v14;
	v14 =	vor.u32 v0, v6;
	v22 =	vld [tilespmem:s0+$0xFFFFFE80];
	[tilespmem:v16+s23+$0x0] =	vst.idx.msk $0xffff, v31  }
0x18c: {  	v28 =	vor.u32 v0, v7;
	v31 =	vld [tilespmem:s0+$0xFFFFFF00];
	v16 =	vmul.f32 $8.000000000e+00, v11;
	v11 =	vbroadcast v29, $0x0;
	[tilespmem:v17+s23+$0x0] =	vst.idx.msk $0xffff, v20  }
0x18d: {  	[tilespmem:v13+s23+$0x0] =	vst.idx.msk $0xffff, v12;
	v13 =	vmul.f32 $8.000000000e+00, v15;
	v17 =	vor.u32 v0, v10;
	v20 =	vand.u32 $0x7D, v21;
	v21 =	vld [tilespmem:s0+$0x390]  }
0x18e: {  	v15 =	vmul.f32 $8.000000000e+00, v55;
	v12 =	vbroadcast v23, $0x0;
	[tilespmem:v30+s23+$0x0] =	vst.idx.msk $0xffff, v16;
	v29 =	vor.u32 v0, v11;
	v30 =	vld [tilespmem:s0+$0xFFFFFF80]  }
0x18f: {  	v23 =	vld [tilespmem:s0+$0x0];
	v16 =	vmul.f32 $8.000000000e+00, v56;
	[tilespmem:v18+s23+$0x0] =	vst.idx.msk $0xffff, v13;
	v13 =	vbroadcast v26, $0x0;
	v26 =	vor.u32 v1, v36  }
0x190: {  	v57 =	vld [tilespmem:s0+$0x80];
	[tilespmem:v14+s23+$0x0] =	vst.idx.msk $0xffff, v15;
	v18 =	vmul.f32 $8.000000000e+00, v22;
	v22 =	vor.u32 v0, v12;
	v14 =	vbroadcast v24, $0x0  }
0x191: {  	[tilespmem:v28+s23+$0x0] =	vst.idx.msk $0xffff, v16;
	v24 =	vmul.f32 $8.000000000e+00, v31;
	v31 =	vld [tilespmem:s0+$0x100];
	v15 =	vbroadcast v25, $0x0;
	v28 =	vor.u32 v0, v13  }
0x192: {  	v58 =	vld [tilespmem:s0+$0x180];
	v16 =	vbroadcast v27, $0x0;
	[tilespmem:v17+s23+$0x0] =	vst.idx.msk $0xffff, v18;
	v25 =	vor.u32 v0, v14;
	v21 =	vmul.f32 $8.000000000e+00, v21  }
0x193: {  	v27 =	vor.u32 v0, v15;
	v18 =	vbroadcast v19, $0x0;
	[tilespmem:v29+s23+$0x0] =	vst.idx.msk $0xffff, v24;
	v24 =	vmul.f32 $8.000000000e+00, v30;
	v29 =	vld [tilespmem:s0+$0x200]  }
0x194: {  	v19 =	vmul.f32 $8.000000000e+00, v23;
	v23 =	vor.u32 v0, v16;
	v17 =	vbroadcast v20, $0x0;
	v30 =	vld [tilespmem:s0+$0x280];
	[tilespmem:v26+s23+$0x0] =	vst.idx.msk $0xffff, v21  }
0x195: {  	v9 =	vand.u32 $0x7E, v9;
	v20 =	vmul.f32 $8.000000000e+00, v57;
	[tilespmem:v22+s23+$0x0] =	vst.idx.msk $0xffff, v24;
	v21 =	vor.u32 v0, v18;
	v22 =	vld [tilespmem:s0+$0x3A0]  }
0x196: {  	v9 =	vbroadcast v9, $0x0;
	v24 =	vor.u32 v0, v17;
	v26 =	vld [tilespmem:s0+$0x300];
	[tilespmem:v28+s23+$0x0] =	vst.idx.msk $0xffff, v19;
	v19 =	vmul.f32 $8.000000000e+00, v31  }
0x197: {  	v28 =	vld [tilespmem:s0+$0xFFFFFC90];
	[tilespmem:v25+s23+$0x0] =	vst.idx.msk $0xffff, v20;
	v20 =	vmul.f32 $8.000000000e+00, v58;
	v25 =	vor.u32 v2, v36  }
0x198: {  	v31 =	vld [tilespmem:s0+$0xFFFFFD10];
	[tilespmem:v27+s23+$0x0] =	vst.idx.msk $0xffff, v19;
	v19 =	vmul.f32 $8.000000000e+00, v29;
	v27 =	vor.u32 v0, v9  }
0x199: {  	v59 =	vld [tilespmem:s0+$0xFFFFFD90];
	v29 =	vor.u32 v1, v4;
	[tilespmem:v23+s23+$0x0] =	vst.idx.msk $0xffff, v20;
	v20 =	vmul.f32 $8.000000000e+00, v30  }
0x19a: {  	v23 =	vor.u32 v1, v5;
	v30 =	vld [tilespmem:s0+$0xFFFFFE10];
	[tilespmem:v21+s23+$0x0] =	vst.idx.msk $0xffff, v19;
	v19 =	vmul.f32 $8.000000000e+00, v22  }
0x19b: {  	v21 =	vor.u32 v1, v6;
	v22 =	vld [tilespmem:s0+$0xFFFFFE90];
	[tilespmem:v24+s23+$0x0] =	vst.idx.msk $0xffff, v20;
	v20 =	vmul.f32 $8.000000000e+00, v26  }
0x19c: {  	v24 =	vmul.f32 $8.000000000e+00, v28;
	v26 =	vor.u32 v1, v7;
	v28 =	vld [tilespmem:s0+$0xFFFFFF10];
	[tilespmem:v25+s23+$0x0] =	vst.idx.msk $0xffff, v19  }
0x19d: {  	v19 =	vmul.f32 $8.000000000e+00, v31;
	v25 =	vor.u32 v1, v10;
	[tilespmem:v27+s23+$0x0] =	vst.idx.msk $0xffff, v20;
	v20 =	vld [tilespmem:s0+$0x3B0]  }
0x19e: {  	[tilespmem:v29+s23+$0x0] =	vst.idx.msk $0xffff, v24;
	v24 =	vmul.f32 $8.000000000e+00, v59;
	v27 =	vor.u32 v1, v11;
	v29 =	vld [tilespmem:s0+$0xFFFFFF90]  }
0x19f: {  	[tilespmem:v23+s23+$0x0] =	vst.idx.msk $0xffff, v19;
	v19 =	vmul.f32 $8.000000000e+00, v30;
	v23 =	vld [tilespmem:s0+$0x10];
	v30 =	vor.u32 v3, v36  }
0x1a0: {  	[tilespmem:v21+s23+$0x0] =	vst.idx.msk $0xffff, v24;
	v24 =	vld [tilespmem:s0+$0x90];
	v21 =	vmul.f32 $8.000000000e+00, v22;
	v22 =	vor.u32 v1, v12  }
0x1a1: {  	[tilespmem:v26+s23+$0x0] =	vst.idx.msk $0xffff, v19;
	v19 =	vmul.f32 $8.000000000e+00, v28;
	v26 =	vor.u32 v1, v13;
	v28 =	vld [tilespmem:s0+$0x110]  }
0x1a2: {  	[tilespmem:v25+s23+$0x0] =	vst.idx.msk $0xffff, v21;
	v21 =	vor.u32 v1, v14;
	v25 =	vld [tilespmem:s0+$0x190];
	v20 =	vmul.f32 $8.000000000e+00, v20  }
0x1a3: {  	[tilespmem:v27+s23+$0x0] =	vst.idx.msk $0xffff, v19;
	v19 =	vmul.f32 $8.000000000e+00, v29;
	v27 =	vor.u32 v1, v15;
	v29 =	vld [tilespmem:s0+$0x210]  }
0x1a4: {  	v60 =	vld [tilespmem:s0+$0x290];
	v31 =	vor.u32 v1, v16;
	v23 =	vmul.f32 $8.000000000e+00, v23;
	[tilespmem:v30+s23+$0x0] =	vst.idx.msk $0xffff, v20  }
0x1a5: {  	[tilespmem:v22+s23+$0x0] =	vst.idx.msk $0xffff, v19;
	v19 =	vmul.f32 $8.000000000e+00, v24;
	v20 =	vor.u32 v1, v18;
	v22 =	vld [tilespmem:s0+$0x310]  }
0x1a6: {  	v24 =	vld [tilespmem:s0+$0xFFFFFC10];
	[tilespmem:v26+s23+$0x0] =	vst.idx.msk $0xffff, v23;
	v23 =	vmul.f32 $8.000000000e+00, v28;
	v26 =	vor.u32 v1, v17  }
0x1a7: {  	v28 =	vld [tilespmem:s0+$0xFFFFFCA0];
	[tilespmem:v21+s23+$0x0] =	vst.idx.msk $0xffff, v19;
	v19 =	vmul.f32 $8.000000000e+00, v25;
	v21 =	vor.u32 v1, v9  }
0x1a8: {  	v30 =	vld [tilespmem:s0+$0xFFFFFD20];
	v25 =	vor.u32 v1, v8;
	[tilespmem:v27+s23+$0x0] =	vst.idx.msk $0xffff, v23;
	v23 =	vmul.f32 $8.000000000e+00, v29  }
0x1a9: {  	v27 =	vor.u32 v2, v4;
	v29 =	vld [tilespmem:s0+$0xFFFFFDA0];
	[tilespmem:v31+s23+$0x0] =	vst.idx.msk $0xffff, v19;
	v19 =	vmul.f32 $8.000000000e+00, v60  }
0x1aa: {  	v61 =	vld [tilespmem:s0+$0xFFFFFE20];
	v31 =	vor.u32 v2, v5;
	[tilespmem:v20+s23+$0x0] =	vst.idx.msk $0xffff, v23;
	v20 =	vmul.f32 $8.000000000e+00, v22  }
0x1ab: {  	v22 =	vmul.f32 $8.000000000e+00, v24;
	v23 =	vor.u32 v2, v6;
	v24 =	vld [tilespmem:s0+$0xFFFFFEA0];
	[tilespmem:v26+s23+$0x0] =	vst.idx.msk $0xffff, v19  }
0x1ac: {  	v19 =	vmul.f32 $8.000000000e+00, v28;
	v26 =	vor.u32 v2, v7;
	v28 =	vld [tilespmem:s0+$0xFFFFFF20];
	[tilespmem:v21+s23+$0x0] =	vst.idx.msk $0xffff, v20  }
0x1ad: {  	[tilespmem:v25+s23+$0x0] =	vst.idx.msk $0xffff, v22;
	v20 =	vmul.f32 $8.000000000e+00, v30;
	v21 =	vor.u32 v2, v10;
	v22 =	vld [tilespmem:s0+$0xFFFFFFA0]  }
0x1ae: {  	v25 =	vor.u32 v2, v11;
	[tilespmem:v27+s23+$0x0] =	vst.idx.msk $0xffff, v19;
	v19 =	vmul.f32 $8.000000000e+00, v29;
	v27 =	vld [tilespmem:s0+$0x20]  }
0x1af: {  	v30 =	vld [tilespmem:s0+$0xA0];
	v29 =	vor.u32 v2, v12;
	[tilespmem:v31+s23+$0x0] =	vst.idx.msk $0xffff, v20;
	v20 =	vmul.f32 $8.000000000e+00, v61  }
0x1b0: {  	[tilespmem:v23+s23+$0x0] =	vst.idx.msk $0xffff, v19;
	v19 =	vmul.f32 $8.000000000e+00, v24;
	v23 =	vor.u32 v2, v13;
	v24 =	vld [tilespmem:s0+$0x120]  }
0x1b1: {  	[tilespmem:v26+s23+$0x0] =	vst.idx.msk $0xffff, v20;
	v20 =	vmul.f32 $8.000000000e+00, v28;
	v26 =	vor.u32 v2, v14;
	v28 =	vld [tilespmem:s0+$0x1A0]  }
0x1b2: {  	[tilespmem:v21+s23+$0x0] =	vst.idx.msk $0xffff, v19;
	v19 =	vmul.f32 $8.000000000e+00, v22;
	v21 =	vor.u32 v2, v15;
	v22 =	vld [tilespmem:s0+$0x220]  }
0x1b3: {  	[tilespmem:v25+s23+$0x0] =	vst.idx.msk $0xffff, v20;
	v20 =	vmul.f32 $8.000000000e+00, v27;
	v25 =	vor.u32 v2, v16;
	v27 =	vld [tilespmem:s0+$0x2A0]  }
0x1b4: {  	[tilespmem:v29+s23+$0x0] =	vst.idx.msk $0xffff, v19;
	v19 =	vmul.f32 $8.000000000e+00, v30;
	v29 =	vor.u32 v2, v18;
	v30 =	vld [tilespmem:s0+$0x320]  }
0x1b5: {  	v31 =	vld [tilespmem:s0+$0xFFFFFC20];
	[tilespmem:v23+s23+$0x0] =	vst.idx.msk $0xffff, v20;
	v20 =	vmul.f32 $8.000000000e+00, v24;
	v23 =	vor.u32 v2, v17  }
0x1b6: {  	v24 =	vld [tilespmem:s0+$0xFFFFFCB0];
	[tilespmem:v26+s23+$0x0] =	vst.idx.msk $0xffff, v19;
	v19 =	vmul.f32 $8.000000000e+00, v28;
	v26 =	vor.u32 v2, v9  }
0x1b7: {  	v62 =	vld [tilespmem:s0+$0xFFFFFD30];
	v28 =	vor.u32 v2, v8;
	[tilespmem:v21+s23+$0x0] =	vst.idx.msk $0xffff, v20;
	v20 =	vmul.f32 $8.000000000e+00, v22  }
0x1b8: {  	v4 =	vor.u32 v3, v4;
	v21 =	vld [tilespmem:s0+$0xFFFFFDB0];
	[tilespmem:v25+s23+$0x0] =	vst.idx.msk $0xffff, v19;
	v19 =	vmul.f32 $8.000000000e+00, v27  }
0x1b9: {  	v5 =	vor.u32 v3, v5;
	v22 =	vld [tilespmem:s0+$0xFFFFFE30];
	[tilespmem:v29+s23+$0x0] =	vst.idx.msk $0xffff, v20;
	v20 =	vmul.f32 $8.000000000e+00, v30  }
0x1ba: {  	v6 =	vor.u32 v3, v6;
	v25 =	vmul.f32 $8.000000000e+00, v31;
	v27 =	vld [tilespmem:s0+$0xFFFFFEB0];
	[tilespmem:v23+s23+$0x0] =	vst.idx.msk $0xffff, v19  }
0x1bb: {  	v7 =	vor.u32 v3, v7;
	v19 =	vmul.f32 $8.000000000e+00, v24;
	v23 =	vld [tilespmem:s0+$0xFFFFFF30];
	[tilespmem:v26+s23+$0x0] =	vst.idx.msk $0xffff, v20  }
0x1bc: {  	v10 =	vor.u32 v3, v10;
	v24 =	vld [tilespmem:s0+$0xFFFFFFB0];
	[tilespmem:v28+s23+$0x0] =	vst.idx.msk $0xffff, v25;
	v20 =	vmul.f32 $8.000000000e+00, v62  }
0x1bd: {  	v11 =	vor.u32 v3, v11;
	[tilespmem:v4+s23+$0x0] =	vst.idx.msk $0xffff, v19;
	v4 =	vmul.f32 $8.000000000e+00, v21;
	v19 =	vld [tilespmem:s0+$0x30]  }
0x1be: {  	v12 =	vor.u32 v3, v12;
	[tilespmem:v5+s23+$0x0] =	vst.idx.msk $0xffff, v20;
	v5 =	vmul.f32 $8.000000000e+00, v22;
	v20 =	vld [tilespmem:s0+$0xB0]  }
0x1bf: {  	[tilespmem:v6+s23+$0x0] =	vst.idx.msk $0xffff, v4;
	v4 =	vmul.f32 $8.000000000e+00, v27;
	v6 =	vor.u32 v3, v13;
	v13 =	vld [tilespmem:s0+$0x130]  }
0x1c0: {  	[tilespmem:v7+s23+$0x0] =	vst.idx.msk $0xffff, v5;
	v5 =	vmul.f32 $8.000000000e+00, v23;
	v7 =	vor.u32 v3, v14;
	v14 =	vld [tilespmem:s0+$0x1B0]  }
0x1c1: {  	[tilespmem:v10+s23+$0x0] =	vst.idx.msk $0xffff, v4;
	v4 =	vmul.f32 $8.000000000e+00, v24;
	v10 =	vor.u32 v3, v15;
	v15 =	vld [tilespmem:s0+$0x230]  }
0x1c2: {  	[tilespmem:v11+s23+$0x0] =	vst.idx.msk $0xffff, v5;
	v5 =	vmul.f32 $8.000000000e+00, v19;
	v11 =	vor.u32 v3, v16;
	v16 =	vld [tilespmem:s0+$0x2B0]  }
0x1c3: {  	v19 =	vld [tilespmem:s0+$0xFFFFFC30];
	[tilespmem:v12+s23+$0x0] =	vst.idx.msk $0xffff, v4;
	v4 =	vmul.f32 $8.000000000e+00, v20;
	v12 =	vor.u32 v3, v18  }
0x1c4: {  	v18 =	vld [tilespmem:s0+$0x330];
	[tilespmem:v6+s23+$0x0] =	vst.idx.msk $0xffff, v5;
	v5 =	vmul.f32 $8.000000000e+00, v13;
	v6 =	vor.u32 v3, v17  }
0x1c5: {  	v8 =	vor.u32 v3, v8;
	[tilespmem:v7+s23+$0x0] =	vst.idx.msk $0xffff, v4;
	v4 =	vmul.f32 $8.000000000e+00, v14  }
0x1c6: {  	v7 =	vor.u32 v3, v9;
	[tilespmem:v10+s23+$0x0] =	vst.idx.msk $0xffff, v5;
	v5 =	vmul.f32 $8.000000000e+00, v15  }
0x1c7: {  	[tilespmem:v11+s23+$0x0] =	vst.idx.msk $0xffff, v4;
	v4 =	vmul.f32 $8.000000000e+00, v16  }
0x1c8: {  	v9 =	vmul.f32 $8.000000000e+00, v19;
	[tilespmem:v12+s23+$0x0] =	vst.idx.msk $0xffff, v5  }
0x1c9: {  	p0 =	seq.s32 s29, $0x31;
	v5 =	vmul.f32 $8.000000000e+00, v18;
	[tilespmem:v6+s23+$0x0] =	vst.idx.msk $0xffff, v4  }
0x1ca: {  	s0 =	sshll.u32 @!p0 s29, $0x9;
	[tilespmem:v8+s23+$0x0] =	vst.idx.msk $0xffff, v9  }
0x1cb: {  	s13 =	sadd.s32 s31, s7;
	s1 =	sand.u32 @!p0 $0x3FFFFE00, s0;
	[tilespmem:v7+s23+$0x0] =	vst.idx.msk $0xffff, v5  }
0x1cc: {  	[hbm4b:s13+s19] =	stream.strided.scatter [tilespmem:s23], [sflag:$0x6], $0x2000, s20, s19, $0x38;
	[tilespmem:$0x1A400] =	vst v63  }
0x1cd: {  	s14 =	simm.s32 @!p0 $0xA400;
	s0 =	sadd.s32 @!p0 $0x280, s1;
	s13 =	simm.s32 @!p0 $0x80  }
0x1ce: {  	[tilespmem:s14], [sflag:$0x2] =	stream.indirect.gather @!p0 [hbm4b:s4+s13], $0x80, s0, s13, $0xb8;
	[tilespmem:$0x1A400] =	vst v63  }
0x1cf: {  	s14 =	simm.s32 $0x0;
	s0 =	simm.s32 $0x1  }
0x1d0: {  	s13 =	simm.s32 $0x2;
	v4 =	vmov s14;
	s14 =	simm.s32 $0x3;
	v5 =	vmov s0  }
0x1d1: {  	v6 =	vmov s13;
	s0 =	simm.s32 $0x4;
	s13 =	simm.s32 $0x5;
	v4 =	vand.u32 $0x70, v4;
	v7 =	vmov s14  }
0x1d2: {  	_ =	swait.ge [sflag:s24], $0x4000;
	s14 =	simm.s32 $0x6;
	v8 =	vmov s0;
	v9 =	vmov s13;
	s13 =	simm.s32 $0x8;
	v5 =	vand.u32 $0x71, v5  }
0x1d3: {  	[sflag:s24] =	ssyncset.done $0x0;
	s0 =	simm.s32 $0x7;
	v6 =	vand.u32 $0x72, v6;
	v10 =	vmov s14;
	v12 =	vmov s13;
	s13 =	simm.s32 $0xB  }
0x1d4: {  	v11 =	vmov s0;
	[sflag:s24] =	ssyncadd.s32 $0xFFFFC000;
	v4 =	vbroadcast v4, $0x0;
	v15 =	vmov s13;
	s13 =	simm.s32 $0xD  }
0x1d5: {  	v7 =	vand.u32 $0x73, v7;
	v8 =	vand.u32 $0x74, v8;
	_ =	swait.ge [sflag:s25], $0x2000;
	v19 =	vmov s13;
	s13 =	simm.s32 $0xF  }
0x1d6: {  	s14 =	simm.s32 $0x9;
	s0 =	simm.s32 $0xA;
	v9 =	vand.u32 $0x75, v9;
	v17 =	vbroadcast v6, $0x0;
	[sflag:s25] =	ssyncset.done $0x0;
	v16 =	vmov s13  }
0x1d7: {  	v13 =	vmov s14;
	v14 =	vmov s0;
	s0 =	simm.s32 $0xE800;
	[sflag:s25] =	ssyncadd.s32 $0xFFFFE000;
	v16 =	vand.u32 $0x7F, v16  }
0x1d8: {  	s14 =	simm.s32 $0xC;
	v10 =	vand.u32 $0x76, v10;
	v23 =	vand.u32 $0x77, v11;
	v20 =	vld [tilespmem:s0+$0x380];
	v22 =	vbroadcast v16, $0x0  }
0x1d9: {  	v24 =	vand.u32 $0x78, v12;
	v12 =	vbroadcast v8, $0x0;
	v18 =	vmov s14;
	v11 =	vld [tilespmem:s0+$0xFFFFFC00]  }
0x1da: {  	v13 =	vand.u32 $0x79, v13;
	v26 =	vld [tilespmem:s0+$0xFFFFFC80];
	v16 =	vbroadcast v5, $0x0;
	v5 =	vor.u32 v0, v22  }
0x1db: {  	v25 =	vand.u32 $0x7A, v14;
	v27 =	vand.u32 $0x7B, v15;
	v15 =	vor.u32 v0, v4;
	v28 =	vld [tilespmem:s0+$0xFFFFFD00]  }
0x1dc: {  	v14 =	vbroadcast v7, $0x0;
	v6 =	vand.u32 $0x7C, v18;
	v29 =	vld [tilespmem:s0+$0xFFFFFD80];
	v18 =	vor.u32 v0, v16  }
0x1dd: {  	v7 =	vor.u32 v0, v17;
	v10 =	vbroadcast v10, $0x0;
	v30 =	vld [tilespmem:s0+$0xFFFFFE00];
	v8 =	vmul.f32 $8.000000000e+00, v20  }
0x1de: {  	s14 =	simm.s32 $0xE;
	v31 =	vor.u32 v0, v14;
	v63 =	vld [tilespmem:s0+$0xFFFFFE80];
	v20 =	vmul.f32 $8.000000000e+00, v11;
	v11 =	vbroadcast v9, $0x0  }
0x1df: {  	v21 =	vmov s14;
	v36 =	vld [tilespmem:s0+$0xFFFFFF00];
	v9 =	vmul.f32 $8.000000000e+00, v26;
	v26 =	vor.u32 v0, v12;
	[tilespmem:v5+s18+$0x0] =	vst.idx.msk $0xffff, v8  }
0x1e0: {  	[tilespmem:v15+s18+$0x0] =	vst.idx.msk $0xffff, v20;
	v15 =	vbroadcast v24, $0x0;
	v5 =	vmul.f32 $8.000000000e+00, v28;
	v8 =	vor.u32 v0, v11;
	v37 =	vld [tilespmem:s0+$0x390]  }
0x1e1: {  	v38 =	vld [tilespmem:s0+$0xFFFFFF80];
	[tilespmem:v18+s18+$0x0] =	vst.idx.msk $0xffff, v9;
	v9 =	vmul.f32 $8.000000000e+00, v29;
	v29 =	vor.u32 v0, v10;
	v18 =	vbroadcast v23, $0x0  }
0x1e2: {  	v28 =	vand.u32 $0x7D, v19;
	v23 =	vor.u32 v1, v22;
	[tilespmem:v7+s18+$0x0] =	vst.idx.msk $0xffff, v5;
	v5 =	vmul.f32 $8.000000000e+00, v30;
	v7 =	vld [tilespmem:s0+$0x0]  }
0x1e3: {  	v19 =	vbroadcast v13, $0x0;
	[tilespmem:v31+s18+$0x0] =	vst.idx.msk $0xffff, v9;
	v9 =	vmul.f32 $8.000000000e+00, v63;
	v24 =	vor.u32 v0, v18;
	v30 =	vld [tilespmem:s0+$0x80]  }
0x1e4: {  	v20 =	vbroadcast v25, $0x0;
	v31 =	vld [tilespmem:s0+$0x100];
	[tilespmem:v26+s18+$0x0] =	vst.idx.msk $0xffff, v5;
	v5 =	vmul.f32 $8.000000000e+00, v36;
	v26 =	vor.u32 v0, v15  }
0x1e5: {  	v13 =	vbroadcast v27, $0x0;
	[tilespmem:v8+s18+$0x0] =	vst.idx.msk $0xffff, v9;
	v8 =	vor.u32 v0, v19;
	v9 =	vld [tilespmem:s0+$0x180];
	v25 =	vmul.f32 $8.000000000e+00, v37  }
0x1e6: {  	v39 =	vld [tilespmem:s0+$0x200];
	v6 =	vbroadcast v6, $0x0;
	v27 =	vmul.f32 $8.000000000e+00, v38;
	[tilespmem:v29+s18+$0x0] =	vst.idx.msk $0xffff, v5;
	v29 =	vor.u32 v0, v20  }
0x1e7: {  	v41 =	vld [tilespmem:s0+$0x280];
	v40 =	vor.u32 v0, v13;
	v5 =	vbroadcast v28, $0x0;
	v7 =	vmul.f32 $8.000000000e+00, v7;
	[tilespmem:v23+s18+$0x0] =	vst.idx.msk $0xffff, v25  }
0x1e8: {  	v21 =	vand.u32 $0x7E, v21;
	[tilespmem:v24+s18+$0x0] =	vst.idx.msk $0xffff, v27;
	v24 =	vor.u32 v0, v6;
	v23 =	vmul.f32 $8.000000000e+00, v30;
	v25 =	vld [tilespmem:s0+$0x3A0]  }
0x1e9: {  	v28 =	vld [tilespmem:s0+$0x300];
	v27 =	vor.u32 v0, v5;
	[tilespmem:v26+s18+$0x0] =	vst.idx.msk $0xffff, v7;
	v26 =	vmul.f32 $8.000000000e+00, v31;
	v7 =	vbroadcast v21, $0x0  }
0x1ea: {  	v21 =	vld [tilespmem:s0+$0xFFFFFC90];
	[tilespmem:v8+s18+$0x0] =	vst.idx.msk $0xffff, v23;
	v8 =	vmul.f32 $8.000000000e+00, v9;
	v9 =	vor.u32 v2, v22  }
0x1eb: {  	v23 =	vld [tilespmem:s0+$0xFFFFFD10];
	[tilespmem:v29+s18+$0x0] =	vst.idx.msk $0xffff, v26;
	v26 =	vmul.f32 $8.000000000e+00, v39;
	v29 =	vor.u32 v0, v7  }
0x1ec: {  	v30 =	vor.u32 v1, v16;
	v31 =	vld [tilespmem:s0+$0xFFFFFD90];
	[tilespmem:v40+s18+$0x0] =	vst.idx.msk $0xffff, v8;
	v8 =	vmul.f32 $8.000000000e+00, v41  }
0x1ed: {  	v42 =	vor.u32 v1, v17;
	v43 =	vld [tilespmem:s0+$0xFFFFFE10];
	[tilespmem:v24+s18+$0x0] =	vst.idx.msk $0xffff, v26;
	v24 =	vmul.f32 $8.000000000e+00, v25  }
0x1ee: {  	v26 =	vld [tilespmem:s0+$0xFFFFFE90];
	v25 =	vor.u32 v1, v14;
	[tilespmem:v27+s18+$0x0] =	vst.idx.msk $0xffff, v8;
	v8 =	vmul.f32 $8.000000000e+00, v28  }
0x1ef: {  	v21 =	vmul.f32 $8.000000000e+00, v21;
	v27 =	vor.u32 v1, v12;
	v28 =	vld [tilespmem:s0+$0xFFFFFF10];
	[tilespmem:v9+s18+$0x0] =	vst.idx.msk $0xffff, v24  }
0x1f0: {  	v9 =	vmul.f32 $8.000000000e+00, v23;
	v23 =	vor.u32 v1, v11;
	[tilespmem:v29+s18+$0x0] =	vst.idx.msk $0xffff, v8;
	v8 =	vld [tilespmem:s0+$0x3B0]  }
0x1f1: {  	[tilespmem:v30+s18+$0x0] =	vst.idx.msk $0xffff, v21;
	v21 =	vmul.f32 $8.000000000e+00, v31;
	v24 =	vor.u32 v1, v10;
	v29 =	vld [tilespmem:s0+$0xFFFFFF90]  }
0x1f2: {  	v22 =	vor.u32 v3, v22;
	v30 =	vld [tilespmem:s0+$0x10];
	[tilespmem:v42+s18+$0x0] =	vst.idx.msk $0xffff, v9;
	v9 =	vmul.f32 $8.000000000e+00, v43  }
0x1f3: {  	[tilespmem:v25+s18+$0x0] =	vst.idx.msk $0xffff, v21;
	v21 =	vmul.f32 $8.000000000e+00, v26;
	v25 =	vor.u32 v1, v18;
	v26 =	vld [tilespmem:s0+$0x90]  }
0x1f4: {  	[tilespmem:v27+s18+$0x0] =	vst.idx.msk $0xffff, v9;
	v9 =	vmul.f32 $8.000000000e+00, v28;
	v27 =	vor.u32 v1, v15;
	v28 =	vld [tilespmem:s0+$0x110]  }
0x1f5: {  	[tilespmem:v23+s18+$0x0] =	vst.idx.msk $0xffff, v21;
	v21 =	vor.u32 v1, v19;
	v23 =	vld [tilespmem:s0+$0x190];
	v8 =	vmul.f32 $8.000000000e+00, v8  }
0x1f6: {  	[tilespmem:v24+s18+$0x0] =	vst.idx.msk $0xffff, v9;
	v9 =	vmul.f32 $8.000000000e+00, v29;
	v24 =	vor.u32 v1, v20;
	v29 =	vld [tilespmem:s0+$0x210]  }
0x1f7: {  	v44 =	vld [tilespmem:s0+$0x290];
	v31 =	vor.u32 v1, v13;
	v30 =	vmul.f32 $8.000000000e+00, v30;
	[tilespmem:v22+s18+$0x0] =	vst.idx.msk $0xffff, v8  }
0x1f8: {  	[tilespmem:v25+s18+$0x0] =	vst.idx.msk $0xffff, v9;
	v8 =	vmul.f32 $8.000000000e+00, v26;
	v9 =	vor.u32 v1, v6;
	v22 =	vld [tilespmem:s0+$0x310]  }
0x1f9: {  	s14 =	simm.s32 $0x10;
	v25 =	vld [tilespmem:s0+$0xFFFFFC10];
	[tilespmem:v27+s18+$0x0] =	vst.idx.msk $0xffff, v30;
	v26 =	vmul.f32 $8.000000000e+00, v28;
	v27 =	vor.u32 v1, v5  }
0x1fa: {  	v28 =	vmov s14;
	v30 =	vld [tilespmem:s0+$0xFFFFFCA0];
	[tilespmem:v21+s18+$0x0] =	vst.idx.msk $0xffff, v8;
	v8 =	vmul.f32 $8.000000000e+00, v23;
	v21 =	vor.u32 v1, v7  }
0x1fb: {  	v45 =	vld [tilespmem:s0+$0xFFFFFD20];
	v23 =	vand.u32 $0x70, v28;
	v28 =	vor.u32 v1, v4;
	[tilespmem:v24+s18+$0x0] =	vst.idx.msk $0xffff, v26;
	v24 =	vmul.f32 $8.000000000e+00, v29  }
0x1fc: {  	v47 =	vor.u32 v2, v17;
	v46 =	vld [tilespmem:s0+$0xFFFFFDA0];
	v29 =	vor.u32 v2, v16;
	[tilespmem:v31+s18+$0x0] =	vst.idx.msk $0xffff, v8;
	v8 =	vmul.f32 $8.000000000e+00, v44  }
0x1fd: {  	v17 =	vor.u32 v3, v17;
	v62 =	vor.u32 v3, v10;
	v48 =	vld [tilespmem:s0+$0xFFFFFE20];
	[tilespmem:v9+s18+$0x0] =	vst.idx.msk $0xffff, v24;
	v9 =	vmul.f32 $8.000000000e+00, v22  }
0x1fe: {  	v55 =	vor.u32 v2, v6;
	v49 =	vld [tilespmem:s0+$0xFFFFFEA0];
	v22 =	vmul.f32 $8.000000000e+00, v25;
	v25 =	vor.u32 v2, v14;
	[tilespmem:v27+s18+$0x0] =	vst.idx.msk $0xffff, v8  }
0x1ff: {  	v50 =	vor.u32 v2, v18;
	v37 =	vld [tilespmem:s0+$0xFFFFFF20];
	v8 =	vmul.f32 $8.000000000e+00, v30;
	v30 =	vor.u32 v2, v12;
	[tilespmem:v21+s18+$0x0] =	vst.idx.msk $0xffff, v9  }
0x200: {  	v42 =	vor.u32 v2, v20;
	s14 =	simm.s32 $0x11;
	[tilespmem:v28+s18+$0x0] =	vst.idx.msk $0xffff, v22;
	v9 =	vmul.f32 $8.000000000e+00, v45;
	v21 =	vor.u32 v2, v11;
	v22 =	vld [tilespmem:s0+$0xFFFFFFA0]  }
0x201: {  	v26 =	vmov s14;
	s14 =	simm.s32 $0x12;
	v28 =	vor.u32 v2, v10;
	[tilespmem:v29+s18+$0x0] =	vst.idx.msk $0xffff, v8;
	v8 =	vmul.f32 $8.000000000e+00, v46;
	v29 =	vld [tilespmem:s0+$0x20]  }
0x202: {  	v51 =	vld [tilespmem:s0+$0xA0];
	v16 =	vor.u32 v3, v16;
	v31 =	vmov s14;
	s14 =	simm.s32 $0x13;
	[tilespmem:v47+s18+$0x0] =	vst.idx.msk $0xffff, v9;
	v9 =	vmul.f32 $8.000000000e+00, v48  }
0x203: {  	v24 =	vmov s14;
	s14 =	simm.s32 $0x14;
	v47 =	vld [tilespmem:s0+$0xFFFFFCB0];
	[tilespmem:v25+s18+$0x0] =	vst.idx.msk $0xffff, v8;
	v8 =	vmul.f32 $8.000000000e+00, v49;
	v25 =	vor.u32 v2, v15  }
0x204: {  	v52 =	vld [tilespmem:s0+$0x120];
	v27 =	vmov s14;
	s14 =	simm.s32 $0x15;
	[tilespmem:v30+s18+$0x0] =	vst.idx.msk $0xffff, v9;
	v9 =	vmul.f32 $8.000000000e+00, v37;
	v30 =	vor.u32 v2, v19  }
0x205: {  	v33 =	vand.u32 $0x71, v26;
	v54 =	vld [tilespmem:s0+$0x1A0];
	v38 =	vmov s14;
	s14 =	simm.s32 $0x16;
	[tilespmem:v21+s18+$0x0] =	vst.idx.msk $0xffff, v8;
	v8 =	vmul.f32 $8.000000000e+00, v22  }
0x206: {  	v14 =	vor.u32 v3, v14;
	v39 =	vmov s14;
	s14 =	simm.s32 $0x17;
	v26 =	vld [tilespmem:s0+$0xFFFFFDB0];
	[tilespmem:v28+s18+$0x0] =	vst.idx.msk $0xffff, v9;
	v9 =	vmul.f32 $8.000000000e+00, v29  }
0x207: {  	v43 =	vld [tilespmem:s0+$0x220];
	v34 =	vmov s14;
	s14 =	simm.s32 $0x18;
	v28 =	vor.u32 v2, v13;
	[tilespmem:v50+s18+$0x0] =	vst.idx.msk $0xffff, v8;
	v8 =	vmul.f32 $8.000000000e+00, v51  }
0x208: {  	v32 =	vand.u32 $0x74, v27;
	v40 =	vmov s14;
	s14 =	simm.s32 $0x19;
	v58 =	vld [tilespmem:s0+$0xFFFFFE30];
	v27 =	vmul.f32 $8.000000000e+00, v47;
	[tilespmem:v25+s18+$0x0] =	vst.idx.msk $0xffff, v9  }
0x209: {  	v56 =	vor.u32 v2, v5;
	v46 =	vld [tilespmem:s0+$0xFFFFFC20];
	v53 =	vmov s14;
	s14 =	simm.s32 $0x1A;
	v25 =	vmul.f32 $8.000000000e+00, v52;
	[tilespmem:v30+s18+$0x0] =	vst.idx.msk $0xffff, v8  }
0x20a: {  	v12 =	vor.u32 v3, v12;
	v41 =	vmov s14;
	v29 =	vld [tilespmem:s0+$0x2A0];
	v30 =	vmul.f32 $8.000000000e+00, v54;
	[tilespmem:v16+s18+$0x0] =	vst.idx.msk $0xffff, v27  }
0x20b: {  	v48 =	vld [tilespmem:s0+$0xFFFFFD30];
	s14 =	simm.s32 $0x1B;
	v8 =	vbroadcast v23, $0x0;
	v23 =	vor.u32 v2, v4;
	v16 =	vmul.f32 $8.000000000e+00, v26;
	[tilespmem:v42+s18+$0x0] =	vst.idx.msk $0xffff, v25  }
0x20c: {  	v57 =	vor.u32 v2, v7;
	v44 =	vmov s14;
	s14 =	simm.s32 $0x1C;
	v59 =	vld [tilespmem:s0+$0xFFFFFEB0];
	v25 =	vmul.f32 $8.000000000e+00, v43;
	[tilespmem:v28+s18+$0x0] =	vst.idx.msk $0xffff, v30  }
0x20d: {  	v11 =	vor.u32 v3, v11;
	v45 =	vld [tilespmem:s0+$0x320];
	v22 =	vmov s14;
	v10 =	vmul.f32 $8.000000000e+00, v58;
	[tilespmem:v14+s18+$0x0] =	vst.idx.msk $0xffff, v16  }
0x20e: {  	s14 =	simm.s32 $0x1D;
	v60 =	vld [tilespmem:s0+$0xFFFFFF30];
	v30 =	vand.u32 $0x72, v31;
	v31 =	vand.u32 $0x73, v24;
	v24 =	vmul.f32 $8.000000000e+00, v46;
	[tilespmem:v55+s18+$0x0] =	vst.idx.msk $0xffff, v25  }
0x20f: {  	v13 =	vor.u32 v3, v13;
	v21 =	vmov s14;
	s14 =	simm.s32 $0x1E;
	v61 =	vld [tilespmem:s0+$0xFFFFFFB0];
	v28 =	vmul.f32 $8.000000000e+00, v29;
	[tilespmem:v12+s18+$0x0] =	vst.idx.msk $0xffff, v10  }
0x210: {  	v9 =	vmov s14;
	v63 =	vld [tilespmem:s0+$0x30];
	v26 =	vand.u32 $0x78, v40;
	[tilespmem:v23+s18+$0x0] =	vst.idx.msk $0xffff, v24;
	v24 =	vmul.f32 $8.000000000e+00, v48  }
0x211: {  	v35 =	vld [tilespmem:s0+$0xB0];
	v16 =	vmul.f32 $8.000000000e+00, v59;
	[tilespmem:v56+s18+$0x0] =	vst.idx.msk $0xffff, v28;
	v23 =	vand.u32 $0x77, v34;
	v34 =	vor.u32 v3, v18  }
0x212: {  	v27 =	vand.u32 $0x7B, v44;
	v25 =	vmul.f32 $8.000000000e+00, v45;
	v18 =	vld [tilespmem:s0+$0x130];
	[tilespmem:v17+s18+$0x0] =	vst.idx.msk $0xffff, v24;
	v17 =	vor.u32 v3, v15  }
0x213: {  	v29 =	vand.u32 $0x76, v39;
	v12 =	vor.u32 v3, v19;
	v14 =	vld [tilespmem:s0+$0x1B0];
	[tilespmem:v11+s18+$0x0] =	vst.idx.msk $0xffff, v16;
	v15 =	vmul.f32 $8.000000000e+00, v60  }
0x214: {  	v10 =	vor.u32 v3, v20;
	v28 =	vand.u32 $0x75, v38;
	v19 =	vmul.f32 $8.000000000e+00, v61;
	v11 =	vld [tilespmem:s0+$0x230];
	[tilespmem:v57+s18+$0x0] =	vst.idx.msk $0xffff, v25  }
0x215: {  	s13 =	simm.s32 $0x20;
	s14 =	simm.s32 $0x1F;
	v25 =	vand.u32 $0x7A, v41;
	v20 =	vmul.f32 $8.000000000e+00, v63;
	v24 =	vand.u32 $0x79, v53;
	[tilespmem:v62+s18+$0x0] =	vst.idx.msk $0xffff, v15;
	v15 =	vld [tilespmem:s0+$0x2B0]  }
.LBB2_11:
0x216: {  	p1 =	slt.u32 s13, $0x70;
	v16 =	vmov s14;
	[tilespmem:v34+s18+$0x0] =	vst.idx.msk $0xffff, v19;
	v19 =	vmul.f32 $8.000000000e+00, v35;
	v6 =	vor.u32 v3, v6;
	v35 =	vld [tilespmem:s0+$0x330]  }
0x217: {  	v5 =	vor.u32 v3, v5;
	v16 =	vand.u32 $0x7F, v16;
	v36 =	vld [tilespmem:s0+$0xFFFFFC30];
	[tilespmem:v17+s18+$0x0] =	vst.idx.msk $0xffff, v20;
	v17 =	vmul.f32 $8.000000000e+00, v18;
	s0 =	sadd.s32 $0x800, s0  }
0x218: {  	v7 =	vor.u32 v3, v7;
	v18 =	vld [tilespmem:s0+$0x380];
	v34 =	vbroadcast v16, $0x0;
	[tilespmem:v12+s18+$0x0] =	vst.idx.msk $0xffff, v19;
	v12 =	vmul.f32 $8.000000000e+00, v14  }
0x219: {  	v22 =	vand.u32 $0x7C, v22;
	v16 =	vor.u32 v3, v4;
	v4 =	vmovc v8;
	v14 =	vld [tilespmem:s0+$0xFFFFFC00];
	[tilespmem:v10+s18+$0x0] =	vst.idx.msk $0xffff, v17;
	v11 =	vmul.f32 $8.000000000e+00, v11  }
0x21a: {  	v10 =	vbroadcast v33, $0x0;
	v8 =	vld [tilespmem:s0+$0xFFFFFC80];
	v17 =	vor.u32 v0, v34;
	[tilespmem:v13+s18+$0x0] =	vst.idx.msk $0xffff, v12;
	v12 =	vmul.f32 $8.000000000e+00, v15  }
0x21b: {  	v19 =	vor.u32 v0, v4;
	v15 =	vbroadcast v30, $0x0;
	v20 =	vld [tilespmem:s0+$0xFFFFFD00];
	[tilespmem:v6+s18+$0x0] =	vst.idx.msk $0xffff, v11;
	v6 =	vmul.f32 $8.000000000e+00, v35  }
0x21c: {  	v30 =	vor.u32 v0, v10;
	v11 =	vbroadcast v31, $0x0;
	v33 =	vld [tilespmem:s0+$0xFFFFFD80];
	v31 =	vmul.f32 $8.000000000e+00, v36;
	[tilespmem:v5+s18+$0x0] =	vst.idx.msk $0xffff, v12  }
0x21d: {  	v5 =	vor.u32 v0, v15;
	v12 =	vbroadcast v32, $0x0;
	v35 =	vld [tilespmem:s0+$0xFFFFFE00];
	v18 =	vmul.f32 $8.000000000e+00, v18;
	[tilespmem:v7+s18+$0x0] =	vst.idx.msk $0xffff, v6  }
0x21e: {  	v13 =	vbroadcast v28, $0x0;
	v7 =	vor.u32 v0, v11;
	v6 =	vmul.f32 $8.000000000e+00, v14;
	v32 =	vld [tilespmem:s0+$0xFFFFFE80];
	[tilespmem:v16+s18+$0x0] =	vst.idx.msk $0xffff, v31  }
0x21f: {  	v16 =	vor.u32 v0, v12;
	v14 =	vbroadcast v29, $0x0;
	v8 =	vmul.f32 $8.000000000e+00, v8;
	v28 =	vld [tilespmem:s0+$0xFFFFFF00];
	[tilespmem:v17+s18+$0x0] =	vst.idx.msk $0xffff, v18  }
0x220: {  	v21 =	vand.u32 $0x7D, v21;
	v29 =	vor.u32 v0, v13;
	[tilespmem:v19+s18+$0x0] =	vst.idx.msk $0xffff, v6;
	v6 =	vmul.f32 $8.000000000e+00, v20;
	v31 =	vld [tilespmem:s0+$0x390]  }
0x221: {  	v18 =	vbroadcast v23, $0x0;
	[tilespmem:v30+s18+$0x0] =	vst.idx.msk $0xffff, v8;
	v8 =	vmul.f32 $8.000000000e+00, v33;
	v30 =	vor.u32 v0, v14;
	v33 =	vld [tilespmem:s0+$0xFFFFFF80]  }
0x222: {  	v17 =	vbroadcast v26, $0x0;
	v26 =	vor.u32 v1, v34;
	[tilespmem:v5+s18+$0x0] =	vst.idx.msk $0xffff, v6;
	v5 =	vmul.f32 $8.000000000e+00, v35;
	v23 =	vld [tilespmem:s0+$0x0]  }
0x223: {  	v19 =	vbroadcast v24, $0x0;
	[tilespmem:v7+s18+$0x0] =	vst.idx.msk $0xffff, v8;
	v6 =	vmul.f32 $8.000000000e+00, v32;
	v7 =	vor.u32 v0, v18;
	v8 =	vld [tilespmem:s0+$0x80]  }
0x224: {  	v20 =	vbroadcast v25, $0x0;
	v24 =	vor.u32 v0, v17;
	[tilespmem:v16+s18+$0x0] =	vst.idx.msk $0xffff, v5;
	v5 =	vmul.f32 $8.000000000e+00, v28;
	v28 =	vld [tilespmem:s0+$0x100]  }
0x225: {  	v25 =	vor.u32 v0, v19;
	v16 =	vbroadcast v27, $0x0;
	[tilespmem:v29+s18+$0x0] =	vst.idx.msk $0xffff, v6;
	v29 =	vld [tilespmem:s0+$0x180];
	v27 =	vmul.f32 $8.000000000e+00, v31  }
0x226: {  	v31 =	vor.u32 v0, v20;
	v6 =	vbroadcast v22, $0x0;
	[tilespmem:v30+s18+$0x0] =	vst.idx.msk $0xffff, v5;
	v30 =	vmul.f32 $8.000000000e+00, v33;
	v32 =	vld [tilespmem:s0+$0x200]  }
0x227: {  	v5 =	vbroadcast v21, $0x0;
	v22 =	vmul.f32 $8.000000000e+00, v23;
	v23 =	vor.u32 v0, v16;
	v33 =	vld [tilespmem:s0+$0x280];
	[tilespmem:v26+s18+$0x0] =	vst.idx.msk $0xffff, v27  }
0x228: {  	v21 =	vor.u32 v0, v6;
	[tilespmem:v7+s18+$0x0] =	vst.idx.msk $0xffff, v30;
	v8 =	vmul.f32 $8.000000000e+00, v8;
	v7 =	vand.u32 $0x7E, v9;
	v9 =	vld [tilespmem:s0+$0x3A0]  }
0x229: {  	[tilespmem:v24+s18+$0x0] =	vst.idx.msk $0xffff, v22;
	v22 =	vmul.f32 $8.000000000e+00, v28;
	v24 =	vor.u32 v0, v5;
	v26 =	vld [tilespmem:s0+$0x300];
	v7 =	vbroadcast v7, $0x0  }
0x22a: {  	v27 =	vld [tilespmem:s0+$0xFFFFFC90];
	[tilespmem:v25+s18+$0x0] =	vst.idx.msk $0xffff, v8;
	v8 =	vmul.f32 $8.000000000e+00, v29;
	v25 =	vor.u32 v2, v34  }
0x22b: {  	v28 =	vld [tilespmem:s0+$0xFFFFFD10];
	[tilespmem:v31+s18+$0x0] =	vst.idx.msk $0xffff, v22;
	v22 =	vmul.f32 $8.000000000e+00, v32;
	v29 =	vor.u32 v0, v7  }
0x22c: {  	v30 =	vor.u32 v1, v10;
	v31 =	vld [tilespmem:s0+$0xFFFFFD90];
	[tilespmem:v23+s18+$0x0] =	vst.idx.msk $0xffff, v8;
	v8 =	vmul.f32 $8.000000000e+00, v33  }
0x22d: {  	v23 =	vor.u32 v1, v15;
	v32 =	vld [tilespmem:s0+$0xFFFFFE10];
	[tilespmem:v21+s18+$0x0] =	vst.idx.msk $0xffff, v22;
	v9 =	vmul.f32 $8.000000000e+00, v9  }
0x22e: {  	v21 =	vor.u32 v1, v11;
	v22 =	vld [tilespmem:s0+$0xFFFFFE90];
	[tilespmem:v24+s18+$0x0] =	vst.idx.msk $0xffff, v8;
	v8 =	vmul.f32 $8.000000000e+00, v26  }
0x22f: {  	v26 =	vor.u32 v1, v12;
	v24 =	vmul.f32 $8.000000000e+00, v27;
	v27 =	vld [tilespmem:s0+$0xFFFFFF10];
	[tilespmem:v25+s18+$0x0] =	vst.idx.msk $0xffff, v9  }
0x230: {  	v25 =	vor.u32 v1, v13;
	v9 =	vmul.f32 $8.000000000e+00, v28;
	[tilespmem:v29+s18+$0x0] =	vst.idx.msk $0xffff, v8;
	v8 =	vld [tilespmem:s0+$0x3B0]  }
0x231: {  	v28 =	vor.u32 v1, v14;
	[tilespmem:v30+s18+$0x0] =	vst.idx.msk $0xffff, v24;
	v24 =	vmul.f32 $8.000000000e+00, v31;
	v29 =	vld [tilespmem:s0+$0xFFFFFF90]  }
0x232: {  	v30 =	vor.u32 v3, v34;
	[tilespmem:v23+s18+$0x0] =	vst.idx.msk $0xffff, v9;
	v9 =	vmul.f32 $8.000000000e+00, v32;
	v23 =	vld [tilespmem:s0+$0x10]  }
0x233: {  	[tilespmem:v21+s18+$0x0] =	vst.idx.msk $0xffff, v24;
	v21 =	vmul.f32 $8.000000000e+00, v22;
	v22 =	vor.u32 v1, v18;
	v24 =	vld [tilespmem:s0+$0x90]  }
0x234: {  	[tilespmem:v26+s18+$0x0] =	vst.idx.msk $0xffff, v9;
	v9 =	vmul.f32 $8.000000000e+00, v27;
	v26 =	vor.u32 v1, v17;
	v27 =	vld [tilespmem:s0+$0x110]  }
0x235: {  	[tilespmem:v25+s18+$0x0] =	vst.idx.msk $0xffff, v21;
	v21 =	vor.u32 v1, v19;
	v25 =	vld [tilespmem:s0+$0x190];
	v8 =	vmul.f32 $8.000000000e+00, v8  }
0x236: {  	[tilespmem:v28+s18+$0x0] =	vst.idx.msk $0xffff, v9;
	v9 =	vmul.f32 $8.000000000e+00, v29;
	v28 =	vor.u32 v1, v20;
	v29 =	vld [tilespmem:s0+$0x210]  }
0x237: {  	v31 =	vor.u32 v1, v16;
	v23 =	vmul.f32 $8.000000000e+00, v23;
	v32 =	vld [tilespmem:s0+$0x290];
	[tilespmem:v30+s18+$0x0] =	vst.idx.msk $0xffff, v8  }
0x238: {  	[tilespmem:v22+s18+$0x0] =	vst.idx.msk $0xffff, v9;
	v8 =	vmul.f32 $8.000000000e+00, v24;
	v9 =	vor.u32 v1, v6;
	v22 =	vld [tilespmem:s0+$0x310]  }
0x239: {  	v24 =	vld [tilespmem:s0+$0xFFFFFC10];
	[tilespmem:v26+s18+$0x0] =	vst.idx.msk $0xffff, v23;
	v23 =	vmul.f32 $8.000000000e+00, v27;
	v26 =	vor.u32 v1, v5  }
0x23a: {  	v27 =	vmov s13;
	v30 =	vld [tilespmem:s0+$0xFFFFFCA0];
	[tilespmem:v21+s18+$0x0] =	vst.idx.msk $0xffff, v8;
	v8 =	vmul.f32 $8.000000000e+00, v25;
	v21 =	vor.u32 v1, v7  }
0x23b: {  	s14 =	sadd.s32 $0x1, s13;
	v25 =	vand.u32 $0x70, v27;
	v27 =	vor.u32 v1, v4;
	v33 =	vld [tilespmem:s0+$0xFFFFFD20];
	[tilespmem:v28+s18+$0x0] =	vst.idx.msk $0xffff, v23;
	v23 =	vmul.f32 $8.000000000e+00, v29  }
0x23c: {  	v28 =	vmov s14;
	s14 =	sadd.s32 $0x2, s13;
	v29 =	vor.u32 v2, v10;
	v34 =	vld [tilespmem:s0+$0xFFFFFDA0];
	[tilespmem:v31+s18+$0x0] =	vst.idx.msk $0xffff, v8;
	v8 =	vmul.f32 $8.000000000e+00, v32  }
0x23d: {  	v31 =	vmov s14;
	s14 =	sadd.s32 $0x3, s13;
	v32 =	vor.u32 v2, v15;
	v35 =	vld [tilespmem:s0+$0xFFFFFE20];
	[tilespmem:v9+s18+$0x0] =	vst.idx.msk $0xffff, v23;
	v9 =	vmul.f32 $8.000000000e+00, v22  }
0x23e: {  	v23 =	vmov s14;
	s14 =	sadd.s32 $0x4, s13;
	v22 =	vmul.f32 $8.000000000e+00, v24;
	v24 =	vor.u32 v2, v11;
	v36 =	vld [tilespmem:s0+$0xFFFFFEA0];
	[tilespmem:v26+s18+$0x0] =	vst.idx.msk $0xffff, v8  }
0x23f: {  	v26 =	vmov s14;
	s14 =	sadd.s32 $0x5, s13;
	v8 =	vmul.f32 $8.000000000e+00, v30;
	v30 =	vor.u32 v2, v12;
	v37 =	vld [tilespmem:s0+$0xFFFFFF20];
	[tilespmem:v21+s18+$0x0] =	vst.idx.msk $0xffff, v9  }
0x240: {  	v38 =	vmov s14;
	s14 =	sadd.s32 $0x6, s13;
	v21 =	vor.u32 v2, v13;
	[tilespmem:v27+s18+$0x0] =	vst.idx.msk $0xffff, v22;
	v9 =	vmul.f32 $8.000000000e+00, v33;
	v22 =	vld [tilespmem:s0+$0xFFFFFFA0]  }
0x241: {  	v27 =	vmov s14;
	s14 =	sadd.s32 $0x7, s13;
	[tilespmem:v29+s18+$0x0] =	vst.idx.msk $0xffff, v8;
	v8 =	vmul.f32 $8.000000000e+00, v34;
	v29 =	vor.u32 v2, v14;
	v33 =	vld [tilespmem:s0+$0x20]  }
0x242: {  	v34 =	vmov s14;
	s14 =	sadd.s32 $0x8, s13;
	[tilespmem:v32+s18+$0x0] =	vst.idx.msk $0xffff, v9;
	v9 =	vmul.f32 $8.000000000e+00, v35;
	v32 =	vor.u32 v2, v18;
	v35 =	vld [tilespmem:s0+$0xA0]  }
0x243: {  	v39 =	vmov s14;
	s14 =	sadd.s32 $0x9, s13;
	[tilespmem:v24+s18+$0x0] =	vst.idx.msk $0xffff, v8;
	v8 =	vmul.f32 $8.000000000e+00, v36;
	v24 =	vor.u32 v2, v17;
	v36 =	vld [tilespmem:s0+$0x120]  }
0x244: {  	v40 =	vmov s14;
	s14 =	sadd.s32 $0xA, s13;
	[tilespmem:v30+s18+$0x0] =	vst.idx.msk $0xffff, v9;
	v9 =	vmul.f32 $8.000000000e+00, v37;
	v30 =	vor.u32 v2, v19;
	v37 =	vld [tilespmem:s0+$0x1A0]  }
0x245: {  	v42 =	vor.u32 v2, v20;
	v41 =	vmov s14;
	s14 =	sadd.s32 $0xB, s13;
	[tilespmem:v21+s18+$0x0] =	vst.idx.msk $0xffff, v8;
	v8 =	vmul.f32 $8.000000000e+00, v22;
	v43 =	vld [tilespmem:s0+$0x220]  }
0x246: {  	v44 =	vmov s14;
	s14 =	sadd.s32 $0xC, s13;
	[tilespmem:v29+s18+$0x0] =	vst.idx.msk $0xffff, v9;
	v9 =	vmul.f32 $8.000000000e+00, v33;
	v29 =	vor.u32 v2, v16;
	v45 =	vld [tilespmem:s0+$0x2A0]  }
0x247: {  	v22 =	vmov s14;
	s14 =	sadd.s32 $0xD, s13;
	[tilespmem:v32+s18+$0x0] =	vst.idx.msk $0xffff, v8;
	v8 =	vmul.f32 $8.000000000e+00, v35;
	v32 =	vor.u32 v2, v6;
	v35 =	vld [tilespmem:s0+$0x320]  }
0x248: {  	v21 =	vmov s14;
	s14 =	sadd.s32 $0xE, s13;
	v46 =	vld [tilespmem:s0+$0xFFFFFC20];
	[tilespmem:v24+s18+$0x0] =	vst.idx.msk $0xffff, v9;
	v24 =	vmul.f32 $8.000000000e+00, v36;
	v36 =	vor.u32 v2, v5  }
0x249: {  	v9 =	vmov s14;
	v47 =	vld [tilespmem:s0+$0xFFFFFCB0];
	[tilespmem:v30+s18+$0x0] =	vst.idx.msk $0xffff, v8;
	v30 =	vmul.f32 $8.000000000e+00, v37;
	v37 =	vor.u32 v2, v7  }
0x24a: {  	v8 =	vbroadcast v25, $0x0;
	v25 =	vor.u32 v2, v4;
	v48 =	vld [tilespmem:s0+$0xFFFFFD30];
	[tilespmem:v42+s18+$0x0] =	vst.idx.msk $0xffff, v24;
	v24 =	vmul.f32 $8.000000000e+00, v43  }
0x24b: {  	v10 =	vor.u32 v3, v10;
	v33 =	vand.u32 $0x71, v28;
	v42 =	vld [tilespmem:s0+$0xFFFFFDB0];
	[tilespmem:v29+s18+$0x0] =	vst.idx.msk $0xffff, v30;
	v28 =	vmul.f32 $8.000000000e+00, v45  }
0x24c: {  	v15 =	vor.u32 v3, v15;
	v30 =	vand.u32 $0x72, v31;
	v43 =	vld [tilespmem:s0+$0xFFFFFE30];
	[tilespmem:v32+s18+$0x0] =	vst.idx.msk $0xffff, v24;
	v24 =	vmul.f32 $8.000000000e+00, v35  }
0x24d: {  	v11 =	vor.u32 v3, v11;
	v31 =	vand.u32 $0x73, v23;
	v23 =	vmul.f32 $8.000000000e+00, v46;
	v45 =	vld [tilespmem:s0+$0xFFFFFEB0];
	[tilespmem:v36+s18+$0x0] =	vst.idx.msk $0xffff, v28  }
0x24e: {  	v12 =	vor.u32 v3, v12;
	v32 =	vand.u32 $0x74, v26;
	v26 =	vmul.f32 $8.000000000e+00, v47;
	v36 =	vld [tilespmem:s0+$0xFFFFFF30];
	[tilespmem:v37+s18+$0x0] =	vst.idx.msk $0xffff, v24  }
0x24f: {  	v13 =	vor.u32 v3, v13;
	v28 =	vand.u32 $0x75, v38;
	[tilespmem:v25+s18+$0x0] =	vst.idx.msk $0xffff, v23;
	v24 =	vmul.f32 $8.000000000e+00, v48;
	v37 =	vld [tilespmem:s0+$0xFFFFFFB0]  }
0x250: {  	v29 =	vand.u32 $0x76, v27;
	v38 =	vor.u32 v3, v14;
	[tilespmem:v10+s18+$0x0] =	vst.idx.msk $0xffff, v26;
	v10 =	vmul.f32 $8.000000000e+00, v42;
	v42 =	vld [tilespmem:s0+$0x30]  }
.Ltmp5:
0x251: {  	v23 =	vand.u32 $0x77, v34;
	v34 =	vor.u32 v3, v18;
	[tilespmem:v15+s18+$0x0] =	vst.idx.msk $0xffff, v24;
	v14 =	vmul.f32 $8.000000000e+00, v43;
	v35 =	vld [tilespmem:s0+$0xB0];
	(pc) =	sbr.rel @p1 .LBB2_11-.Ltmp5, $4  }
0x252: {  	v17 =	vor.u32 v3, v17;
	v26 =	vand.u32 $0x78, v39;
	[tilespmem:v11+s18+$0x0] =	vst.idx.msk $0xffff, v10;
	v10 =	vmul.f32 $8.000000000e+00, v45;
	v18 =	vld [tilespmem:s0+$0x130]  }
0x253: {  	v24 =	vand.u32 $0x79, v40;
	[tilespmem:v12+s18+$0x0] =	vst.idx.msk $0xffff, v14;
	v15 =	vmul.f32 $8.000000000e+00, v36;
	v12 =	vor.u32 v3, v19;
	v14 =	vld [tilespmem:s0+$0x1B0]  }
0x254: {  	v25 =	vand.u32 $0x7A, v41;
	[tilespmem:v13+s18+$0x0] =	vst.idx.msk $0xffff, v10;
	v19 =	vmul.f32 $8.000000000e+00, v37;
	v10 =	vor.u32 v3, v20;
	v11 =	vld [tilespmem:s0+$0x230]  }
0x255: {  	s14 =	sadd.s32 $0xF, s13;
	s13 =	sadd.s32 $0x10, s13;
	v27 =	vand.u32 $0x7B, v44;
	v13 =	vor.u32 v3, v16;
	[tilespmem:v38+s18+$0x0] =	vst.idx.msk $0xffff, v15;
	v20 =	vmul.f32 $8.000000000e+00, v42;
	v15 =	vld [tilespmem:s0+$0x2B0]  }
0x256: {  	_ =	sdelay $0x3  }
0x257: {  	v16 =	vmov s14;
	[tilespmem:v34+s18+$0x0] =	vst.idx.msk $0xffff, v19;
	v19 =	vmul.f32 $8.000000000e+00, v35;
	v6 =	vor.u32 v3, v6;
	v53 =	vld [tilespmem:s0+$0x330]  }
0x258: {  	v54 =	vld [tilespmem:s0+$0xFFFFFC30];
	s14 =	sadd.s32 $0x800, s0;
	v16 =	vand.u32 $0x7F, v16;
	[tilespmem:v17+s18+$0x0] =	vst.idx.msk $0xffff, v20;
	v17 =	vmul.f32 $8.000000000e+00, v18;
	v18 =	vor.u32 v3, v5  }
0x259: {  	v20 =	vld [tilespmem:s14+$0x380];
	v36 =	vbroadcast v16, $0x0;
	[tilespmem:v12+s18+$0x0] =	vst.idx.msk $0xffff, v19;
	v5 =	vmul.f32 $8.000000000e+00, v14;
	v12 =	vor.u32 v3, v7  }
0x25a: {  	v14 =	vld [tilespmem:s14+$0xFFFFFC00];
	v19 =	vand.u32 $0x7C, v22;
	v16 =	vor.u32 v3, v4;
	[tilespmem:v10+s18+$0x0] =	vst.idx.msk $0xffff, v17;
	v7 =	vmul.f32 $8.000000000e+00, v11  }
0x25b: {  	v4 =	vbroadcast v33, $0x0;
	v11 =	vld [tilespmem:s14+$0xFFFFFC80];
	v17 =	vor.u32 v0, v36;
	[tilespmem:v13+s18+$0x0] =	vst.idx.msk $0xffff, v5;
	v10 =	vmul.f32 $8.000000000e+00, v15  }
0x25c: {  	v13 =	vor.u32 v0, v8;
	v15 =	vld [tilespmem:s14+$0xFFFFFD00];
	v5 =	vbroadcast v30, $0x0;
	[tilespmem:v6+s18+$0x0] =	vst.idx.msk $0xffff, v7;
	v22 =	vmul.f32 $8.000000000e+00, v53  }
0x25d: {  	v55 =	vld [tilespmem:s14+$0xFFFFFD80];
	v30 =	vor.u32 v0, v4;
	v6 =	vbroadcast v31, $0x0;
	v31 =	vmul.f32 $8.000000000e+00, v54;
	[tilespmem:v18+s18+$0x0] =	vst.idx.msk $0xffff, v10  }
0x25e: {  	v56 =	vld [tilespmem:s14+$0xFFFFFE00];
	v7 =	vbroadcast v32, $0x0;
	v18 =	vor.u32 v0, v5;
	v20 =	vmul.f32 $8.000000000e+00, v20;
	[tilespmem:v12+s18+$0x0] =	vst.idx.msk $0xffff, v22  }
0x25f: {  	v10 =	vbroadcast v28, $0x0;
	v12 =	vmul.f32 $8.000000000e+00, v14;
	v14 =	vor.u32 v0, v6;
	v22 =	vld [tilespmem:s14+$0xFFFFFE80];
	[tilespmem:v16+s18+$0x0] =	vst.idx.msk $0xffff, v31  }
0x260: {  	v28 =	vor.u32 v0, v7;
	v31 =	vld [tilespmem:s14+$0xFFFFFF00];
	v16 =	vmul.f32 $8.000000000e+00, v11;
	v11 =	vbroadcast v29, $0x0;
	[tilespmem:v17+s18+$0x0] =	vst.idx.msk $0xffff, v20  }
0x261: {  	[tilespmem:v13+s18+$0x0] =	vst.idx.msk $0xffff, v12;
	v13 =	vmul.f32 $8.000000000e+00, v15;
	v17 =	vor.u32 v0, v10;
	v20 =	vand.u32 $0x7D, v21;
	v21 =	vld [tilespmem:s14+$0x390]  }
0x262: {  	v15 =	vmul.f32 $8.000000000e+00, v55;
	v12 =	vbroadcast v23, $0x0;
	[tilespmem:v30+s18+$0x0] =	vst.idx.msk $0xffff, v16;
	v29 =	vor.u32 v0, v11;
	v30 =	vld [tilespmem:s14+$0xFFFFFF80]  }
0x263: {  	v23 =	vld [tilespmem:s14+$0x0];
	v16 =	vmul.f32 $8.000000000e+00, v56;
	[tilespmem:v18+s18+$0x0] =	vst.idx.msk $0xffff, v13;
	v13 =	vbroadcast v26, $0x0;
	v26 =	vor.u32 v1, v36  }
0x264: {  	v57 =	vld [tilespmem:s14+$0x80];
	[tilespmem:v14+s18+$0x0] =	vst.idx.msk $0xffff, v15;
	v18 =	vmul.f32 $8.000000000e+00, v22;
	v22 =	vor.u32 v0, v12;
	v14 =	vbroadcast v24, $0x0  }
0x265: {  	[tilespmem:v28+s18+$0x0] =	vst.idx.msk $0xffff, v16;
	v24 =	vmul.f32 $8.000000000e+00, v31;
	v31 =	vld [tilespmem:s14+$0x100];
	v15 =	vbroadcast v25, $0x0;
	v28 =	vor.u32 v0, v13  }
0x266: {  	v58 =	vld [tilespmem:s14+$0x180];
	v16 =	vbroadcast v27, $0x0;
	[tilespmem:v17+s18+$0x0] =	vst.idx.msk $0xffff, v18;
	v25 =	vor.u32 v0, v14;
	v21 =	vmul.f32 $8.000000000e+00, v21  }
0x267: {  	v27 =	vor.u32 v0, v15;
	v18 =	vbroadcast v19, $0x0;
	[tilespmem:v29+s18+$0x0] =	vst.idx.msk $0xffff, v24;
	v24 =	vmul.f32 $8.000000000e+00, v30;
	v29 =	vld [tilespmem:s14+$0x200]  }
0x268: {  	v19 =	vmul.f32 $8.000000000e+00, v23;
	v23 =	vor.u32 v0, v16;
	v17 =	vbroadcast v20, $0x0;
	v30 =	vld [tilespmem:s14+$0x280];
	[tilespmem:v26+s18+$0x0] =	vst.idx.msk $0xffff, v21  }
0x269: {  	v9 =	vand.u32 $0x7E, v9;
	v20 =	vmul.f32 $8.000000000e+00, v57;
	[tilespmem:v22+s18+$0x0] =	vst.idx.msk $0xffff, v24;
	v21 =	vor.u32 v0, v18;
	v22 =	vld [tilespmem:s14+$0x3A0]  }
0x26a: {  	v9 =	vbroadcast v9, $0x0;
	v24 =	vor.u32 v0, v17;
	v26 =	vld [tilespmem:s14+$0x300];
	[tilespmem:v28+s18+$0x0] =	vst.idx.msk $0xffff, v19;
	v19 =	vmul.f32 $8.000000000e+00, v31  }
0x26b: {  	v28 =	vld [tilespmem:s14+$0xFFFFFC90];
	[tilespmem:v25+s18+$0x0] =	vst.idx.msk $0xffff, v20;
	v20 =	vmul.f32 $8.000000000e+00, v58;
	v25 =	vor.u32 v2, v36  }
0x26c: {  	v31 =	vld [tilespmem:s14+$0xFFFFFD10];
	[tilespmem:v27+s18+$0x0] =	vst.idx.msk $0xffff, v19;
	v19 =	vmul.f32 $8.000000000e+00, v29;
	v27 =	vor.u32 v0, v9  }
0x26d: {  	v59 =	vld [tilespmem:s14+$0xFFFFFD90];
	v29 =	vor.u32 v1, v4;
	[tilespmem:v23+s18+$0x0] =	vst.idx.msk $0xffff, v20;
	v20 =	vmul.f32 $8.000000000e+00, v30  }
0x26e: {  	v23 =	vor.u32 v1, v5;
	v30 =	vld [tilespmem:s14+$0xFFFFFE10];
	[tilespmem:v21+s18+$0x0] =	vst.idx.msk $0xffff, v19;
	v19 =	vmul.f32 $8.000000000e+00, v22  }
0x26f: {  	v21 =	vor.u32 v1, v6;
	v22 =	vld [tilespmem:s14+$0xFFFFFE90];
	[tilespmem:v24+s18+$0x0] =	vst.idx.msk $0xffff, v20;
	v20 =	vmul.f32 $8.000000000e+00, v26  }
0x270: {  	v24 =	vmul.f32 $8.000000000e+00, v28;
	v26 =	vor.u32 v1, v7;
	v28 =	vld [tilespmem:s14+$0xFFFFFF10];
	[tilespmem:v25+s18+$0x0] =	vst.idx.msk $0xffff, v19  }
0x271: {  	v19 =	vmul.f32 $8.000000000e+00, v31;
	v25 =	vor.u32 v1, v10;
	[tilespmem:v27+s18+$0x0] =	vst.idx.msk $0xffff, v20;
	v20 =	vld [tilespmem:s14+$0x3B0]  }
0x272: {  	[tilespmem:v29+s18+$0x0] =	vst.idx.msk $0xffff, v24;
	v24 =	vmul.f32 $8.000000000e+00, v59;
	v27 =	vor.u32 v1, v11;
	v29 =	vld [tilespmem:s14+$0xFFFFFF90]  }
0x273: {  	[tilespmem:v23+s18+$0x0] =	vst.idx.msk $0xffff, v19;
	v19 =	vmul.f32 $8.000000000e+00, v30;
	v23 =	vld [tilespmem:s14+$0x10];
	v30 =	vor.u32 v3, v36  }
0x274: {  	[tilespmem:v21+s18+$0x0] =	vst.idx.msk $0xffff, v24;
	v24 =	vld [tilespmem:s14+$0x90];
	v21 =	vmul.f32 $8.000000000e+00, v22;
	v22 =	vor.u32 v1, v12  }
0x275: {  	[tilespmem:v26+s18+$0x0] =	vst.idx.msk $0xffff, v19;
	v19 =	vmul.f32 $8.000000000e+00, v28;
	v26 =	vor.u32 v1, v13;
	v28 =	vld [tilespmem:s14+$0x110]  }
0x276: {  	[tilespmem:v25+s18+$0x0] =	vst.idx.msk $0xffff, v21;
	v21 =	vor.u32 v1, v14;
	v25 =	vld [tilespmem:s14+$0x190];
	v20 =	vmul.f32 $8.000000000e+00, v20  }
0x277: {  	[tilespmem:v27+s18+$0x0] =	vst.idx.msk $0xffff, v19;
	v19 =	vmul.f32 $8.000000000e+00, v29;
	v27 =	vor.u32 v1, v15;
	v29 =	vld [tilespmem:s14+$0x210]  }
0x278: {  	v60 =	vld [tilespmem:s14+$0x290];
	v31 =	vor.u32 v1, v16;
	v23 =	vmul.f32 $8.000000000e+00, v23;
	[tilespmem:v30+s18+$0x0] =	vst.idx.msk $0xffff, v20  }
0x279: {  	[tilespmem:v22+s18+$0x0] =	vst.idx.msk $0xffff, v19;
	v19 =	vmul.f32 $8.000000000e+00, v24;
	v20 =	vor.u32 v1, v18;
	v22 =	vld [tilespmem:s14+$0x310]  }
0x27a: {  	v24 =	vld [tilespmem:s14+$0xFFFFFC10];
	[tilespmem:v26+s18+$0x0] =	vst.idx.msk $0xffff, v23;
	v23 =	vmul.f32 $8.000000000e+00, v28;
	v26 =	vor.u32 v1, v17  }
0x27b: {  	v28 =	vld [tilespmem:s14+$0xFFFFFCA0];
	[tilespmem:v21+s18+$0x0] =	vst.idx.msk $0xffff, v19;
	v19 =	vmul.f32 $8.000000000e+00, v25;
	v21 =	vor.u32 v1, v9  }
0x27c: {  	v30 =	vld [tilespmem:s14+$0xFFFFFD20];
	v25 =	vor.u32 v1, v8;
	[tilespmem:v27+s18+$0x0] =	vst.idx.msk $0xffff, v23;
	v23 =	vmul.f32 $8.000000000e+00, v29  }
0x27d: {  	v27 =	vor.u32 v2, v4;
	v29 =	vld [tilespmem:s14+$0xFFFFFDA0];
	[tilespmem:v31+s18+$0x0] =	vst.idx.msk $0xffff, v19;
	v19 =	vmul.f32 $8.000000000e+00, v60  }
0x27e: {  	v61 =	vld [tilespmem:s14+$0xFFFFFE20];
	v31 =	vor.u32 v2, v5;
	[tilespmem:v20+s18+$0x0] =	vst.idx.msk $0xffff, v23;
	v20 =	vmul.f32 $8.000000000e+00, v22  }
0x27f: {  	v22 =	vmul.f32 $8.000000000e+00, v24;
	v23 =	vor.u32 v2, v6;
	v24 =	vld [tilespmem:s14+$0xFFFFFEA0];
	[tilespmem:v26+s18+$0x0] =	vst.idx.msk $0xffff, v19  }
0x280: {  	v19 =	vmul.f32 $8.000000000e+00, v28;
	v26 =	vor.u32 v2, v7;
	v28 =	vld [tilespmem:s14+$0xFFFFFF20];
	[tilespmem:v21+s18+$0x0] =	vst.idx.msk $0xffff, v20  }
0x281: {  	[tilespmem:v25+s18+$0x0] =	vst.idx.msk $0xffff, v22;
	v20 =	vmul.f32 $8.000000000e+00, v30;
	v21 =	vor.u32 v2, v10;
	v22 =	vld [tilespmem:s14+$0xFFFFFFA0]  }
0x282: {  	v25 =	vor.u32 v2, v11;
	[tilespmem:v27+s18+$0x0] =	vst.idx.msk $0xffff, v19;
	v19 =	vmul.f32 $8.000000000e+00, v29;
	v27 =	vld [tilespmem:s14+$0x20]  }
0x283: {  	v30 =	vld [tilespmem:s14+$0xA0];
	v29 =	vor.u32 v2, v12;
	[tilespmem:v31+s18+$0x0] =	vst.idx.msk $0xffff, v20;
	v20 =	vmul.f32 $8.000000000e+00, v61  }
0x284: {  	[tilespmem:v23+s18+$0x0] =	vst.idx.msk $0xffff, v19;
	v19 =	vmul.f32 $8.000000000e+00, v24;
	v23 =	vor.u32 v2, v13;
	v24 =	vld [tilespmem:s14+$0x120]  }
0x285: {  	[tilespmem:v26+s18+$0x0] =	vst.idx.msk $0xffff, v20;
	v20 =	vmul.f32 $8.000000000e+00, v28;
	v26 =	vor.u32 v2, v14;
	v28 =	vld [tilespmem:s14+$0x1A0]  }
0x286: {  	[tilespmem:v21+s18+$0x0] =	vst.idx.msk $0xffff, v19;
	v19 =	vmul.f32 $8.000000000e+00, v22;
	v21 =	vor.u32 v2, v15;
	v22 =	vld [tilespmem:s14+$0x220]  }
0x287: {  	[tilespmem:v25+s18+$0x0] =	vst.idx.msk $0xffff, v20;
	v20 =	vmul.f32 $8.000000000e+00, v27;
	v25 =	vor.u32 v2, v16;
	v27 =	vld [tilespmem:s14+$0x2A0]  }
0x288: {  	[tilespmem:v29+s18+$0x0] =	vst.idx.msk $0xffff, v19;
	v19 =	vmul.f32 $8.000000000e+00, v30;
	v29 =	vor.u32 v2, v18;
	v30 =	vld [tilespmem:s14+$0x320]  }
0x289: {  	v31 =	vld [tilespmem:s14+$0xFFFFFC20];
	[tilespmem:v23+s18+$0x0] =	vst.idx.msk $0xffff, v20;
	v20 =	vmul.f32 $8.000000000e+00, v24;
	v23 =	vor.u32 v2, v17  }
0x28a: {  	v24 =	vld [tilespmem:s14+$0xFFFFFCB0];
	[tilespmem:v26+s18+$0x0] =	vst.idx.msk $0xffff, v19;
	v19 =	vmul.f32 $8.000000000e+00, v28;
	v26 =	vor.u32 v2, v9  }
0x28b: {  	v62 =	vld [tilespmem:s14+$0xFFFFFD30];
	v28 =	vor.u32 v2, v8;
	[tilespmem:v21+s18+$0x0] =	vst.idx.msk $0xffff, v20;
	v20 =	vmul.f32 $8.000000000e+00, v22  }
0x28c: {  	v4 =	vor.u32 v3, v4;
	v21 =	vld [tilespmem:s14+$0xFFFFFDB0];
	[tilespmem:v25+s18+$0x0] =	vst.idx.msk $0xffff, v19;
	v19 =	vmul.f32 $8.000000000e+00, v27  }
0x28d: {  	v5 =	vor.u32 v3, v5;
	v22 =	vld [tilespmem:s14+$0xFFFFFE30];
	[tilespmem:v29+s18+$0x0] =	vst.idx.msk $0xffff, v20;
	v20 =	vmul.f32 $8.000000000e+00, v30  }
0x28e: {  	v6 =	vor.u32 v3, v6;
	v25 =	vmul.f32 $8.000000000e+00, v31;
	v27 =	vld [tilespmem:s14+$0xFFFFFEB0];
	[tilespmem:v23+s18+$0x0] =	vst.idx.msk $0xffff, v19  }
0x28f: {  	v7 =	vor.u32 v3, v7;
	v19 =	vmul.f32 $8.000000000e+00, v24;
	v23 =	vld [tilespmem:s14+$0xFFFFFF30];
	[tilespmem:v26+s18+$0x0] =	vst.idx.msk $0xffff, v20  }
0x290: {  	v10 =	vor.u32 v3, v10;
	v24 =	vld [tilespmem:s14+$0xFFFFFFB0];
	[tilespmem:v28+s18+$0x0] =	vst.idx.msk $0xffff, v25;
	v20 =	vmul.f32 $8.000000000e+00, v62  }
0x291: {  	v11 =	vor.u32 v3, v11;
	[tilespmem:v4+s18+$0x0] =	vst.idx.msk $0xffff, v19;
	v4 =	vmul.f32 $8.000000000e+00, v21;
	v19 =	vld [tilespmem:s14+$0x30]  }
0x292: {  	v12 =	vor.u32 v3, v12;
	[tilespmem:v5+s18+$0x0] =	vst.idx.msk $0xffff, v20;
	v5 =	vmul.f32 $8.000000000e+00, v22;
	v20 =	vld [tilespmem:s14+$0xB0]  }
0x293: {  	[tilespmem:v6+s18+$0x0] =	vst.idx.msk $0xffff, v4;
	v4 =	vmul.f32 $8.000000000e+00, v27;
	v6 =	vor.u32 v3, v13;
	v13 =	vld [tilespmem:s14+$0x130]  }
0x294: {  	[tilespmem:v7+s18+$0x0] =	vst.idx.msk $0xffff, v5;
	v5 =	vmul.f32 $8.000000000e+00, v23;
	v7 =	vor.u32 v3, v14;
	v14 =	vld [tilespmem:s14+$0x1B0]  }
0x295: {  	[tilespmem:v10+s18+$0x0] =	vst.idx.msk $0xffff, v4;
	v4 =	vmul.f32 $8.000000000e+00, v24;
	v10 =	vor.u32 v3, v15;
	v15 =	vld [tilespmem:s14+$0x230]  }
0x296: {  	[tilespmem:v11+s18+$0x0] =	vst.idx.msk $0xffff, v5;
	v5 =	vmul.f32 $8.000000000e+00, v19;
	v11 =	vor.u32 v3, v16;
	v16 =	vld [tilespmem:s14+$0x2B0]  }
0x297: {  	v19 =	vld [tilespmem:s14+$0xFFFFFC30];
	[tilespmem:v12+s18+$0x0] =	vst.idx.msk $0xffff, v4;
	v4 =	vmul.f32 $8.000000000e+00, v20;
	v12 =	vor.u32 v3, v18  }
0x298: {  	v18 =	vld [tilespmem:s14+$0x330];
	[tilespmem:v6+s18+$0x0] =	vst.idx.msk $0xffff, v5;
	v5 =	vmul.f32 $8.000000000e+00, v13;
	v6 =	vor.u32 v3, v17  }
0x299: {  	v8 =	vor.u32 v3, v8;
	[tilespmem:v7+s18+$0x0] =	vst.idx.msk $0xffff, v4;
	v4 =	vmul.f32 $8.000000000e+00, v14  }
0x29a: {  	v7 =	vor.u32 v3, v9;
	[tilespmem:v10+s18+$0x0] =	vst.idx.msk $0xffff, v5;
	v5 =	vmul.f32 $8.000000000e+00, v15  }
0x29b: {  	[tilespmem:v11+s18+$0x0] =	vst.idx.msk $0xffff, v4;
	v4 =	vmul.f32 $8.000000000e+00, v16  }
0x29c: {  	v9 =	vmul.f32 $8.000000000e+00, v19;
	[tilespmem:v12+s18+$0x0] =	vst.idx.msk $0xffff, v5  }
0x29d: {  	s14 =	simm.s32 $0x2;
	v5 =	vmul.f32 $8.000000000e+00, v18;
	[tilespmem:v6+s18+$0x0] =	vst.idx.msk $0xffff, v4  }
0x29e: {  	s31 =	sadd.s32 s31, s8;
	[tilespmem:v8+s18+$0x0] =	vst.idx.msk $0xffff, v9;
	v6 =	vmov s14;
	s14 =	simm.s32 $0x5  }
0x29f: {  	s0 =	sadd.s32 @!p0 $0x300, s1;
	s1 =	simm.s32 @!p0 $0x80;
	[tilespmem:v7+s18+$0x0] =	vst.idx.msk $0xffff, v5;
	v9 =	vmov s14;
	s14 =	simm.s32 $0x8  }
0x2a0: {  	[hbm4b:s31+s19] =	stream.strided.scatter [tilespmem:s18], [sflag:$0x5], $0x2000, s20, s19, $0x38;
	[tilespmem:$0x1A400] =	vst v63  }
0x2a1: {  	s13 =	simm.s32 @!p0 $0xE400;
	s31 =	simm.s32 $0x3;
	v12 =	vmov s14;
	s14 =	simm.s32 $0xB  }
0x2a2: {  	v6 =	vand.u32 $0x72, v6;
	v9 =	vand.u32 $0x75, v9;
	[tilespmem:s13], [sflag:$0x3] =	stream.indirect.gather @!p0 [hbm4b:s4+s1], $0x80, s0, s1, $0xb8;
	[tilespmem:$0x1A400] =	vst v63  }
0x2a3: {  	v17 =	vbroadcast v6, $0x0;
	v7 =	vmov s31;
	s31 =	simm.s32 $0x6;
	v15 =	vmov s14;
	s14 =	simm.s32 $0xD;
	_ =	swait.ge [sflag:s26], $0x4000  }
0x2a4: {  	v24 =	vand.u32 $0x78, v12;
	s1 =	simm.s32 $0x0;
	v10 =	vmov s31;
	v19 =	vmov s14;
	[sflag:s26] =	ssyncset.done $0x0  }
0x2a5: {  	s13 =	simm.s32 $0x1;
	s31 =	simm.s32 $0x9;
	v7 =	vand.u32 $0x73, v7;
	v27 =	vand.u32 $0x7B, v15;
	v4 =	vmov s1;
	[sflag:s26] =	ssyncadd.s32 $0xFFFFC000  }
0x2a6: {  	v5 =	vmov s13;
	s13 =	simm.s32 $0x4;
	v13 =	vmov s31;
	s1 =	simm.s32 $0xF;
	v10 =	vand.u32 $0x76, v10;
	_ =	swait.ge [sflag:s22], $0x2000  }
0x2a7: {  	s31 =	simm.s32 $0xC;
	v4 =	vand.u32 $0x70, v4;
	v8 =	vmov s13;
	v16 =	vmov s1;
	[sflag:s22] =	ssyncset.done $0x0  }
0x2a8: {  	s0 =	simm.s32 $0x12800;
	s13 =	simm.s32 $0x7;
	v18 =	vmov s31;
	v5 =	vand.u32 $0x71, v5;
	v16 =	vand.u32 $0x7F, v16;
	[sflag:s22] =	ssyncadd.s32 $0xFFFFE000  }
0x2a9: {  	v13 =	vand.u32 $0x79, v13;
	v11 =	vmov s13;
	v22 =	vbroadcast v16, $0x0;
	v20 =	vld [tilespmem:s0+$0x380]  }
0x2aa: {  	v10 =	vbroadcast v10, $0x0;
	v4 =	vbroadcast v4, $0x0;
	v23 =	vand.u32 $0x77, v11;
	v11 =	vld [tilespmem:s0+$0xFFFFFC00]  }
0x2ab: {  	s13 =	simm.s32 $0xA;
	v8 =	vand.u32 $0x74, v8;
	v16 =	vbroadcast v5, $0x0;
	v5 =	vor.u32 v0, v22;
	v26 =	vld [tilespmem:s0+$0xFFFFFC80]  }
0x2ac: {  	v6 =	vand.u32 $0x7C, v18;
	v14 =	vmov s13;
	v15 =	vor.u32 v0, v4;
	v28 =	vld [tilespmem:s0+$0xFFFFFD00]  }
0x2ad: {  	v25 =	vand.u32 $0x7A, v14;
	v14 =	vbroadcast v7, $0x0;
	v18 =	vor.u32 v0, v16;
	v29 =	vld [tilespmem:s0+$0xFFFFFD80]  }
0x2ae: {  	v12 =	vbroadcast v8, $0x0;
	v7 =	vor.u32 v0, v17;
	v30 =	vld [tilespmem:s0+$0xFFFFFE00];
	v8 =	vmul.f32 $8.000000000e+00, v20  }
0x2af: {  	s31 =	simm.s32 $0xE;
	v31 =	vor.u32 v0, v14;
	v63 =	vld [tilespmem:s0+$0xFFFFFE80];
	v20 =	vmul.f32 $8.000000000e+00, v11;
	v11 =	vbroadcast v9, $0x0  }
0x2b0: {  	v21 =	vmov s31;
	v36 =	vld [tilespmem:s0+$0xFFFFFF00];
	v9 =	vmul.f32 $8.000000000e+00, v26;
	v26 =	vor.u32 v0, v12;
	[tilespmem:v5+s23+$0x0] =	vst.idx.msk $0xffff, v8  }
0x2b1: {  	[tilespmem:v15+s23+$0x0] =	vst.idx.msk $0xffff, v20;
	v5 =	vmul.f32 $8.000000000e+00, v28;
	v8 =	vor.u32 v0, v11;
	v28 =	vand.u32 $0x7D, v19;
	v37 =	vld [tilespmem:s0+$0x390]  }
0x2b2: {  	v38 =	vld [tilespmem:s0+$0xFFFFFF80];
	[tilespmem:v18+s23+$0x0] =	vst.idx.msk $0xffff, v9;
	v9 =	vmul.f32 $8.000000000e+00, v29;
	v29 =	vor.u32 v0, v10;
	v18 =	vbroadcast v23, $0x0  }
0x2b3: {  	v15 =	vbroadcast v24, $0x0;
	v23 =	vor.u32 v1, v22;
	[tilespmem:v7+s23+$0x0] =	vst.idx.msk $0xffff, v5;
	v5 =	vmul.f32 $8.000000000e+00, v30;
	v7 =	vld [tilespmem:s0+$0x0]  }
0x2b4: {  	v19 =	vbroadcast v13, $0x0;
	[tilespmem:v31+s23+$0x0] =	vst.idx.msk $0xffff, v9;
	v9 =	vmul.f32 $8.000000000e+00, v63;
	v24 =	vor.u32 v0, v18;
	v30 =	vld [tilespmem:s0+$0x80]  }
0x2b5: {  	v20 =	vbroadcast v25, $0x0;
	v31 =	vld [tilespmem:s0+$0x100];
	[tilespmem:v26+s23+$0x0] =	vst.idx.msk $0xffff, v5;
	v5 =	vmul.f32 $8.000000000e+00, v36;
	v26 =	vor.u32 v0, v15  }
0x2b6: {  	v13 =	vbroadcast v27, $0x0;
	[tilespmem:v8+s23+$0x0] =	vst.idx.msk $0xffff, v9;
	v8 =	vor.u32 v0, v19;
	v9 =	vld [tilespmem:s0+$0x180];
	v25 =	vmul.f32 $8.000000000e+00, v37  }
0x2b7: {  	v6 =	vbroadcast v6, $0x0;
	v39 =	vld [tilespmem:s0+$0x200];
	v27 =	vmul.f32 $8.000000000e+00, v38;
	[tilespmem:v29+s23+$0x0] =	vst.idx.msk $0xffff, v5;
	v29 =	vor.u32 v0, v20  }
0x2b8: {  	v41 =	vld [tilespmem:s0+$0x280];
	v40 =	vor.u32 v0, v13;
	v5 =	vbroadcast v28, $0x0;
	v7 =	vmul.f32 $8.000000000e+00, v7;
	[tilespmem:v23+s23+$0x0] =	vst.idx.msk $0xffff, v25  }
0x2b9: {  	v21 =	vand.u32 $0x7E, v21;
	[tilespmem:v24+s23+$0x0] =	vst.idx.msk $0xffff, v27;
	v24 =	vor.u32 v0, v6;
	v23 =	vmul.f32 $8.000000000e+00, v30;
	v25 =	vld [tilespmem:s0+$0x3A0]  }
0x2ba: {  	v28 =	vld [tilespmem:s0+$0x300];
	v27 =	vor.u32 v0, v5;
	[tilespmem:v26+s23+$0x0] =	vst.idx.msk $0xffff, v7;
	v26 =	vmul.f32 $8.000000000e+00, v31;
	v7 =	vbroadcast v21, $0x0  }
0x2bb: {  	v21 =	vld [tilespmem:s0+$0xFFFFFC90];
	[tilespmem:v8+s23+$0x0] =	vst.idx.msk $0xffff, v23;
	v8 =	vmul.f32 $8.000000000e+00, v9;
	v9 =	vor.u32 v2, v22  }
0x2bc: {  	v23 =	vld [tilespmem:s0+$0xFFFFFD10];
	[tilespmem:v29+s23+$0x0] =	vst.idx.msk $0xffff, v26;
	v26 =	vmul.f32 $8.000000000e+00, v39;
	v29 =	vor.u32 v0, v7  }
0x2bd: {  	v30 =	vor.u32 v1, v16;
	v31 =	vld [tilespmem:s0+$0xFFFFFD90];
	[tilespmem:v40+s23+$0x0] =	vst.idx.msk $0xffff, v8;
	v8 =	vmul.f32 $8.000000000e+00, v41  }
0x2be: {  	v42 =	vor.u32 v1, v17;
	v43 =	vld [tilespmem:s0+$0xFFFFFE10];
	[tilespmem:v24+s23+$0x0] =	vst.idx.msk $0xffff, v26;
	v24 =	vmul.f32 $8.000000000e+00, v25  }
0x2bf: {  	v26 =	vld [tilespmem:s0+$0xFFFFFE90];
	v25 =	vor.u32 v1, v14;
	[tilespmem:v27+s23+$0x0] =	vst.idx.msk $0xffff, v8;
	v8 =	vmul.f32 $8.000000000e+00, v28  }
0x2c0: {  	v21 =	vmul.f32 $8.000000000e+00, v21;
	v27 =	vor.u32 v1, v12;
	v28 =	vld [tilespmem:s0+$0xFFFFFF10];
	[tilespmem:v9+s23+$0x0] =	vst.idx.msk $0xffff, v24  }
0x2c1: {  	v9 =	vmul.f32 $8.000000000e+00, v23;
	v23 =	vor.u32 v1, v11;
	[tilespmem:v29+s23+$0x0] =	vst.idx.msk $0xffff, v8;
	v8 =	vld [tilespmem:s0+$0x3B0]  }
0x2c2: {  	[tilespmem:v30+s23+$0x0] =	vst.idx.msk $0xffff, v21;
	v21 =	vmul.f32 $8.000000000e+00, v31;
	v24 =	vor.u32 v1, v10;
	v29 =	vld [tilespmem:s0+$0xFFFFFF90]  }
0x2c3: {  	v22 =	vor.u32 v3, v22;
	v30 =	vld [tilespmem:s0+$0x10];
	[tilespmem:v42+s23+$0x0] =	vst.idx.msk $0xffff, v9;
	v9 =	vmul.f32 $8.000000000e+00, v43  }
0x2c4: {  	[tilespmem:v25+s23+$0x0] =	vst.idx.msk $0xffff, v21;
	v21 =	vmul.f32 $8.000000000e+00, v26;
	v25 =	vor.u32 v1, v18;
	v26 =	vld [tilespmem:s0+$0x90]  }
0x2c5: {  	[tilespmem:v27+s23+$0x0] =	vst.idx.msk $0xffff, v9;
	v9 =	vmul.f32 $8.000000000e+00, v28;
	v27 =	vor.u32 v1, v15;
	v28 =	vld [tilespmem:s0+$0x110]  }
0x2c6: {  	[tilespmem:v23+s23+$0x0] =	vst.idx.msk $0xffff, v21;
	v21 =	vor.u32 v1, v19;
	v23 =	vld [tilespmem:s0+$0x190];
	v8 =	vmul.f32 $8.000000000e+00, v8  }
0x2c7: {  	[tilespmem:v24+s23+$0x0] =	vst.idx.msk $0xffff, v9;
	v9 =	vmul.f32 $8.000000000e+00, v29;
	v24 =	vor.u32 v1, v20;
	v29 =	vld [tilespmem:s0+$0x210]  }
0x2c8: {  	v44 =	vld [tilespmem:s0+$0x290];
	v31 =	vor.u32 v1, v13;
	v30 =	vmul.f32 $8.000000000e+00, v30;
	[tilespmem:v22+s23+$0x0] =	vst.idx.msk $0xffff, v8  }
0x2c9: {  	[tilespmem:v25+s23+$0x0] =	vst.idx.msk $0xffff, v9;
	v8 =	vmul.f32 $8.000000000e+00, v26;
	v9 =	vor.u32 v1, v6;
	v22 =	vld [tilespmem:s0+$0x310]  }
0x2ca: {  	s13 =	simm.s32 $0x10;
	v25 =	vld [tilespmem:s0+$0xFFFFFC10];
	[tilespmem:v27+s23+$0x0] =	vst.idx.msk $0xffff, v30;
	v26 =	vmul.f32 $8.000000000e+00, v28;
	v27 =	vor.u32 v1, v5  }
0x2cb: {  	v28 =	vmov s13;
	v30 =	vld [tilespmem:s0+$0xFFFFFCA0];
	[tilespmem:v21+s23+$0x0] =	vst.idx.msk $0xffff, v8;
	v8 =	vmul.f32 $8.000000000e+00, v23;
	v21 =	vor.u32 v1, v7  }
0x2cc: {  	v45 =	vld [tilespmem:s0+$0xFFFFFD20];
	v23 =	vand.u32 $0x70, v28;
	v28 =	vor.u32 v1, v4;
	[tilespmem:v24+s23+$0x0] =	vst.idx.msk $0xffff, v26;
	v24 =	vmul.f32 $8.000000000e+00, v29  }
0x2cd: {  	v47 =	vor.u32 v2, v17;
	v46 =	vld [tilespmem:s0+$0xFFFFFDA0];
	v29 =	vor.u32 v2, v16;
	[tilespmem:v31+s23+$0x0] =	vst.idx.msk $0xffff, v8;
	v8 =	vmul.f32 $8.000000000e+00, v44  }
0x2ce: {  	v62 =	vor.u32 v3, v10;
	v17 =	vor.u32 v3, v17;
	v48 =	vld [tilespmem:s0+$0xFFFFFE20];
	[tilespmem:v9+s23+$0x0] =	vst.idx.msk $0xffff, v24;
	v9 =	vmul.f32 $8.000000000e+00, v22  }
0x2cf: {  	v55 =	vor.u32 v2, v6;
	v49 =	vld [tilespmem:s0+$0xFFFFFEA0];
	v22 =	vmul.f32 $8.000000000e+00, v25;
	v25 =	vor.u32 v2, v14;
	[tilespmem:v27+s23+$0x0] =	vst.idx.msk $0xffff, v8  }
0x2d0: {  	v50 =	vor.u32 v2, v18;
	v37 =	vld [tilespmem:s0+$0xFFFFFF20];
	v8 =	vmul.f32 $8.000000000e+00, v30;
	v30 =	vor.u32 v2, v12;
	[tilespmem:v21+s23+$0x0] =	vst.idx.msk $0xffff, v9  }
0x2d1: {  	v56 =	vor.u32 v2, v5;
	[tilespmem:v28+s23+$0x0] =	vst.idx.msk $0xffff, v22;
	v9 =	vmul.f32 $8.000000000e+00, v45;
	v21 =	vor.u32 v2, v11;
	v22 =	vld [tilespmem:s0+$0xFFFFFFA0]  }
0x2d2: {  	s14 =	simm.s32 $0x11;
	v57 =	vor.u32 v2, v7;
	v28 =	vor.u32 v2, v10;
	[tilespmem:v29+s23+$0x0] =	vst.idx.msk $0xffff, v8;
	v8 =	vmul.f32 $8.000000000e+00, v46;
	v29 =	vld [tilespmem:s0+$0x20]  }
0x2d3: {  	v42 =	vor.u32 v2, v20;
	v26 =	vmov s14;
	v51 =	vld [tilespmem:s0+$0xA0];
	[tilespmem:v47+s23+$0x0] =	vst.idx.msk $0xffff, v9;
	v9 =	vmul.f32 $8.000000000e+00, v48  }
0x2d4: {  	s31 =	simm.s32 $0x12;
	v16 =	vor.u32 v3, v16;
	v47 =	vld [tilespmem:s0+$0xFFFFFCB0];
	[tilespmem:v25+s23+$0x0] =	vst.idx.msk $0xffff, v8;
	v8 =	vmul.f32 $8.000000000e+00, v49;
	v25 =	vor.u32 v2, v15  }
0x2d5: {  	s13 =	simm.s32 $0x13;
	v31 =	vmov s31;
	v52 =	vld [tilespmem:s0+$0x120];
	[tilespmem:v30+s23+$0x0] =	vst.idx.msk $0xffff, v9;
	v9 =	vmul.f32 $8.000000000e+00, v37;
	v30 =	vor.u32 v2, v19  }
0x2d6: {  	s31 =	simm.s32 $0x15;
	v33 =	vand.u32 $0x71, v26;
	v24 =	vmov s13;
	v54 =	vld [tilespmem:s0+$0x1A0];
	[tilespmem:v21+s23+$0x0] =	vst.idx.msk $0xffff, v8;
	v8 =	vmul.f32 $8.000000000e+00, v22  }
0x2d7: {  	s14 =	simm.s32 $0x14;
	v38 =	vmov s31;
	v14 =	vor.u32 v3, v14;
	v26 =	vld [tilespmem:s0+$0xFFFFFDB0];
	[tilespmem:v28+s23+$0x0] =	vst.idx.msk $0xffff, v9;
	v9 =	vmul.f32 $8.000000000e+00, v29  }
0x2d8: {  	s13 =	simm.s32 $0x16;
	v27 =	vmov s14;
	v43 =	vld [tilespmem:s0+$0x220];
	v28 =	vor.u32 v2, v13;
	[tilespmem:v50+s23+$0x0] =	vst.idx.msk $0xffff, v8;
	v8 =	vmul.f32 $8.000000000e+00, v51  }
0x2d9: {  	s31 =	simm.s32 $0x18;
	v39 =	vmov s13;
	v32 =	vand.u32 $0x74, v27;
	v58 =	vld [tilespmem:s0+$0xFFFFFE30];
	v27 =	vmul.f32 $8.000000000e+00, v47;
	[tilespmem:v25+s23+$0x0] =	vst.idx.msk $0xffff, v9  }
0x2da: {  	s14 =	simm.s32 $0x17;
	v40 =	vmov s31;
	s13 =	simm.s32 $0x19;
	v12 =	vor.u32 v3, v12;
	v46 =	vld [tilespmem:s0+$0xFFFFFC20];
	v25 =	vmul.f32 $8.000000000e+00, v52;
	[tilespmem:v30+s23+$0x0] =	vst.idx.msk $0xffff, v8  }
0x2db: {  	v34 =	vmov s14;
	v53 =	vmov s13;
	v29 =	vld [tilespmem:s0+$0x2A0];
	v30 =	vmul.f32 $8.000000000e+00, v54;
	[tilespmem:v16+s23+$0x0] =	vst.idx.msk $0xffff, v27  }
0x2dc: {  	s31 =	simm.s32 $0x1B;
	v48 =	vld [tilespmem:s0+$0xFFFFFD30];
	v8 =	vbroadcast v23, $0x0;
	v23 =	vor.u32 v2, v4;
	v16 =	vmul.f32 $8.000000000e+00, v26;
	[tilespmem:v42+s23+$0x0] =	vst.idx.msk $0xffff, v25  }
0x2dd: {  	s14 =	simm.s32 $0x1A;
	v44 =	vmov s31;
	s13 =	simm.s32 $0x1C;
	v11 =	vor.u32 v3, v11;
	v59 =	vld [tilespmem:s0+$0xFFFFFEB0];
	v25 =	vmul.f32 $8.000000000e+00, v43;
	[tilespmem:v28+s23+$0x0] =	vst.idx.msk $0xffff, v30  }
0x2de: {  	v41 =	vmov s14;
	v45 =	vld [tilespmem:s0+$0x320];
	v22 =	vmov s13;
	v10 =	vmul.f32 $8.000000000e+00, v58;
	[tilespmem:v14+s23+$0x0] =	vst.idx.msk $0xffff, v16  }
0x2df: {  	s14 =	simm.s32 $0x1D;
	v60 =	vld [tilespmem:s0+$0xFFFFFF30];
	v30 =	vand.u32 $0x72, v31;
	v31 =	vand.u32 $0x73, v24;
	v24 =	vmul.f32 $8.000000000e+00, v46;
	[tilespmem:v55+s23+$0x0] =	vst.idx.msk $0xffff, v25  }
0x2e0: {  	s31 =	simm.s32 $0x1E;
	v21 =	vmov s14;
	v13 =	vor.u32 v3, v13;
	v61 =	vld [tilespmem:s0+$0xFFFFFFB0];
	v28 =	vmul.f32 $8.000000000e+00, v29;
	[tilespmem:v12+s23+$0x0] =	vst.idx.msk $0xffff, v10  }
0x2e1: {  	v9 =	vmov s31;
	v63 =	vld [tilespmem:s0+$0x30];
	v26 =	vand.u32 $0x78, v40;
	[tilespmem:v23+s23+$0x0] =	vst.idx.msk $0xffff, v24;
	v24 =	vmul.f32 $8.000000000e+00, v48  }
0x2e2: {  	v35 =	vld [tilespmem:s0+$0xB0];
	v16 =	vmul.f32 $8.000000000e+00, v59;
	[tilespmem:v56+s23+$0x0] =	vst.idx.msk $0xffff, v28;
	v23 =	vand.u32 $0x77, v34;
	v34 =	vor.u32 v3, v18  }
0x2e3: {  	v27 =	vand.u32 $0x7B, v44;
	v25 =	vmul.f32 $8.000000000e+00, v45;
	v18 =	vld [tilespmem:s0+$0x130];
	[tilespmem:v17+s23+$0x0] =	vst.idx.msk $0xffff, v24;
	v17 =	vor.u32 v3, v15  }
0x2e4: {  	v29 =	vand.u32 $0x76, v39;
	v12 =	vor.u32 v3, v19;
	v14 =	vld [tilespmem:s0+$0x1B0];
	[tilespmem:v11+s23+$0x0] =	vst.idx.msk $0xffff, v16;
	v15 =	vmul.f32 $8.000000000e+00, v60  }
0x2e5: {  	v10 =	vor.u32 v3, v20;
	v28 =	vand.u32 $0x75, v38;
	v19 =	vmul.f32 $8.000000000e+00, v61;
	v11 =	vld [tilespmem:s0+$0x230];
	[tilespmem:v57+s23+$0x0] =	vst.idx.msk $0xffff, v25  }
0x2e6: {  	s1 =	simm.s32 $0x20;
	s13 =	simm.s32 $0x1F;
	v25 =	vand.u32 $0x7A, v41;
	v20 =	vmul.f32 $8.000000000e+00, v63;
	v24 =	vand.u32 $0x79, v53;
	[tilespmem:v62+s23+$0x0] =	vst.idx.msk $0xffff, v15;
	v15 =	vld [tilespmem:s0+$0x2B0]  }
.LBB2_13:
0x2e7: {  	p0 =	slt.u32 s1, $0x70;
	v16 =	vmov s13;
	[tilespmem:v34+s23+$0x0] =	vst.idx.msk $0xffff, v19;
	v19 =	vmul.f32 $8.000000000e+00, v35;
	v6 =	vor.u32 v3, v6;
	v35 =	vld [tilespmem:s0+$0x330]  }
0x2e8: {  	v5 =	vor.u32 v3, v5;
	v16 =	vand.u32 $0x7F, v16;
	v36 =	vld [tilespmem:s0+$0xFFFFFC30];
	[tilespmem:v17+s23+$0x0] =	vst.idx.msk $0xffff, v20;
	v17 =	vmul.f32 $8.000000000e+00, v18;
	s0 =	sadd.s32 $0x800, s0  }
0x2e9: {  	v7 =	vor.u32 v3, v7;
	v18 =	vld [tilespmem:s0+$0x380];
	v34 =	vbroadcast v16, $0x0;
	[tilespmem:v12+s23+$0x0] =	vst.idx.msk $0xffff, v19;
	v12 =	vmul.f32 $8.000000000e+00, v14  }
0x2ea: {  	v22 =	vand.u32 $0x7C, v22;
	v16 =	vor.u32 v3, v4;
	v4 =	vmovc v8;
	v14 =	vld [tilespmem:s0+$0xFFFFFC00];
	[tilespmem:v10+s23+$0x0] =	vst.idx.msk $0xffff, v17;
	v11 =	vmul.f32 $8.000000000e+00, v11  }
0x2eb: {  	v10 =	vbroadcast v33, $0x0;
	v8 =	vld [tilespmem:s0+$0xFFFFFC80];
	v17 =	vor.u32 v0, v34;
	[tilespmem:v13+s23+$0x0] =	vst.idx.msk $0xffff, v12;
	v12 =	vmul.f32 $8.000000000e+00, v15  }
0x2ec: {  	v19 =	vor.u32 v0, v4;
	v15 =	vbroadcast v30, $0x0;
	v20 =	vld [tilespmem:s0+$0xFFFFFD00];
	[tilespmem:v6+s23+$0x0] =	vst.idx.msk $0xffff, v11;
	v6 =	vmul.f32 $8.000000000e+00, v35  }
0x2ed: {  	v30 =	vor.u32 v0, v10;
	v11 =	vbroadcast v31, $0x0;
	v33 =	vld [tilespmem:s0+$0xFFFFFD80];
	v31 =	vmul.f32 $8.000000000e+00, v36;
	[tilespmem:v5+s23+$0x0] =	vst.idx.msk $0xffff, v12  }
0x2ee: {  	v5 =	vor.u32 v0, v15;
	v12 =	vbroadcast v32, $0x0;
	v35 =	vld [tilespmem:s0+$0xFFFFFE00];
	v18 =	vmul.f32 $8.000000000e+00, v18;
	[tilespmem:v7+s23+$0x0] =	vst.idx.msk $0xffff, v6  }
0x2ef: {  	v13 =	vbroadcast v28, $0x0;
	v7 =	vor.u32 v0, v11;
	v6 =	vmul.f32 $8.000000000e+00, v14;
	v32 =	vld [tilespmem:s0+$0xFFFFFE80];
	[tilespmem:v16+s23+$0x0] =	vst.idx.msk $0xffff, v31  }
0x2f0: {  	v16 =	vor.u32 v0, v12;
	v14 =	vbroadcast v29, $0x0;
	v8 =	vmul.f32 $8.000000000e+00, v8;
	v28 =	vld [tilespmem:s0+$0xFFFFFF00];
	[tilespmem:v17+s23+$0x0] =	vst.idx.msk $0xffff, v18  }
0x2f1: {  	v21 =	vand.u32 $0x7D, v21;
	v29 =	vor.u32 v0, v13;
	[tilespmem:v19+s23+$0x0] =	vst.idx.msk $0xffff, v6;
	v6 =	vmul.f32 $8.000000000e+00, v20;
	v31 =	vld [tilespmem:s0+$0x390]  }
0x2f2: {  	v18 =	vbroadcast v23, $0x0;
	[tilespmem:v30+s23+$0x0] =	vst.idx.msk $0xffff, v8;
	v8 =	vmul.f32 $8.000000000e+00, v33;
	v30 =	vor.u32 v0, v14;
	v33 =	vld [tilespmem:s0+$0xFFFFFF80]  }
0x2f3: {  	v17 =	vbroadcast v26, $0x0;
	v26 =	vor.u32 v1, v34;
	[tilespmem:v5+s23+$0x0] =	vst.idx.msk $0xffff, v6;
	v5 =	vmul.f32 $8.000000000e+00, v35;
	v23 =	vld [tilespmem:s0+$0x0]  }
0x2f4: {  	v19 =	vbroadcast v24, $0x0;
	[tilespmem:v7+s23+$0x0] =	vst.idx.msk $0xffff, v8;
	v6 =	vmul.f32 $8.000000000e+00, v32;
	v7 =	vor.u32 v0, v18;
	v8 =	vld [tilespmem:s0+$0x80]  }
0x2f5: {  	v20 =	vbroadcast v25, $0x0;
	v24 =	vor.u32 v0, v17;
	[tilespmem:v16+s23+$0x0] =	vst.idx.msk $0xffff, v5;
	v5 =	vmul.f32 $8.000000000e+00, v28;
	v28 =	vld [tilespmem:s0+$0x100]  }
0x2f6: {  	v25 =	vor.u32 v0, v19;
	v16 =	vbroadcast v27, $0x0;
	[tilespmem:v29+s23+$0x0] =	vst.idx.msk $0xffff, v6;
	v29 =	vld [tilespmem:s0+$0x180];
	v27 =	vmul.f32 $8.000000000e+00, v31  }
0x2f7: {  	v31 =	vor.u32 v0, v20;
	v6 =	vbroadcast v22, $0x0;
	[tilespmem:v30+s23+$0x0] =	vst.idx.msk $0xffff, v5;
	v30 =	vmul.f32 $8.000000000e+00, v33;
	v32 =	vld [tilespmem:s0+$0x200]  }
0x2f8: {  	v5 =	vbroadcast v21, $0x0;
	v22 =	vmul.f32 $8.000000000e+00, v23;
	v23 =	vor.u32 v0, v16;
	v33 =	vld [tilespmem:s0+$0x280];
	[tilespmem:v26+s23+$0x0] =	vst.idx.msk $0xffff, v27  }
0x2f9: {  	v21 =	vor.u32 v0, v6;
	[tilespmem:v7+s23+$0x0] =	vst.idx.msk $0xffff, v30;
	v8 =	vmul.f32 $8.000000000e+00, v8;
	v7 =	vand.u32 $0x7E, v9;
	v9 =	vld [tilespmem:s0+$0x3A0]  }
0x2fa: {  	[tilespmem:v24+s23+$0x0] =	vst.idx.msk $0xffff, v22;
	v22 =	vmul.f32 $8.000000000e+00, v28;
	v24 =	vor.u32 v0, v5;
	v26 =	vld [tilespmem:s0+$0x300];
	v7 =	vbroadcast v7, $0x0  }
0x2fb: {  	v27 =	vld [tilespmem:s0+$0xFFFFFC90];
	[tilespmem:v25+s23+$0x0] =	vst.idx.msk $0xffff, v8;
	v8 =	vmul.f32 $8.000000000e+00, v29;
	v25 =	vor.u32 v2, v34  }
0x2fc: {  	v28 =	vld [tilespmem:s0+$0xFFFFFD10];
	[tilespmem:v31+s23+$0x0] =	vst.idx.msk $0xffff, v22;
	v22 =	vmul.f32 $8.000000000e+00, v32;
	v29 =	vor.u32 v0, v7  }
0x2fd: {  	v30 =	vor.u32 v1, v10;
	v31 =	vld [tilespmem:s0+$0xFFFFFD90];
	[tilespmem:v23+s23+$0x0] =	vst.idx.msk $0xffff, v8;
	v8 =	vmul.f32 $8.000000000e+00, v33  }
0x2fe: {  	v23 =	vor.u32 v1, v15;
	v32 =	vld [tilespmem:s0+$0xFFFFFE10];
	[tilespmem:v21+s23+$0x0] =	vst.idx.msk $0xffff, v22;
	v9 =	vmul.f32 $8.000000000e+00, v9  }
0x2ff: {  	v21 =	vor.u32 v1, v11;
	v22 =	vld [tilespmem:s0+$0xFFFFFE90];
	[tilespmem:v24+s23+$0x0] =	vst.idx.msk $0xffff, v8;
	v8 =	vmul.f32 $8.000000000e+00, v26  }
0x300: {  	v26 =	vor.u32 v1, v12;
	v24 =	vmul.f32 $8.000000000e+00, v27;
	v27 =	vld [tilespmem:s0+$0xFFFFFF10];
	[tilespmem:v25+s23+$0x0] =	vst.idx.msk $0xffff, v9  }
0x301: {  	v25 =	vor.u32 v1, v13;
	v9 =	vmul.f32 $8.000000000e+00, v28;
	[tilespmem:v29+s23+$0x0] =	vst.idx.msk $0xffff, v8;
	v8 =	vld [tilespmem:s0+$0x3B0]  }
0x302: {  	v28 =	vor.u32 v1, v14;
	[tilespmem:v30+s23+$0x0] =	vst.idx.msk $0xffff, v24;
	v24 =	vmul.f32 $8.000000000e+00, v31;
	v29 =	vld [tilespmem:s0+$0xFFFFFF90]  }
0x303: {  	v30 =	vor.u32 v3, v34;
	[tilespmem:v23+s23+$0x0] =	vst.idx.msk $0xffff, v9;
	v9 =	vmul.f32 $8.000000000e+00, v32;
	v23 =	vld [tilespmem:s0+$0x10]  }
0x304: {  	[tilespmem:v21+s23+$0x0] =	vst.idx.msk $0xffff, v24;
	v21 =	vmul.f32 $8.000000000e+00, v22;
	v22 =	vor.u32 v1, v18;
	v24 =	vld [tilespmem:s0+$0x90]  }
0x305: {  	[tilespmem:v26+s23+$0x0] =	vst.idx.msk $0xffff, v9;
	v9 =	vmul.f32 $8.000000000e+00, v27;
	v26 =	vor.u32 v1, v17;
	v27 =	vld [tilespmem:s0+$0x110]  }
0x306: {  	[tilespmem:v25+s23+$0x0] =	vst.idx.msk $0xffff, v21;
	v21 =	vor.u32 v1, v19;
	v25 =	vld [tilespmem:s0+$0x190];
	v8 =	vmul.f32 $8.000000000e+00, v8  }
0x307: {  	[tilespmem:v28+s23+$0x0] =	vst.idx.msk $0xffff, v9;
	v9 =	vmul.f32 $8.000000000e+00, v29;
	v28 =	vor.u32 v1, v20;
	v29 =	vld [tilespmem:s0+$0x210]  }
0x308: {  	v31 =	vor.u32 v1, v16;
	v23 =	vmul.f32 $8.000000000e+00, v23;
	v32 =	vld [tilespmem:s0+$0x290];
	[tilespmem:v30+s23+$0x0] =	vst.idx.msk $0xffff, v8  }
0x309: {  	[tilespmem:v22+s23+$0x0] =	vst.idx.msk $0xffff, v9;
	v8 =	vmul.f32 $8.000000000e+00, v24;
	v9 =	vor.u32 v1, v6;
	v22 =	vld [tilespmem:s0+$0x310]  }
0x30a: {  	v24 =	vld [tilespmem:s0+$0xFFFFFC10];
	[tilespmem:v26+s23+$0x0] =	vst.idx.msk $0xffff, v23;
	v23 =	vmul.f32 $8.000000000e+00, v27;
	v26 =	vor.u32 v1, v5  }
0x30b: {  	v27 =	vmov s1;
	v30 =	vld [tilespmem:s0+$0xFFFFFCA0];
	[tilespmem:v21+s23+$0x0] =	vst.idx.msk $0xffff, v8;
	v8 =	vmul.f32 $8.000000000e+00, v25;
	v21 =	vor.u32 v1, v7  }
0x30c: {  	s13 =	sadd.s32 $0x1, s1;
	v25 =	vand.u32 $0x70, v27;
	v27 =	vor.u32 v1, v4;
	v33 =	vld [tilespmem:s0+$0xFFFFFD20];
	[tilespmem:v28+s23+$0x0] =	vst.idx.msk $0xffff, v23;
	v23 =	vmul.f32 $8.000000000e+00, v29  }
0x30d: {  	v28 =	vmov s13;
	s13 =	sadd.s32 $0x2, s1;
	v29 =	vor.u32 v2, v10;
	v34 =	vld [tilespmem:s0+$0xFFFFFDA0];
	[tilespmem:v31+s23+$0x0] =	vst.idx.msk $0xffff, v8;
	v8 =	vmul.f32 $8.000000000e+00, v32  }
0x30e: {  	v31 =	vmov s13;
	s13 =	sadd.s32 $0x3, s1;
	v32 =	vor.u32 v2, v15;
	v35 =	vld [tilespmem:s0+$0xFFFFFE20];
	[tilespmem:v9+s23+$0x0] =	vst.idx.msk $0xffff, v23;
	v9 =	vmul.f32 $8.000000000e+00, v22  }
0x30f: {  	v23 =	vmov s13;
	s13 =	sadd.s32 $0x4, s1;
	v22 =	vmul.f32 $8.000000000e+00, v24;
	v24 =	vor.u32 v2, v11;
	v36 =	vld [tilespmem:s0+$0xFFFFFEA0];
	[tilespmem:v26+s23+$0x0] =	vst.idx.msk $0xffff, v8  }
0x310: {  	v26 =	vmov s13;
	s13 =	sadd.s32 $0x5, s1;
	v8 =	vmul.f32 $8.000000000e+00, v30;
	v30 =	vor.u32 v2, v12;
	v37 =	vld [tilespmem:s0+$0xFFFFFF20];
	[tilespmem:v21+s23+$0x0] =	vst.idx.msk $0xffff, v9  }
0x311: {  	v38 =	vmov s13;
	s13 =	sadd.s32 $0x6, s1;
	v21 =	vor.u32 v2, v13;
	[tilespmem:v27+s23+$0x0] =	vst.idx.msk $0xffff, v22;
	v9 =	vmul.f32 $8.000000000e+00, v33;
	v22 =	vld [tilespmem:s0+$0xFFFFFFA0]  }
0x312: {  	v27 =	vmov s13;
	s13 =	sadd.s32 $0x7, s1;
	[tilespmem:v29+s23+$0x0] =	vst.idx.msk $0xffff, v8;
	v8 =	vmul.f32 $8.000000000e+00, v34;
	v29 =	vor.u32 v2, v14;
	v33 =	vld [tilespmem:s0+$0x20]  }
0x313: {  	v34 =	vmov s13;
	s13 =	sadd.s32 $0x8, s1;
	[tilespmem:v32+s23+$0x0] =	vst.idx.msk $0xffff, v9;
	v9 =	vmul.f32 $8.000000000e+00, v35;
	v32 =	vor.u32 v2, v18;
	v35 =	vld [tilespmem:s0+$0xA0]  }
0x314: {  	v39 =	vmov s13;
	s13 =	sadd.s32 $0x9, s1;
	[tilespmem:v24+s23+$0x0] =	vst.idx.msk $0xffff, v8;
	v8 =	vmul.f32 $8.000000000e+00, v36;
	v24 =	vor.u32 v2, v17;
	v36 =	vld [tilespmem:s0+$0x120]  }
0x315: {  	v40 =	vmov s13;
	s13 =	sadd.s32 $0xA, s1;
	[tilespmem:v30+s23+$0x0] =	vst.idx.msk $0xffff, v9;
	v9 =	vmul.f32 $8.000000000e+00, v37;
	v30 =	vor.u32 v2, v19;
	v37 =	vld [tilespmem:s0+$0x1A0]  }
0x316: {  	v42 =	vor.u32 v2, v20;
	v41 =	vmov s13;
	s13 =	sadd.s32 $0xB, s1;
	[tilespmem:v21+s23+$0x0] =	vst.idx.msk $0xffff, v8;
	v8 =	vmul.f32 $8.000000000e+00, v22;
	v43 =	vld [tilespmem:s0+$0x220]  }
0x317: {  	v44 =	vmov s13;
	s13 =	sadd.s32 $0xC, s1;
	[tilespmem:v29+s23+$0x0] =	vst.idx.msk $0xffff, v9;
	v9 =	vmul.f32 $8.000000000e+00, v33;
	v29 =	vor.u32 v2, v16;
	v45 =	vld [tilespmem:s0+$0x2A0]  }
0x318: {  	v22 =	vmov s13;
	s13 =	sadd.s32 $0xD, s1;
	[tilespmem:v32+s23+$0x0] =	vst.idx.msk $0xffff, v8;
	v8 =	vmul.f32 $8.000000000e+00, v35;
	v32 =	vor.u32 v2, v6;
	v35 =	vld [tilespmem:s0+$0x320]  }
0x319: {  	v21 =	vmov s13;
	s13 =	sadd.s32 $0xE, s1;
	v46 =	vld [tilespmem:s0+$0xFFFFFC20];
	[tilespmem:v24+s23+$0x0] =	vst.idx.msk $0xffff, v9;
	v24 =	vmul.f32 $8.000000000e+00, v36;
	v36 =	vor.u32 v2, v5  }
0x31a: {  	v9 =	vmov s13;
	v47 =	vld [tilespmem:s0+$0xFFFFFCB0];
	[tilespmem:v30+s23+$0x0] =	vst.idx.msk $0xffff, v8;
	v30 =	vmul.f32 $8.000000000e+00, v37;
	v37 =	vor.u32 v2, v7  }
0x31b: {  	v8 =	vbroadcast v25, $0x0;
	v25 =	vor.u32 v2, v4;
	v48 =	vld [tilespmem:s0+$0xFFFFFD30];
	[tilespmem:v42+s23+$0x0] =	vst.idx.msk $0xffff, v24;
	v24 =	vmul.f32 $8.000000000e+00, v43  }
0x31c: {  	v10 =	vor.u32 v3, v10;
	v33 =	vand.u32 $0x71, v28;
	v42 =	vld [tilespmem:s0+$0xFFFFFDB0];
	[tilespmem:v29+s23+$0x0] =	vst.idx.msk $0xffff, v30;
	v28 =	vmul.f32 $8.000000000e+00, v45  }
0x31d: {  	v15 =	vor.u32 v3, v15;
	v30 =	vand.u32 $0x72, v31;
	v43 =	vld [tilespmem:s0+$0xFFFFFE30];
	[tilespmem:v32+s23+$0x0] =	vst.idx.msk $0xffff, v24;
	v24 =	vmul.f32 $8.000000000e+00, v35  }
0x31e: {  	v11 =	vor.u32 v3, v11;
	v31 =	vand.u32 $0x73, v23;
	v23 =	vmul.f32 $8.000000000e+00, v46;
	v45 =	vld [tilespmem:s0+$0xFFFFFEB0];
	[tilespmem:v36+s23+$0x0] =	vst.idx.msk $0xffff, v28  }
0x31f: {  	v12 =	vor.u32 v3, v12;
	v32 =	vand.u32 $0x74, v26;
	v26 =	vmul.f32 $8.000000000e+00, v47;
	v36 =	vld [tilespmem:s0+$0xFFFFFF30];
	[tilespmem:v37+s23+$0x0] =	vst.idx.msk $0xffff, v24  }
0x320: {  	v13 =	vor.u32 v3, v13;
	v28 =	vand.u32 $0x75, v38;
	[tilespmem:v25+s23+$0x0] =	vst.idx.msk $0xffff, v23;
	v24 =	vmul.f32 $8.000000000e+00, v48;
	v37 =	vld [tilespmem:s0+$0xFFFFFFB0]  }
0x321: {  	v29 =	vand.u32 $0x76, v27;
	v38 =	vor.u32 v3, v14;
	[tilespmem:v10+s23+$0x0] =	vst.idx.msk $0xffff, v26;
	v10 =	vmul.f32 $8.000000000e+00, v42;
	v42 =	vld [tilespmem:s0+$0x30]  }
.Ltmp6:
0x322: {  	v23 =	vand.u32 $0x77, v34;
	v34 =	vor.u32 v3, v18;
	[tilespmem:v15+s23+$0x0] =	vst.idx.msk $0xffff, v24;
	v14 =	vmul.f32 $8.000000000e+00, v43;
	v35 =	vld [tilespmem:s0+$0xB0];
	(pc) =	sbr.rel @p0 .LBB2_13-.Ltmp6, $4  }
0x323: {  	v17 =	vor.u32 v3, v17;
	v26 =	vand.u32 $0x78, v39;
	[tilespmem:v11+s23+$0x0] =	vst.idx.msk $0xffff, v10;
	v10 =	vmul.f32 $8.000000000e+00, v45;
	v18 =	vld [tilespmem:s0+$0x130]  }
0x324: {  	v24 =	vand.u32 $0x79, v40;
	[tilespmem:v12+s23+$0x0] =	vst.idx.msk $0xffff, v14;
	v15 =	vmul.f32 $8.000000000e+00, v36;
	v12 =	vor.u32 v3, v19;
	v14 =	vld [tilespmem:s0+$0x1B0]  }
0x325: {  	v25 =	vand.u32 $0x7A, v41;
	[tilespmem:v13+s23+$0x0] =	vst.idx.msk $0xffff, v10;
	v19 =	vmul.f32 $8.000000000e+00, v37;
	v10 =	vor.u32 v3, v20;
	v11 =	vld [tilespmem:s0+$0x230]  }
0x326: {  	s13 =	sadd.s32 $0xF, s1;
	s1 =	sadd.s32 $0x10, s1;
	v27 =	vand.u32 $0x7B, v44;
	v13 =	vor.u32 v3, v16;
	[tilespmem:v38+s23+$0x0] =	vst.idx.msk $0xffff, v15;
	v20 =	vmul.f32 $8.000000000e+00, v42;
	v15 =	vld [tilespmem:s0+$0x2B0]  }
0x327: {  	_ =	sdelay $0x3  }
0x328: {  	v16 =	vmov s13;
	[tilespmem:v34+s23+$0x0] =	vst.idx.msk $0xffff, v19;
	v55 =	vmul.f32 $8.000000000e+00, v35;
	v56 =	vld [tilespmem:s0+$0x330]  }
0x329: {  	v6 =	vor.u32 v3, v6;
	v57 =	vld [tilespmem:s0+$0xFFFFFC30];
	v59 =	vor.u32 v3, v5;
	s14 =	sadd.s32 $0x800, s0;
	v61 =	vor.u32 v3, v7  }
0x32a: {  	v19 =	vand.u32 $0x7C, v22;
	v63 =	vor.u32 v3, v4;
	[tilespmem:v17+s23+$0x0] =	vst.idx.msk $0xffff, v20;
	v58 =	vmul.f32 $8.000000000e+00, v18;
	v60 =	vld [tilespmem:s14+$0x380]  }
0x32b: {  	v4 =	vbroadcast v33, $0x0;
	v40 =	vor.u32 v0, v8;
	v62 =	vld [tilespmem:s14+$0xFFFFFC00];
	[tilespmem:v12+s23+$0x0] =	vst.idx.msk $0xffff, v55;
	v5 =	vmul.f32 $8.000000000e+00, v14  }
0x32c: {  	v7 =	vbroadcast v32, $0x0;
	v16 =	vand.u32 $0x7F, v16;
	v37 =	vld [tilespmem:s14+$0xFFFFFC80];
	[tilespmem:v10+s23+$0x0] =	vst.idx.msk $0xffff, v58;
	v22 =	vmul.f32 $8.000000000e+00, v11  }
0x32d: {  	v9 =	vand.u32 $0x7E, v9;
	v47 =	vld [tilespmem:s14+$0xFFFFFE00];
	v36 =	vbroadcast v16, $0x0;
	[tilespmem:v13+s23+$0x0] =	vst.idx.msk $0xffff, v5;
	v39 =	vmul.f32 $8.000000000e+00, v15  }
0x32e: {  	v41 =	vld [tilespmem:s14+$0xFFFFFD00];
	v43 =	vor.u32 v0, v4;
	v10 =	vbroadcast v28, $0x0;
	[tilespmem:v6+s23+$0x0] =	vst.idx.msk $0xffff, v22;
	v42 =	vmul.f32 $8.000000000e+00, v56  }
0x32f: {  	v50 =	vld [tilespmem:s14+$0xFFFFFE80];
	v52 =	vor.u32 v0, v7;
	v11 =	vbroadcast v29, $0x0;
	v45 =	vmul.f32 $8.000000000e+00, v57;
	[tilespmem:v59+s23+$0x0] =	vst.idx.msk $0xffff, v39  }
0x330: {  	v53 =	vld [tilespmem:s14+$0xFFFFFF00];
	v38 =	vor.u32 v0, v36;
	v5 =	vbroadcast v30, $0x0;
	v48 =	vmul.f32 $8.000000000e+00, v62;
	[tilespmem:v61+s23+$0x0] =	vst.idx.msk $0xffff, v42  }
0x331: {  	v44 =	vld [tilespmem:s14+$0xFFFFFD80];
	v6 =	vbroadcast v31, $0x0;
	v55 =	vor.u32 v0, v10;
	v51 =	vmul.f32 $8.000000000e+00, v37;
	[tilespmem:v63+s23+$0x0] =	vst.idx.msk $0xffff, v45  }
0x332: {  	v29 =	vor.u32 v0, v11;
	v20 =	vmul.f32 $8.000000000e+00, v60;
	v59 =	vld [tilespmem:s14+$0xFFFFFF80];
	v60 =	vmul.f32 $8.000000000e+00, v47;
	[tilespmem:v40+s23+$0x0] =	vst.idx.msk $0xffff, v48  }
0x333: {  	v12 =	vbroadcast v23, $0x0;
	v46 =	vor.u32 v0, v5;
	v54 =	vmul.f32 $8.000000000e+00, v41;
	v41 =	vld [tilespmem:s14+$0x100];
	[tilespmem:v43+s23+$0x0] =	vst.idx.msk $0xffff, v51  }
0x334: {  	v15 =	vbroadcast v25, $0x0;
	v49 =	vor.u32 v0, v6;
	v61 =	vld [tilespmem:s14+$0x0];
	v63 =	vmul.f32 $8.000000000e+00, v50;
	[tilespmem:v52+s23+$0x0] =	vst.idx.msk $0xffff, v60  }
0x335: {  	v13 =	vbroadcast v26, $0x0;
	v37 =	vor.u32 v0, v12;
	v39 =	vmul.f32 $8.000000000e+00, v53;
	v43 =	vld [tilespmem:s14+$0x180];
	[tilespmem:v38+s23+$0x0] =	vst.idx.msk $0xffff, v20  }
0x336: {  	v14 =	vbroadcast v24, $0x0;
	v16 =	vbroadcast v27, $0x0;
	v45 =	vor.u32 v0, v15;
	v38 =	vld [tilespmem:s14+$0x80];
	[tilespmem:v55+s23+$0x0] =	vst.idx.msk $0xffff, v63  }
0x337: {  	v56 =	vand.u32 $0x7D, v21;
	v58 =	vmul.f32 $8.000000000e+00, v44;
	v40 =	vor.u32 v0, v13;
	v57 =	vld [tilespmem:s14+$0x390];
	[tilespmem:v29+s23+$0x0] =	vst.idx.msk $0xffff, v39  }
0x338: {  	v17 =	vbroadcast v56, $0x0;
	v42 =	vor.u32 v0, v14;
	v56 =	vld [tilespmem:s14+$0xFFFFFC90];
	[tilespmem:v46+s23+$0x0] =	vst.idx.msk $0xffff, v54;
	v44 =	vmul.f32 $8.000000000e+00, v59  }
0x339: {  	v18 =	vbroadcast v19, $0x0;
	v62 =	vor.u32 v1, v36;
	v46 =	vld [tilespmem:s14+$0x200];
	v53 =	vmul.f32 $8.000000000e+00, v41;
	[tilespmem:v49+s23+$0x0] =	vst.idx.msk $0xffff, v58  }
0x33a: {  	v9 =	vbroadcast v9, $0x0;
	v48 =	vor.u32 v0, v16;
	v55 =	vld [tilespmem:s14+$0x300];
	v47 =	vmul.f32 $8.000000000e+00, v61;
	[tilespmem:v37+s23+$0x0] =	vst.idx.msk $0xffff, v44  }
0x33b: {  	v51 =	vor.u32 v0, v18;
	v49 =	vld [tilespmem:s14+$0x280];
	[tilespmem:v45+s23+$0x0] =	vst.idx.msk $0xffff, v53;
	v50 =	vmul.f32 $8.000000000e+00, v38  }
0x33c: {  	v59 =	vld [tilespmem:s14+$0xFFFFFD10];
	v61 =	vor.u32 v0, v9;
	[tilespmem:v40+s23+$0x0] =	vst.idx.msk $0xffff, v47;
	v21 =	vmul.f32 $8.000000000e+00, v57  }
0x33d: {  	v54 =	vor.u32 v0, v17;
	v41 =	vld [tilespmem:s14+$0xFFFFFE90];
	v57 =	vmul.f32 $8.000000000e+00, v43;
	[tilespmem:v42+s23+$0x0] =	vst.idx.msk $0xffff, v50  }
0x33e: {  	v63 =	vld [tilespmem:s14+$0xFFFFFD90];
	v37 =	vor.u32 v1, v5;
	v60 =	vmul.f32 $8.000000000e+00, v46;
	[tilespmem:v62+s23+$0x0] =	vst.idx.msk $0xffff, v21  }
0x33f: {  	v45 =	vld [tilespmem:s14+$0xFFFFFF10];
	v47 =	vor.u32 v1, v10;
	v42 =	vmul.f32 $8.000000000e+00, v55;
	[tilespmem:v48+s23+$0x0] =	vst.idx.msk $0xffff, v57  }
0x340: {  	v40 =	vor.u32 v1, v6;
	v53 =	vld [tilespmem:s14+$0x10];
	v35 =	vmul.f32 $8.000000000e+00, v49;
	[tilespmem:v51+s23+$0x0] =	vst.idx.msk $0xffff, v60  }
0x341: {  	v62 =	vor.u32 v1, v4;
	v46 =	vmul.f32 $8.000000000e+00, v59;
	v57 =	vld [tilespmem:s14+$0x90];
	[tilespmem:v61+s23+$0x0] =	vst.idx.msk $0xffff, v42  }
0x342: {  	v55 =	vmul.f32 $8.000000000e+00, v41;
	v59 =	vor.u32 v1, v13;
	v52 =	vld [tilespmem:s14+$0x3A0];
	[tilespmem:v54+s23+$0x0] =	vst.idx.msk $0xffff, v35  }
0x343: {  	v38 =	vld [tilespmem:s14+$0xFFFFFE10];
	v49 =	vmul.f32 $8.000000000e+00, v63;
	v61 =	vor.u32 v1, v14;
	[tilespmem:v37+s23+$0x0] =	vst.idx.msk $0xffff, v46  }
0x344: {  	v58 =	vor.u32 v2, v36;
	v43 =	vmul.f32 $8.000000000e+00, v56;
	v51 =	vld [tilespmem:s14+$0xFFFFFF90];
	[tilespmem:v47+s23+$0x0] =	vst.idx.msk $0xffff, v55  }
0x345: {  	v44 =	vor.u32 v1, v7;
	v37 =	vld [tilespmem:s14+$0x210];
	[tilespmem:v40+s23+$0x0] =	vst.idx.msk $0xffff, v49;
	v23 =	vmul.f32 $8.000000000e+00, v53  }
0x346: {  	v56 =	vor.u32 v1, v12;
	v60 =	vld [tilespmem:s14+$0x110];
	[tilespmem:v62+s23+$0x0] =	vst.idx.msk $0xffff, v43;
	v40 =	vmul.f32 $8.000000000e+00, v57  }
0x347: {  	v41 =	vor.u32 v1, v18;
	v42 =	vld [tilespmem:s14+$0x310];
	[tilespmem:v59+s23+$0x0] =	vst.idx.msk $0xffff, v23;
	v39 =	vmul.f32 $8.000000000e+00, v52  }
0x348: {  	v50 =	vor.u32 v1, v11;
	v53 =	vld [tilespmem:s14+$0xFFFFFDA0];
	v52 =	vmul.f32 $8.000000000e+00, v38;
	[tilespmem:v61+s23+$0x0] =	vst.idx.msk $0xffff, v40  }
0x349: {  	v54 =	vor.u32 v3, v36;
	v36 =	vor.u32 v1, v15;
	v62 =	vld [tilespmem:s14+$0x190];
	v63 =	vmul.f32 $8.000000000e+00, v51;
	[tilespmem:v58+s23+$0x0] =	vst.idx.msk $0xffff, v39  }
0x34a: {  	v43 =	vld [tilespmem:s14+$0xFFFFFC10];
	v59 =	vor.u32 v2, v6;
	v51 =	vmul.f32 $8.000000000e+00, v37;
	[tilespmem:v44+s23+$0x0] =	vst.idx.msk $0xffff, v52  }
0x34b: {  	v38 =	vor.u32 v1, v16;
	v46 =	vld [tilespmem:s14+$0xFFFFFCA0];
	v58 =	vmul.f32 $8.000000000e+00, v45;
	[tilespmem:v56+s23+$0x0] =	vst.idx.msk $0xffff, v63  }
0x34c: {  	v49 =	vor.u32 v1, v8;
	v44 =	vmul.f32 $8.000000000e+00, v60;
	v60 =	vld [tilespmem:s14+$0xFFFFFEA0];
	[tilespmem:v41+s23+$0x0] =	vst.idx.msk $0xffff, v51  }
0x34d: {  	v52 =	vor.u32 v2, v4;
	v48 =	vld [tilespmem:s14+$0x3B0];
	v35 =	vmul.f32 $8.000000000e+00, v53;
	[tilespmem:v50+s23+$0x0] =	vst.idx.msk $0xffff, v58  }
0x34e: {  	v33 =	vor.u32 v2, v10;
	v56 =	vld [tilespmem:s14+$0xFFFFFE20];
	v47 =	vmul.f32 $8.000000000e+00, v62;
	[tilespmem:v36+s23+$0x0] =	vst.idx.msk $0xffff, v44  }
0x34f: {  	v50 =	vld [tilespmem:s14+$0xFFFFFD20];
	v58 =	vmul.f32 $8.000000000e+00, v43;
	[tilespmem:v59+s23+$0x0] =	vst.idx.msk $0xffff, v35  }
0x350: {  	v37 =	vld [tilespmem:s14+$0x20];
	v62 =	vor.u32 v2, v7;
	v61 =	vmul.f32 $8.000000000e+00, v46;
	[tilespmem:v38+s23+$0x0] =	vst.idx.msk $0xffff, v47  }
0x351: {  	v55 =	vor.u32 v2, v5;
	v39 =	vld [tilespmem:s14+$0x290];
	[tilespmem:v49+s23+$0x0] =	vst.idx.msk $0xffff, v58;
	v41 =	vmul.f32 $8.000000000e+00, v60  }
0x352: {  	v57 =	vmul.f32 $8.000000000e+00, v42;
	v42 =	vor.u32 v2, v13;
	v63 =	vld [tilespmem:s14+$0xFFFFFF20];
	[tilespmem:v52+s23+$0x0] =	vst.idx.msk $0xffff, v61;
	v20 =	vmul.f32 $8.000000000e+00, v48  }
0x353: {  	v45 =	vor.u32 v1, v17;
	v34 =	vld [tilespmem:s14+$0xFFFFFFA0];
	v38 =	vmul.f32 $8.000000000e+00, v56;
	[tilespmem:v33+s23+$0x0] =	vst.idx.msk $0xffff, v41  }
0x354: {  	v36 =	vor.u32 v2, v11;
	v46 =	vld [tilespmem:s14+$0x1A0];
	v30 =	vmul.f32 $8.000000000e+00, v50;
	[tilespmem:v54+s23+$0x0] =	vst.idx.msk $0xffff, v20  }
0x355: {  	v43 =	vld [tilespmem:s14+$0x120];
	v48 =	vor.u32 v1, v9;
	v50 =	vmul.f32 $8.000000000e+00, v37;
	[tilespmem:v62+s23+$0x0] =	vst.idx.msk $0xffff, v38  }
0x356: {  	v51 =	vor.u32 v2, v16;
	v56 =	vld [tilespmem:s14+$0xFFFFFC20];
	v54 =	vmul.f32 $8.000000000e+00, v39;
	[tilespmem:v55+s23+$0x0] =	vst.idx.msk $0xffff, v30  }
0x357: {  	v59 =	vld [tilespmem:s14+$0xFFFFFCB0];
	v39 =	vor.u32 v2, v12;
	v44 =	vmul.f32 $8.000000000e+00, v63;
	[tilespmem:v42+s23+$0x0] =	vst.idx.msk $0xffff, v50  }
0x358: {  	v40 =	vld [tilespmem:s14+$0xA0];
	v62 =	vor.u32 v2, v8;
	[tilespmem:v45+s23+$0x0] =	vst.idx.msk $0xffff, v54  }
0x359: {  	v4 =	vor.u32 v3, v4;
	v49 =	vld [tilespmem:s14+$0x220];
	[tilespmem:v36+s23+$0x0] =	vst.idx.msk $0xffff, v44;
	v60 =	vmul.f32 $8.000000000e+00, v46  }
0x35a: {  	v47 =	vmul.f32 $8.000000000e+00, v34;
	v37 =	vld [tilespmem:s14+$0xFFFFFDB0];
	v45 =	vor.u32 v2, v14;
	[tilespmem:v48+s23+$0x0] =	vst.idx.msk $0xffff, v57  }
0x35b: {  	v54 =	vor.u32 v2, v18;
	v41 =	vmul.f32 $8.000000000e+00, v56;
	[tilespmem:v51+s23+$0x0] =	vst.idx.msk $0xffff, v60  }
0x35c: {  	v6 =	vor.u32 v3, v6;
	v63 =	vld [tilespmem:s14+$0xFFFFFD30];
	v57 =	vmul.f32 $8.000000000e+00, v43;
	v43 =	vmul.f32 $8.000000000e+00, v59;
	[tilespmem:v39+s23+$0x0] =	vst.idx.msk $0xffff, v47  }
0x35d: {  	v53 =	vmul.f32 $8.000000000e+00, v40;
	v42 =	vld [tilespmem:s14+$0xFFFFFEB0];
	v48 =	vor.u32 v2, v15;
	[tilespmem:v62+s23+$0x0] =	vst.idx.msk $0xffff, v41  }
0x35e: {  	v5 =	vor.u32 v3, v5;
	v36 =	vmul.f32 $8.000000000e+00, v49;
	v52 =	vld [tilespmem:s14+$0x2A0];
	[tilespmem:v4+s23+$0x0] =	vst.idx.msk $0xffff, v43  }
0x35f: {  	v10 =	vor.u32 v3, v10;
	v55 =	vld [tilespmem:s14+$0x320];
	v4 =	vmul.f32 $8.000000000e+00, v37;
	[tilespmem:v45+s23+$0x0] =	vst.idx.msk $0xffff, v53  }
0x360: {  	v58 =	vor.u32 v2, v17;
	v39 =	vld [tilespmem:s14+$0xFFFFFE30];
	[tilespmem:v54+s23+$0x0] =	vst.idx.msk $0xffff, v36  }
0x361: {  	v61 =	vor.u32 v2, v9;
	v46 =	vld [tilespmem:s14+$0xFFFFFFB0];
	v45 =	vmul.f32 $8.000000000e+00, v63;
	[tilespmem:v6+s23+$0x0] =	vst.idx.msk $0xffff, v4  }
0x362: {  	v7 =	vor.u32 v3, v7;
	v44 =	vld [tilespmem:s14+$0xFFFFFF30];
	v4 =	vmul.f32 $8.000000000e+00, v42;
	[tilespmem:v48+s23+$0x0] =	vst.idx.msk $0xffff, v57  }
0x363: {  	v12 =	vor.u32 v3, v12;
	v59 =	vld [tilespmem:s14+$0xFFFFFC30];
	v38 =	vmul.f32 $8.000000000e+00, v52;
	[tilespmem:v5+s23+$0x0] =	vst.idx.msk $0xffff, v45  }
0x364: {  	v11 =	vor.u32 v3, v11;
	v47 =	vld [tilespmem:s14+$0x30];
	v40 =	vmul.f32 $8.000000000e+00, v55;
	[tilespmem:v10+s23+$0x0] =	vst.idx.msk $0xffff, v4  }
0x365: {  	v62 =	vor.u32 v3, v8;
	v48 =	vld [tilespmem:s14+$0xB0];
	[tilespmem:v58+s23+$0x0] =	vst.idx.msk $0xffff, v38;
	v5 =	vmul.f32 $8.000000000e+00, v39  }
0x366: {  	v49 =	vor.u32 v3, v13;
	v50 =	vld [tilespmem:s14+$0x130];
	[tilespmem:v61+s23+$0x0] =	vst.idx.msk $0xffff, v40;
	v4 =	vmul.f32 $8.000000000e+00, v46  }
0x367: {  	v51 =	vor.u32 v3, v14;
	v52 =	vld [tilespmem:s14+$0x1B0];
	[tilespmem:v7+s23+$0x0] =	vst.idx.msk $0xffff, v5;
	v5 =	vmul.f32 $8.000000000e+00, v44  }
0x368: {  	v53 =	vor.u32 v3, v15;
	v54 =	vld [tilespmem:s14+$0x230];
	v63 =	vmul.f32 $8.000000000e+00, v59;
	[tilespmem:v12+s23+$0x0] =	vst.idx.msk $0xffff, v4  }
0x369: {  	v55 =	vor.u32 v3, v16;
	v56 =	vld [tilespmem:s14+$0x2B0];
	[tilespmem:v11+s23+$0x0] =	vst.idx.msk $0xffff, v5;
	v5 =	vmul.f32 $8.000000000e+00, v47  }
0x36a: {  	v57 =	vor.u32 v3, v18;
	v58 =	vld [tilespmem:s14+$0x330];
	v4 =	vmul.f32 $8.000000000e+00, v48;
	[tilespmem:v62+s23+$0x0] =	vst.idx.msk $0xffff, v63  }
0x36b: {  	v60 =	vor.u32 v3, v17;
	[tilespmem:v49+s23+$0x0] =	vst.idx.msk $0xffff, v5;
	v5 =	vmul.f32 $8.000000000e+00, v50  }
0x36c: {  	s29 =	sadd.s32 $0x1, s29;
	v61 =	vor.u32 v3, v9;
	[tilespmem:v51+s23+$0x0] =	vst.idx.msk $0xffff, v4;
	v4 =	vmul.f32 $8.000000000e+00, v52  }
0x36d: {  	p0 =	sne.s32 s29, $0x32;
	[tilespmem:v53+s23+$0x0] =	vst.idx.msk $0xffff, v5;
	v5 =	vmul.f32 $8.000000000e+00, v54  }
.Ltmp7:
0x36e: {  	s31 =	sshll.u32 s30, $0x12;
	[tilespmem:v55+s23+$0x0] =	vst.idx.msk $0xffff, v4;
	v4 =	vmul.f32 $8.000000000e+00, v56;
	(pc) =	sbr.rel @p0 .LBB2_2-.Ltmp7, $4  }
0x36f: {  	s0 =	sor.u32 s6, s31;
	[tilespmem:v57+s23+$0x0] =	vst.idx.msk $0xffff, v5;
	v5 =	vmul.f32 $8.000000000e+00, v58  }
0x370: {  	s0 =	sshrl.u32 s0, $0x3;
	[tilespmem:v60+s23+$0x0] =	vst.idx.msk $0xffff, v4  }
0x371: {  	s0 =	sadd.s32 s2, s0;
	[tilespmem:v61+s23+$0x0] =	vst.idx.msk $0xffff, v5  }
0x372: {  	[hbm4b:s0+s19] =	stream.strided.scatter [tilespmem:s23], [sflag:$0x6], $0x2000, s20, s19, $0x38;
	[tilespmem:$0x1A400] =	vst v63  }
0x373: {  	s28 =	sadd.s32 $0x1, s28  }
0x374: {  	_ =	swait.ge [sflag:s25], $0x2000;
	p0 =	sne.s32 s28, s9  }
.Ltmp8:
0x375: {  	[sflag:s25] =	ssyncset.done $0x0;
	(pc) =	sbr.rel @p0 .LBB2_1-.Ltmp8, $4  }
0x376: {  	[sflag:s25] =	ssyncadd.s32 $0xFFFFE000  }
0x377: {  	_ =	swait.ge [sflag:s22], $0x2000  }
0x378: {  	[sflag:s22] =	ssyncset.done $0x0  }
0x379: {  	[sflag:s22] =	ssyncadd.s32 $0xFFFFE000  }
0x37a: {  	_ =	sfence.sel $0x180000  }
0x37b: {  	[bflag:$0x0] =	sbarrier.arrive $0xFFFF  }
0x37c: {  	_ =	strace $0x90000047  }
0x37d: {  	s0 =	stileid.u32;
	[bflag:$0x2] =	sbarrier.arrive $0xFFFF  }
0x37e: {  	p0 =	sne.s32 s0, $0x0;
	s0 =	rddreg [dreg:$0x2]  }
0x37f: {  	s0 =	sadd.s32 @!p0 $0x100000, s0  }
0x380: {  	[sflag:s0] =	ssyncadd.tile.s32 @!p0 $0x1;
	_ =	shalt  }
.Lfunc_end2:
_tile_overlayer_lowered:
.L_overlay_start_2:
0x381: {  	(tag) =	ssettag $0x2  }
0x382: {  	s0 =	rddreg [dreg:$0x0];
	s2 =	stileid.u32  }
0x383: {  	s1 =	rddreg [dreg:$0x1];
	p0 =	sne.s32 s2, $0x0  }
0x384: {  	s3 =	rddreg [dreg:$0x2];
	[bflag:$0x3] =	sbarrier.arrive $0xFFFF;
	s2 =	simm.s32 @!p0 $0x1C07  }
0x385: {  	[timem:s3], [sflag:s2] =	dma.local @!p0 [hbm:s0], s1  }
0x386: {  	s0 =	simm.s32 @!p0 $0x7  }
0x387: {  	_ =	swait.ge @!p0 [sflag:s0], s1  }
0x388: {  	s1 =	ssub.s32 @!p0 $0x0, s1;
	[sflag:s0] =	ssyncset.done @!p0 $0x0  }
0x389: {  	[sflag:s0] =	ssyncadd.s32 @!p0 s1  }
0x38a: {  	[bflag:$0x3] =	sbarrier.arrive $0xFFFF  }
0x38b: {  	_ =	shalt  }

</sc_bundles>
